<compile_context>
chip_gen: v7x
topology: tpu7x:2x2x1
jax: 0.10.2.dev20260603
libtpu: 0.0.44.dev20260713+nightly
codegen_flags: <defaults>
</compile_context>

<pallas_src>
import functools

import jax
import jax.numpy as jnp
from jax import lax
from jax.experimental import pallas as pl
from jax.experimental.pallas import tpu as pltpu
from jax.experimental.pallas import tpu_sc as plsc

GX, GY, GZ = 512, 512, 10
VX, VY, VZ = 0.2, 0.2, 0.8
XMIN, YMIN, ZMIN = -51.2, -51.2, -5.0
K = 40000
NP = 300000
NV = GX * GY * GZ
NPP = 300032
CAP = 32
ROWS = NV // 128
CHUNK_ROWS = 16
NCHUNK = ROWS // CHUNK_ROWS
PROG_ROWS = 1024
NPROG = ROWS // PROG_ROWS
CPP = PROG_ROWS // CHUNK_ROWS
KPAD = 40960
KVOX = 40968
KACC = 41088

NSC = 2
NSUB = 16
NW = NSC * NSUB
PPT = NPP // NW
PPS = NPP // NSUB
HALF = NV // 2
HTAB = HALF + 8
HSTR = HALF // NSUB
ASTR = KACC // NSUB
_SC_MESH = plsc.VectorSubcoreMesh(core_axis_name="c", subcore_axis_name="s")


K1_PASS = 4
K1_CH = PPS // K1_PASS


def _sc_counts_body(ids_hbm, ones_hbm, zeros_hbm, out_hbm,
                    ids_v, idx_v, ones_v, shared, sem):
    c = lax.axis_index("c")
    s = lax.axis_index("s")
    pltpu.sync_copy(zeros_hbm, shared.at[pl.ds(s * HSTR, HSTR)])
    pltpu.sync_copy(ones_hbm, ones_v)
    lo = c * HALF
    plsc.subcore_barrier()
    for p in range(K1_PASS):
        pltpu.sync_copy(ids_hbm.at[pl.ds(s * PPS + p * K1_CH, K1_CH)], ids_v)

        def body(i, _):
            idsv = ids_v[pl.ds(i * 16, 16)]
            inhalf = (idsv >= lo) & (idsv < lo + HALF)
            idx_v[pl.ds(i * 16, 16)] = jnp.where(inhalf, idsv - lo, HALF)
            return 0

        lax.fori_loop(0, K1_CH // 16, body, 0)
        pltpu.sync_copy(ones_v, shared.at[idx_v], add=True)
    plsc.subcore_barrier()
    pltpu.sync_copy(shared.at[pl.ds(s * HSTR, HSTR)],
                    out_hbm.at[pl.ds(c * HALF + s * HSTR, HSTR)])


@functools.partial(
    pl.kernel, mesh=_SC_MESH,
    out_type=jax.ShapeDtypeStruct((NV,), jnp.float32),
    scratch_types=[
        pltpu.VMEM((K1_CH,), jnp.int32),
        pltpu.VMEM((K1_CH,), jnp.int32),
        pltpu.VMEM((K1_CH,), jnp.float32),
        pltpu.VMEM_SHARED((HTAB,), jnp.float32),
        pltpu.SemaphoreType.DMA,
    ],
)
def _sc_counts(*args):
    _sc_counts_body(*args)


def _sc_accum_body(featst_hbm, ids_hbm, tab_hbm, zeros_hbm, out_hbm,
                   ids_v, slots_v, feat_v, shared, sem):
    c = lax.axis_index("c")
    s = lax.axis_index("s")
    w = s * NSC + c
    for f in range(8):
        pltpu.sync_copy(zeros_hbm, shared.at[f, pl.ds(s * ASTR, ASTR)])
    pltpu.sync_copy(ids_hbm.at[pl.ds(w * PPT, PPT)], ids_v)
    pltpu.async_copy(tab_hbm.at[ids_v], slots_v, sem).wait()
    plsc.subcore_barrier()
    pltpu.sync_copy(featst_hbm.at[:, pl.ds(w * PPT, PPT)], feat_v)
    copies = [pltpu.async_copy(feat_v.at[f], shared.at[f].at[slots_v],
                               sem, add=True) for f in range(8)]
    for cp in copies:
        cp.wait()
    plsc.subcore_barrier()
    for f in range(8):
        pltpu.sync_copy(shared.at[f, pl.ds(s * ASTR, ASTR)],
                        out_hbm.at[c, f, pl.ds(s * ASTR, ASTR)])


@functools.partial(
    pl.kernel, mesh=_SC_MESH,
    compiler_params=pltpu.CompilerParams(use_tc_tiling_on_sc=False),
    out_type=jax.ShapeDtypeStruct((NSC, 8, KACC), jnp.float32),
    scratch_types=[
        pltpu.VMEM((PPT,), jnp.int32),
        pltpu.VMEM((PPT,), jnp.int32),
        pltpu.VMEM((8, PPT), jnp.float32),
        pltpu.VMEM_SHARED((8, KACC), jnp.float32),
        pltpu.SemaphoreType.DMA,
    ],
)
def _sc_accum(*args):
    _sc_accum_body(*args)


def _k0_body(pts_ref, out_ref, hi_ref, lo_ref):
    i = pl.program_id(0)
    x = pts_ref[0:1, :]
    y = pts_ref[1:2, :]
    z = pts_ref[2:3, :]
    cx = jnp.floor((x - XMIN) / VX).astype(jnp.int32)
    cy = jnp.floor((y - YMIN) / VY).astype(jnp.int32)
    cz = jnp.floor((z - ZMIN) / VZ).astype(jnp.int32)
    valid = ((cx >= 0) & (cx < GX) & (cy >= 0) & (cy < GY)
             & (cz >= 0) & (cz < GZ))
    gidx = i * (NPP // 8) + jax.lax.broadcasted_iota(jnp.int32, x.shape, 1)
    valid = valid & (gidx < NP)
    flat = jnp.where(valid, cz * (GX * GY) + cy * GX + cx, NV)
    out_ref[...] = flat
    hi_ref[...] = (flat // 2048).astype(jnp.float32)
    lo_ref[...] = (flat % 2048).astype(jnp.float32)


def _flat_ids(points):
    pts_pad = jnp.zeros((NPP, 5), jnp.float32).at[:NP].set(points)
    pts_t = pts_pad.T
    ids2d = pl.pallas_call(
        _k0_body,
        grid=(8,),
        in_specs=[pl.BlockSpec((5, NPP // 8), lambda i: (0, i))],
        out_specs=[pl.BlockSpec((1, NPP // 8), lambda i: (0, i))] * 3,
        out_shape=[jax.ShapeDtypeStruct((1, NPP), jnp.int32),
                   jax.ShapeDtypeStruct((1, NPP), jnp.float32),
                   jax.ShapeDtypeStruct((1, NPP), jnp.float32)],
    )(pts_t)
    ids2d, hi2d, lo2d = ids2d
    return ids2d.reshape(NPP), hi2d, lo2d


def _k2_body(cnt_ref, hist_ref):
    v = jnp.minimum(cnt_ref[...].astype(jnp.int32), CAP - 1)
    cols = [jnp.sum((v == b).astype(jnp.float32), axis=1, keepdims=True)
            for b in range(CAP)]
    h = jnp.concatenate(cols, axis=1)
    r = jax.lax.broadcasted_iota(jnp.int32, (CPP, PROG_ROWS), 1)
    g = jax.lax.broadcasted_iota(jnp.int32, (CPP, PROG_ROWS), 0)
    sel = (r // CHUNK_ROWS == g).astype(jnp.float32)
    hist_ref[...] = jnp.dot(sel, h, preferred_element_type=jnp.float32,
                 precision=jax.lax.Precision.HIGHEST)


def _k3_body(hist_ref, comb_ref):
    h = hist_ref[...]
    i0 = jax.lax.broadcasted_iota(jnp.int32, (NCHUNK, NCHUNK), 0)
    i1 = jax.lax.broadcasted_iota(jnp.int32, (NCHUNK, NCHUNK), 1)
    lower = (i1 < i0).astype(jnp.float32)
    excl = jnp.dot(lower, h, preferred_element_type=jnp.float32,
                 precision=jax.lax.Precision.HIGHEST)
    total = jnp.sum(h, axis=0, keepdims=True)
    b0 = jax.lax.broadcasted_iota(jnp.int32, (CAP, CAP), 0)
    b1 = jax.lax.broadcasted_iota(jnp.int32, (CAP, CAP), 1)
    gt = (b0 > b1).astype(jnp.float32)
    ng = jnp.dot(total, gt, preferred_element_type=jnp.float32,
                 precision=jax.lax.Precision.HIGHEST)
    comb_ref[...] = excl + ng


def _k4_body(cnt_ref, comb_ref, pos_ref):
    v = jnp.minimum(cnt_ref[...].astype(jnp.int32), CAP - 1)
    cols = [jnp.sum((v == b).astype(jnp.float32), axis=1, keepdims=True)
            for b in range(CAP)]
    h = jnp.concatenate(cols, axis=1)
    r0 = jax.lax.broadcasted_iota(jnp.int32, (PROG_ROWS, PROG_ROWS), 0)
    r1 = jax.lax.broadcasted_iota(jnp.int32, (PROG_ROWS, PROG_ROWS), 1)
    bd = ((r0 // CHUNK_ROWS == r1 // CHUNK_ROWS)
          & (r1 < r0)).astype(jnp.float32)
    base32 = jnp.dot(bd, h, preferred_element_type=jnp.float32,
                 precision=jax.lax.Precision.HIGHEST)
    rr = jax.lax.broadcasted_iota(jnp.int32, (PROG_ROWS, CPP), 0)
    gg = jax.lax.broadcasted_iota(jnp.int32, (PROG_ROWS, CPP), 1)
    rep = (rr // CHUNK_ROWS == gg).astype(jnp.float32)
    base32 = base32 + jnp.dot(rep, comb_ref[...],
                              preferred_element_type=jnp.float32,
                 precision=jax.lax.Precision.HIGHEST)
    l0 = jax.lax.broadcasted_iota(jnp.int32, (128, 128), 0)
    l1 = jax.lax.broadcasted_iota(jnp.int32, (128, 128), 1)
    u = (l0 < l1).astype(jnp.float32)
    posf = jnp.zeros(v.shape, jnp.float32)
    for b in range(CAP):
        eqb = (v == b).astype(jnp.float32)
        lane_excl = jnp.dot(eqb, u, preferred_element_type=jnp.float32,
                 precision=jax.lax.Precision.HIGHEST)
        posf = posf + eqb * (lane_excl + base32[:, b:b + 1])
    pos_ref[...] = jnp.minimum(posf, float(KPAD)).astype(jnp.int32)


def _positions(counts2d):
    hists = pl.pallas_call(
        _k2_body,
        grid=(NPROG,),
        in_specs=[pl.BlockSpec((PROG_ROWS, 128), lambda i: (i, 0))],
        out_specs=pl.BlockSpec((CPP, CAP), lambda i: (i, 0)),
        out_shape=jax.ShapeDtypeStruct((NCHUNK, CAP), jnp.float32),
    )(counts2d)
    comb = pl.pallas_call(
        _k3_body,
        out_shape=jax.ShapeDtypeStruct((NCHUNK, CAP), jnp.float32),
    )(hists)
    pos2d = pl.pallas_call(
        _k4_body,
        grid=(NPROG,),
        in_specs=[pl.BlockSpec((PROG_ROWS, 128), lambda i: (i, 0)),
                  pl.BlockSpec((CPP, CAP), lambda i: (i, 0))],
        out_specs=pl.BlockSpec((PROG_ROWS, 128), lambda i: (i, 0)),
        out_shape=jax.ShapeDtypeStruct((ROWS, 128), jnp.int32),
    )(counts2d, comb)
    return pos2d


def _k7_body(a0_ref, a1_ref, out_ref):
    s = a0_ref[...] + a1_ref[...]
    cnt = s[5:6, :]
    safe = jnp.maximum(cnt, 1.0)
    feats = s[0:5, :] / safe
    feats = feats * (cnt > 0).astype(jnp.float32)
    vox = (s[6:7, :] / safe).astype(jnp.int32) * 2048 \
        + (s[7:8, :] / safe).astype(jnp.int32)
    zc = vox // (GX * GY)
    rem = vox - zc * (GX * GY)
    yc = rem // GX
    xc = rem - yc * GX
    coords = jnp.concatenate([zc, yc, xc], axis=0).astype(jnp.float32)
    pad = jnp.zeros((7, s.shape[1]), jnp.float32)
    out_ref[...] = jnp.concatenate([feats, cnt, coords, pad], axis=0)


def _finalize(a0t, a1t):
    out = pl.pallas_call(
        _k7_body,
        out_shape=jax.ShapeDtypeStruct((16, KPAD), jnp.float32),
    )(a0t, a1t)
    feats = out[0:5, :K].T
    cnts = out[5, :K].astype(jnp.int32)
    coords = out[6:9, :K].T.astype(jnp.int32)
    return feats, coords, cnts


def kernel(points):
    ids_pad, hi2d, lo2d = _flat_ids(points)

    counts = _sc_counts(ids_pad,
                        jnp.ones((K1_CH,), jnp.float32),
                        jnp.zeros((HSTR,), jnp.float32))
    counts2d = counts.reshape(ROWS, 128)

    pos2d = _positions(counts2d)
    pos = pos2d.reshape(NV)

    slot_tab = jnp.concatenate([pos, jnp.full((8,), KPAD, jnp.int32)])
    featst = jnp.concatenate(
        [jnp.zeros((5, NPP), jnp.float32).at[:, :NP].set(points.T),
         jnp.zeros((1, NPP), jnp.float32).at[:, :NP].set(1.0),
         hi2d, lo2d], axis=0)
    accum = _sc_accum(featst, ids_pad, slot_tab,
                      jnp.zeros((ASTR,), jnp.float32))
    a0t = accum[0, :, :KPAD]
    a1t = accum[1, :, :KPAD]

    return _finalize(a0t, a1t)

# --- scband reference (transcript-rebuilt; emitter-appended) ---
"""Pipeline reference for scband-voxelization-op-19112604467258 (READ-ONLY COPY).

The authoritative reference and input builder live on the scoring server;
editing this copy changes nothing except your own understanding.
"""

import jax, jax.numpy as jnp
import numpy as np

GX, GY, GZ = 512, 512, 10
VX, VY, VZ = 0.2, 0.2, 0.8
XMIN, YMIN, ZMIN = -51.2, -51.2, -5.0
MAX_VOXELS = 40000
N_POINTS = 300000


def setup_inputs(seed: int = 0):
    key = jax.random.key(seed)
    k1, k2, k3, k4 = jax.random.split(key, 4)
    xy = jax.random.uniform(k1, (N_POINTS, 2), minval=-51.2, maxval=51.2)
    z = jax.random.uniform(k2, (N_POINTS, 1), minval=-5.0, maxval=3.0)
    intensity = jax.random.uniform(k3, (N_POINTS, 1))
    t = jax.random.uniform(k4, (N_POINTS, 1))
    points = jnp.concatenate([xy, z, intensity, t], axis=1).astype(jnp.float32)
    return {"points": points}


def reference(points):
    # Voxelization: bin each point into a 3D voxel grid, aggregate per-voxel
    # mean features, return up to MAX_VOXELS voxels with coords (z, y, x)
    # and per-voxel point counts. voxel_params from the original dict are
    # baked in as module constants (nuScenes-style config).
    cx = jnp.floor((points[:, 0] - XMIN) / VX).astype(jnp.int32)
    cy = jnp.floor((points[:, 1] - YMIN) / VY).astype(jnp.int32)
    cz = jnp.floor((points[:, 2] - ZMIN) / VZ).astype(jnp.int32)
    valid = (cx >= 0) & (cx < GX) & (cy >= 0) & (cy < GY) & (cz >= 0) & (cz < GZ)
    num_seg = GX * GY * GZ + 1  # last bin collects out-of-range points
    flat = cz * (GX * GY) + cy * GX + cx
    flat = jnp.where(valid, flat, num_seg - 1)
    counts = jax.ops.segment_sum(valid.astype(jnp.float32), flat, num_segments=num_seg)[:-1]
    sums = jax.ops.segment_sum(points * valid[:, None].astype(points.dtype), flat, num_segments=num_seg)[:-1, :]
    top_counts, top_idx = jax.lax.top_k(counts, MAX_VOXELS)
    voxel_features = sums[top_idx] / jnp.maximum(top_counts, 1.0)[:, None]
    voxel_features = voxel_features * (top_counts > 0).astype(voxel_features.dtype)[:, None]
    zc = top_idx // (GX * GY)
    rem = top_idx % (GX * GY)
    yc = rem // GX
    xc = rem % GX
    voxel_coords = jnp.stack([zc, yc, xc], axis=1).astype(jnp.int32)
    num_points_per_voxel = top_counts.astype(jnp.int32)
    return voxel_features, voxel_coords, num_points_per_voxel

if __name__ == "__main__":
    import jax
    _d = setup_inputs()
    print(jax.jit(kernel)(*tuple(_d.values())))

</pallas_src>

<mosaic_0001>
#map = affine_map<(d0, d1) -> (0)>
module attributes {stable_mosaic.version = 14 : i64} {
  func.func @_sc_counts(%arg0: i32, %arg1: i32, %arg2: memref<300032xi32, #tpu.memory_space<hbm>>, %arg3: memref<4688xf32, #tpu.memory_space<hbm>>, %arg4: memref<81920xf32, #tpu.memory_space<hbm>>, %arg5: memref<2621440xf32, #tpu.memory_space<hbm>>, %arg6: memref<4688xi32, #tpu.memory_space<vmem>>, %arg7: memref<4688xi32, #tpu.memory_space<vmem>>, %arg8: memref<4688xf32, #tpu.memory_space<vmem>>, %arg9: memref<1310728xf32, #tpu.memory_space<vmem_shared>>, %arg10: memref<!tpu.dma_semaphore, #tpu.memory_space<semaphore_mem>>) attributes {dimension_semantics = [#tpu.dimension_semantics<core_parallel>, #tpu.dimension_semantics<subcore_parallel>], iteration_bounds = array<i64: 2, 16>, scalar_prefetch = 0 : i64, scratch_operands = 5 : i64, tpu.core_type = #tpu.core_type<sc_vector_subcore>, window_params = [{transform_indices = #map}, {transform_indices = #map}, {transform_indices = #map}, {transform_indices = #map}]} {
    %mul3A = arith.constant 81920 : i32
    %mul3A_0 = arith.muli %arg1, %mul3A : i32
    "tpu.region"() ({
      %run_scoped3A = tpu.sem_alloc : memref<!tpu.dma_semaphore, #tpu.memory_space<semaphore_mem>>
      %dma_start3A = tpu.memref_slice %arg9[%mul3A_0] : memref<1310728xf32, #tpu.memory_space<vmem_shared>> -> memref<81920xf32, #tpu.memory_space<vmem_shared>>
      tpu.enqueue_dma source(%arg4 : memref<81920xf32, #tpu.memory_space<hbm>>) target(%dma_start3A : memref<81920xf32, #tpu.memory_space<vmem_shared>>) target_semaphore(%run_scoped3A : memref<!tpu.dma_semaphore, #tpu.memory_space<semaphore_mem>>)
      %dma_wait3A = tpu.memref_slice %arg9[%mul3A_0] : memref<1310728xf32, #tpu.memory_space<vmem_shared>> -> memref<81920xf32, #tpu.memory_space<vmem_shared>>
      tpu.wait_dma2 semaphore(%run_scoped3A : memref<!tpu.dma_semaphore, #tpu.memory_space<semaphore_mem>>) src(%arg4 : memref<81920xf32, #tpu.memory_space<hbm>>) dst(%dma_wait3A : memref<81920xf32, #tpu.memory_space<vmem_shared>>)
      tpu.yield
    }) : () -> ()
    "tpu.region"() ({
      %run_scoped3A = tpu.sem_alloc : memref<!tpu.dma_semaphore, #tpu.memory_space<semaphore_mem>>
      tpu.enqueue_dma source(%arg3 : memref<4688xf32, #tpu.memory_space<hbm>>) target(%arg8 : memref<4688xf32, #tpu.memory_space<vmem>>) target_semaphore(%run_scoped3A : memref<!tpu.dma_semaphore, #tpu.memory_space<semaphore_mem>>)
      tpu.wait_dma2 semaphore(%run_scoped3A : memref<!tpu.dma_semaphore, #tpu.memory_space<semaphore_mem>>) src(%arg3 : memref<4688xf32, #tpu.memory_space<hbm>>) dst(%arg8 : memref<4688xf32, #tpu.memory_space<vmem>>)
      tpu.yield
    }) : () -> ()
    %mul3A_1 = arith.constant 1310720 : i32
    %mul3A_2 = arith.muli %arg0, %mul3A_1 : i32
    %barrier3A = arith.constant 0 : index
    tpu.barrier barrier_id(%barrier3A)
    %mul3A_3 = arith.constant 18752 : i32
    %mul3A_4 = arith.muli %arg1, %mul3A_3 : i32
    %add3A = arith.constant 0 : i32
    %add3A_5 = arith.addi %mul3A_4, %add3A : i32
    "tpu.region"() ({
      %run_scoped3A = tpu.sem_alloc : memref<!tpu.dma_semaphore, #tpu.memory_space<semaphore_mem>>
      %dma_start3A = tpu.memref_slice %arg2[%add3A_5] : memref<300032xi32, #tpu.memory_space<hbm>> -> memref<4688xi32, #tpu.memory_space<hbm>>
      %dma_start3A_53 = tpu.memref_slice %arg2[%add3A_5] : memref<300032xi32, #tpu.memory_space<hbm>> -> memref<4688xi32, #tpu.memory_space<hbm>>
      tpu.enqueue_dma source(%dma_start3A_53 : memref<4688xi32, #tpu.memory_space<hbm>>) target(%arg6 : memref<4688xi32, #tpu.memory_space<vmem>>) target_semaphore(%run_scoped3A : memref<!tpu.dma_semaphore, #tpu.memory_space<semaphore_mem>>)
      %dma_wait3A = tpu.memref_slice %arg2[%add3A_5] : memref<300032xi32, #tpu.memory_space<hbm>> -> memref<4688xi32, #tpu.memory_space<hbm>>
      %dma_wait3A_54 = tpu.memref_slice %arg2[%add3A_5] : memref<300032xi32, #tpu.memory_space<hbm>> -> memref<4688xi32, #tpu.memory_space<hbm>>
      tpu.wait_dma2 semaphore(%run_scoped3A : memref<!tpu.dma_semaphore, #tpu.memory_space<semaphore_mem>>) src(%dma_wait3A_54 : memref<4688xi32, #tpu.memory_space<hbm>>) dst(%arg6 : memref<4688xi32, #tpu.memory_space<vmem>>)
      tpu.yield
    }) : () -> ()
    %scan3A = arith.constant 0 : i32
    %scan3A_6 = arith.constant 0 : i32
    %scan3A_7 = arith.constant 293 : i32
    %scan3A_8 = arith.addi %scan3A_6, %scan3A_7 : i32
    %scan3A_9 = arith.constant 1 : i32
    %scan3A_10 = scf.for %scan3A_53 = %scan3A_6 to %scan3A_8 step %scan3A_9 iter_args(%scan3A_54 = %scan3A) -> (i32)  : i32 {
      %mul3A_55 = arith.constant 16 : i32
      %mul3A_56 = arith.muli %scan3A_53, %mul3A_55 : i32
      %get3A = arith.index_cast %mul3A_56 : i32 to index
      %get3A_57 = tpu.vector_load %arg6[%get3A] {strides = array<i32>} : memref<4688xi32, #tpu.memory_space<vmem>>, vector<16xi32>,
      %get3A_58 = vector.shape_cast %get3A_57 : vector<16xi32> to vector<16xi32>
      %ge3A = vector.broadcast %mul3A_2 : i32 to vector<16xi32>
      %ge3A_59 = arith.cmpi sge, %get3A_58, %ge3A : vector<16xi32>
      %add3A_60 = arith.constant 1310720 : i32
      %add3A_61 = arith.addi %mul3A_2, %add3A_60 : i32
      %lt3A = vector.broadcast %add3A_61 : i32 to vector<16xi32>
      %lt3A_62 = arith.cmpi slt, %get3A_58, %lt3A : vector<16xi32>
      %and3A = arith.andi %ge3A_59, %lt3A_62 : vector<16xi1>
      %sub3A = vector.broadcast %mul3A_2 : i32 to vector<16xi32>
      %sub3A_63 = arith.subi %get3A_58, %sub3A : vector<16xi32>
      %jit3A = arith.constant 1310720 : i32
      %broadcast_in_dim3A = vector.broadcast %jit3A : i32 to vector<16xi32>
      %select_n3A = arith.select %and3A, %sub3A_63, %broadcast_in_dim3A : vector<16xi1>, vector<16xi32>
      %mul3A_64 = arith.constant 16 : i32
      %mul3A_65 = arith.muli %scan3A_53, %mul3A_64 : i32
      %swap3A = arith.index_cast %mul3A_65 : i32 to index
      %swap3A_66 = tpu.vector_load %arg7[%swap3A] {strides = array<i32>} : memref<4688xi32, #tpu.memory_space<vmem>>, vector<16xi32>,
      %swap3A_67 = vector.shape_cast %swap3A_66 : vector<16xi32> to vector<16xi32>
      %swap3A_68 = vector.shape_cast %select_n3A : vector<16xi32> to vector<16xi32>
      tpu.vector_store %arg7[%swap3A], %swap3A_68 {strides = array<i32>} : memref<4688xi32, #tpu.memory_space<vmem>>, vector<16xi32>,
      %scan3A_69 = arith.constant 0 : i32
      scf.yield %scan3A_69 : i32
    }
    %scan3A_11 = arith.constant 293 : i32
    "tpu.region"() ({
      %run_scoped3A = tpu.sem_alloc : memref<!tpu.dma_semaphore, #tpu.memory_space<semaphore_mem>>
      %dma_start3A = arith.constant 0 : i32
      %dma_start3A_53 = tpu.memref_slice %arg9[%dma_start3A] : memref<1310728xf32, #tpu.memory_space<vmem_shared>> -> memref<1310728xf32, #tpu.memory_space<vmem_shared>>
      tpu.enqueue_indirect_dma source(%arg8 : memref<4688xf32, #tpu.memory_space<vmem>>) target(%dma_start3A_53 : memref<1310728xf32, #tpu.memory_space<vmem_shared>>) offsets(%arg7 : memref<4688xi32, #tpu.memory_space<vmem>>) semaphore(%run_scoped3A : memref<!tpu.dma_semaphore, #tpu.memory_space<semaphore_mem>>) {add = true}
      %dma_wait3A = arith.constant 0 : i32
      %dma_wait3A_54 = tpu.memref_slice %arg9[%dma_wait3A] : memref<1310728xf32, #tpu.memory_space<vmem_shared>> -> memref<1310728xf32, #tpu.memory_space<vmem_shared>>
      tpu.wait_indirect_dma semaphore(%run_scoped3A : memref<!tpu.dma_semaphore, #tpu.memory_space<semaphore_mem>>) src(%arg8 : memref<4688xf32, #tpu.memory_space<vmem>>) dst(%dma_wait3A_54 : memref<1310728xf32, #tpu.memory_space<vmem_shared>>)
      tpu.yield
    }) : () -> ()
    %mul3A_12 = arith.constant 18752 : i32
    %mul3A_13 = arith.muli %arg1, %mul3A_12 : i32
    %add3A_14 = arith.constant 4688 : i32
    %add3A_15 = arith.addi %mul3A_13, %add3A_14 : i32
    "tpu.region"() ({
      %run_scoped3A = tpu.sem_alloc : memref<!tpu.dma_semaphore, #tpu.memory_space<semaphore_mem>>
      %dma_start3A = tpu.memref_slice %arg2[%add3A_15] : memref<300032xi32, #tpu.memory_space<hbm>> -> memref<4688xi32, #tpu.memory_space<hbm>>
      %dma_start3A_53 = tpu.memref_slice %arg2[%add3A_15] : memref<300032xi32, #tpu.memory_space<hbm>> -> memref<4688xi32, #tpu.memory_space<hbm>>
      tpu.enqueue_dma source(%dma_start3A_53 : memref<4688xi32, #tpu.memory_space<hbm>>) target(%arg6 : memref<4688xi32, #tpu.memory_space<vmem>>) target_semaphore(%run_scoped3A : memref<!tpu.dma_semaphore, #tpu.memory_space<semaphore_mem>>)
      %dma_wait3A = tpu.memref_slice %arg2[%add3A_15] : memref<300032xi32, #tpu.memory_space<hbm>> -> memref<4688xi32, #tpu.memory_space<hbm>>
      %dma_wait3A_54 = tpu.memref_slice %arg2[%add3A_15] : memref<300032xi32, #tpu.memory_space<hbm>> -> memref<4688xi32, #tpu.memory_space<hbm>>
      tpu.wait_dma2 semaphore(%run_scoped3A : memref<!tpu.dma_semaphore, #tpu.memory_space<semaphore_mem>>) src(%dma_wait3A_54 : memref<4688xi32, #tpu.memory_space<hbm>>) dst(%arg6 : memref<4688xi32, #tpu.memory_space<vmem>>)
      tpu.yield
    }) : () -> ()
    %scan3A_16 = arith.constant 0 : i32
    %scan3A_17 = arith.constant 0 : i32
    %scan3A_18 = arith.constant 293 : i32
    %scan3A_19 = arith.addi %scan3A_17, %scan3A_18 : i32
    %scan3A_20 = arith.constant 1 : i32
    %scan3A_21 = scf.for %scan3A_53 = %scan3A_17 to %scan3A_19 step %scan3A_20 iter_args(%scan3A_54 = %scan3A_16) -> (i32)  : i32 {
      %mul3A_55 = arith.constant 16 : i32
      %mul3A_56 = arith.muli %scan3A_53, %mul3A_55 : i32
      %get3A = arith.index_cast %mul3A_56 : i32 to index
      %get3A_57 = tpu.vector_load %arg6[%get3A] {strides = array<i32>} : memref<4688xi32, #tpu.memory_space<vmem>>, vector<16xi32>,
      %get3A_58 = vector.shape_cast %get3A_57 : vector<16xi32> to vector<16xi32>
      %ge3A = vector.broadcast %mul3A_2 : i32 to vector<16xi32>
      %ge3A_59 = arith.cmpi sge, %get3A_58, %ge3A : vector<16xi32>
      %add3A_60 = arith.constant 1310720 : i32
      %add3A_61 = arith.addi %mul3A_2, %add3A_60 : i32
      %lt3A = vector.broadcast %add3A_61 : i32 to vector<16xi32>
      %lt3A_62 = arith.cmpi slt, %get3A_58, %lt3A : vector<16xi32>
      %and3A = arith.andi %ge3A_59, %lt3A_62 : vector<16xi1>
      %sub3A = vector.broadcast %mul3A_2 : i32 to vector<16xi32>
      %sub3A_63 = arith.subi %get3A_58, %sub3A : vector<16xi32>
      %jit3A = arith.constant 1310720 : i32
      %broadcast_in_dim3A = vector.broadcast %jit3A : i32 to vector<16xi32>
      %select_n3A = arith.select %and3A, %sub3A_63, %broadcast_in_dim3A : vector<16xi1>, vector<16xi32>
      %mul3A_64 = arith.constant 16 : i32
      %mul3A_65 = arith.muli %scan3A_53, %mul3A_64 : i32
      %swap3A = arith.index_cast %mul3A_65 : i32 to index
      %swap3A_66 = tpu.vector_load %arg7[%swap3A] {strides = array<i32>} : memref<4688xi32, #tpu.memory_space<vmem>>, vector<16xi32>,
      %swap3A_67 = vector.shape_cast %swap3A_66 : vector<16xi32> to vector<16xi32>
      %swap3A_68 = vector.shape_cast %select_n3A : vector<16xi32> to vector<16xi32>
      tpu.vector_store %arg7[%swap3A], %swap3A_68 {strides = array<i32>} : memref<4688xi32, #tpu.memory_space<vmem>>, vector<16xi32>,
      %scan3A_69 = arith.constant 0 : i32
      scf.yield %scan3A_69 : i32
    }
    %scan3A_22 = arith.constant 293 : i32
    "tpu.region"() ({
      %run_scoped3A = tpu.sem_alloc : memref<!tpu.dma_semaphore, #tpu.memory_space<semaphore_mem>>
      %dma_start3A = arith.constant 0 : i32
      %dma_start3A_53 = tpu.memref_slice %arg9[%dma_start3A] : memref<1310728xf32, #tpu.memory_space<vmem_shared>> -> memref<1310728xf32, #tpu.memory_space<vmem_shared>>
      tpu.enqueue_indirect_dma source(%arg8 : memref<4688xf32, #tpu.memory_space<vmem>>) target(%dma_start3A_53 : memref<1310728xf32, #tpu.memory_space<vmem_shared>>) offsets(%arg7 : memref<4688xi32, #tpu.memory_space<vmem>>) semaphore(%run_scoped3A : memref<!tpu.dma_semaphore, #tpu.memory_space<semaphore_mem>>) {add = true}
      %dma_wait3A = arith.constant 0 : i32
      %dma_wait3A_54 = tpu.memref_slice %arg9[%dma_wait3A] : memref<1310728xf32, #tpu.memory_space<vmem_shared>> -> memref<1310728xf32, #tpu.memory_space<vmem_shared>>
      tpu.wait_indirect_dma semaphore(%run_scoped3A : memref<!tpu.dma_semaphore, #tpu.memory_space<semaphore_mem>>) src(%arg8 : memref<4688xf32, #tpu.memory_space<vmem>>) dst(%dma_wait3A_54 : memref<1310728xf32, #tpu.memory_space<vmem_shared>>)
      tpu.yield
    }) : () -> ()
    %mul3A_23 = arith.constant 18752 : i32
    %mul3A_24 = arith.muli %arg1, %mul3A_23 : i32
    %add3A_25 = arith.constant 9376 : i32
    %add3A_26 = arith.addi %mul3A_24, %add3A_25 : i32
    "tpu.region"() ({
      %run_scoped3A = tpu.sem_alloc : memref<!tpu.dma_semaphore, #tpu.memory_space<semaphore_mem>>
      %dma_start3A = tpu.memref_slice %arg2[%add3A_26] : memref<300032xi32, #tpu.memory_space<hbm>> -> memref<4688xi32, #tpu.memory_space<hbm>>
      %dma_start3A_53 = tpu.memref_slice %arg2[%add3A_26] : memref<300032xi32, #tpu.memory_space<hbm>> -> memref<4688xi32, #tpu.memory_space<hbm>>
      tpu.enqueue_dma source(%dma_start3A_53 : memref<4688xi32, #tpu.memory_space<hbm>>) target(%arg6 : memref<4688xi32, #tpu.memory_space<vmem>>) target_semaphore(%run_scoped3A : memref<!tpu.dma_semaphore, #tpu.memory_space<semaphore_mem>>)
      %dma_wait3A = tpu.memref_slice %arg2[%add3A_26] : memref<300032xi32, #tpu.memory_space<hbm>> -> memref<4688xi32, #tpu.memory_space<hbm>>
      %dma_wait3A_54 = tpu.memref_slice %arg2[%add3A_26] : memref<300032xi32, #tpu.memory_space<hbm>> -> memref<4688xi32, #tpu.memory_space<hbm>>
      tpu.wait_dma2 semaphore(%run_scoped3A : memref<!tpu.dma_semaphore, #tpu.memory_space<semaphore_mem>>) src(%dma_wait3A_54 : memref<4688xi32, #tpu.memory_space<hbm>>) dst(%arg6 : memref<4688xi32, #tpu.memory_space<vmem>>)
      tpu.yield
    }) : () -> ()
    %scan3A_27 = arith.constant 0 : i32
    %scan3A_28 = arith.constant 0 : i32
    %scan3A_29 = arith.constant 293 : i32
    %scan3A_30 = arith.addi %scan3A_28, %scan3A_29 : i32
    %scan3A_31 = arith.constant 1 : i32
    %scan3A_32 = scf.for %scan3A_53 = %scan3A_28 to %scan3A_30 step %scan3A_31 iter_args(%scan3A_54 = %scan3A_27) -> (i32)  : i32 {
      %mul3A_55 = arith.constant 16 : i32
      %mul3A_56 = arith.muli %scan3A_53, %mul3A_55 : i32
      %get3A = arith.index_cast %mul3A_56 : i32 to index
      %get3A_57 = tpu.vector_load %arg6[%get3A] {strides = array<i32>} : memref<4688xi32, #tpu.memory_space<vmem>>, vector<16xi32>,
      %get3A_58 = vector.shape_cast %get3A_57 : vector<16xi32> to vector<16xi32>
      %ge3A = vector.broadcast %mul3A_2 : i32 to vector<16xi32>
      %ge3A_59 = arith.cmpi sge, %get3A_58, %ge3A : vector<16xi32>
      %add3A_60 = arith.constant 1310720 : i32
      %add3A_61 = arith.addi %mul3A_2, %add3A_60 : i32
      %lt3A = vector.broadcast %add3A_61 : i32 to vector<16xi32>
      %lt3A_62 = arith.cmpi slt, %get3A_58, %lt3A : vector<16xi32>
      %and3A = arith.andi %ge3A_59, %lt3A_62 : vector<16xi1>
      %sub3A = vector.broadcast %mul3A_2 : i32 to vector<16xi32>
      %sub3A_63 = arith.subi %get3A_58, %sub3A : vector<16xi32>
      %jit3A = arith.constant 1310720 : i32
      %broadcast_in_dim3A = vector.broadcast %jit3A : i32 to vector<16xi32>
      %select_n3A = arith.select %and3A, %sub3A_63, %broadcast_in_dim3A : vector<16xi1>, vector<16xi32>
      %mul3A_64 = arith.constant 16 : i32
      %mul3A_65 = arith.muli %scan3A_53, %mul3A_64 : i32
      %swap3A = arith.index_cast %mul3A_65 : i32 to index
      %swap3A_66 = tpu.vector_load %arg7[%swap3A] {strides = array<i32>} : memref<4688xi32, #tpu.memory_space<vmem>>, vector<16xi32>,
      %swap3A_67 = vector.shape_cast %swap3A_66 : vector<16xi32> to vector<16xi32>
      %swap3A_68 = vector.shape_cast %select_n3A : vector<16xi32> to vector<16xi32>
      tpu.vector_store %arg7[%swap3A], %swap3A_68 {strides = array<i32>} : memref<4688xi32, #tpu.memory_space<vmem>>, vector<16xi32>,
      %scan3A_69 = arith.constant 0 : i32
      scf.yield %scan3A_69 : i32
    }
    %scan3A_33 = arith.constant 293 : i32
    "tpu.region"() ({
      %run_scoped3A = tpu.sem_alloc : memref<!tpu.dma_semaphore, #tpu.memory_space<semaphore_mem>>
      %dma_start3A = arith.constant 0 : i32
      %dma_start3A_53 = tpu.memref_slice %arg9[%dma_start3A] : memref<1310728xf32, #tpu.memory_space<vmem_shared>> -> memref<1310728xf32, #tpu.memory_space<vmem_shared>>
      tpu.enqueue_indirect_dma source(%arg8 : memref<4688xf32, #tpu.memory_space<vmem>>) target(%dma_start3A_53 : memref<1310728xf32, #tpu.memory_space<vmem_shared>>) offsets(%arg7 : memref<4688xi32, #tpu.memory_space<vmem>>) semaphore(%run_scoped3A : memref<!tpu.dma_semaphore, #tpu.memory_space<semaphore_mem>>) {add = true}
      %dma_wait3A = arith.constant 0 : i32
      %dma_wait3A_54 = tpu.memref_slice %arg9[%dma_wait3A] : memref<1310728xf32, #tpu.memory_space<vmem_shared>> -> memref<1310728xf32, #tpu.memory_space<vmem_shared>>
      tpu.wait_indirect_dma semaphore(%run_scoped3A : memref<!tpu.dma_semaphore, #tpu.memory_space<semaphore_mem>>) src(%arg8 : memref<4688xf32, #tpu.memory_space<vmem>>) dst(%dma_wait3A_54 : memref<1310728xf32, #tpu.memory_space<vmem_shared>>)
      tpu.yield
    }) : () -> ()
    %mul3A_34 = arith.constant 18752 : i32
    %mul3A_35 = arith.muli %arg1, %mul3A_34 : i32
    %add3A_36 = arith.constant 14064 : i32
    %add3A_37 = arith.addi %mul3A_35, %add3A_36 : i32
    "tpu.region"() ({
      %run_scoped3A = tpu.sem_alloc : memref<!tpu.dma_semaphore, #tpu.memory_space<semaphore_mem>>
      %dma_start3A = tpu.memref_slice %arg2[%add3A_37] : memref<300032xi32, #tpu.memory_space<hbm>> -> memref<4688xi32, #tpu.memory_space<hbm>>
      %dma_start3A_53 = tpu.memref_slice %arg2[%add3A_37] : memref<300032xi32, #tpu.memory_space<hbm>> -> memref<4688xi32, #tpu.memory_space<hbm>>
      tpu.enqueue_dma source(%dma_start3A_53 : memref<4688xi32, #tpu.memory_space<hbm>>) target(%arg6 : memref<4688xi32, #tpu.memory_space<vmem>>) target_semaphore(%run_scoped3A : memref<!tpu.dma_semaphore, #tpu.memory_space<semaphore_mem>>)
      %dma_wait3A = tpu.memref_slice %arg2[%add3A_37] : memref<300032xi32, #tpu.memory_space<hbm>> -> memref<4688xi32, #tpu.memory_space<hbm>>
      %dma_wait3A_54 = tpu.memref_slice %arg2[%add3A_37] : memref<300032xi32, #tpu.memory_space<hbm>> -> memref<4688xi32, #tpu.memory_space<hbm>>
      tpu.wait_dma2 semaphore(%run_scoped3A : memref<!tpu.dma_semaphore, #tpu.memory_space<semaphore_mem>>) src(%dma_wait3A_54 : memref<4688xi32, #tpu.memory_space<hbm>>) dst(%arg6 : memref<4688xi32, #tpu.memory_space<vmem>>)
      tpu.yield
    }) : () -> ()
    %scan3A_38 = arith.constant 0 : i32
    %scan3A_39 = arith.constant 0 : i32
    %scan3A_40 = arith.constant 293 : i32
    %scan3A_41 = arith.addi %scan3A_39, %scan3A_40 : i32
    %scan3A_42 = arith.constant 1 : i32
    %scan3A_43 = scf.for %scan3A_53 = %scan3A_39 to %scan3A_41 step %scan3A_42 iter_args(%scan3A_54 = %scan3A_38) -> (i32)  : i32 {
      %mul3A_55 = arith.constant 16 : i32
      %mul3A_56 = arith.muli %scan3A_53, %mul3A_55 : i32
      %get3A = arith.index_cast %mul3A_56 : i32 to index
      %get3A_57 = tpu.vector_load %arg6[%get3A] {strides = array<i32>} : memref<4688xi32, #tpu.memory_space<vmem>>, vector<16xi32>,
      %get3A_58 = vector.shape_cast %get3A_57 : vector<16xi32> to vector<16xi32>
      %ge3A = vector.broadcast %mul3A_2 : i32 to vector<16xi32>
      %ge3A_59 = arith.cmpi sge, %get3A_58, %ge3A : vector<16xi32>
      %add3A_60 = arith.constant 1310720 : i32
      %add3A_61 = arith.addi %mul3A_2, %add3A_60 : i32
      %lt3A = vector.broadcast %add3A_61 : i32 to vector<16xi32>
      %lt3A_62 = arith.cmpi slt, %get3A_58, %lt3A : vector<16xi32>
      %and3A = arith.andi %ge3A_59, %lt3A_62 : vector<16xi1>
      %sub3A = vector.broadcast %mul3A_2 : i32 to vector<16xi32>
      %sub3A_63 = arith.subi %get3A_58, %sub3A : vector<16xi32>
      %jit3A = arith.constant 1310720 : i32
      %broadcast_in_dim3A = vector.broadcast %jit3A : i32 to vector<16xi32>
      %select_n3A = arith.select %and3A, %sub3A_63, %broadcast_in_dim3A : vector<16xi1>, vector<16xi32>
      %mul3A_64 = arith.constant 16 : i32
      %mul3A_65 = arith.muli %scan3A_53, %mul3A_64 : i32
      %swap3A = arith.index_cast %mul3A_65 : i32 to index
      %swap3A_66 = tpu.vector_load %arg7[%swap3A] {strides = array<i32>} : memref<4688xi32, #tpu.memory_space<vmem>>, vector<16xi32>,
      %swap3A_67 = vector.shape_cast %swap3A_66 : vector<16xi32> to vector<16xi32>
      %swap3A_68 = vector.shape_cast %select_n3A : vector<16xi32> to vector<16xi32>
      tpu.vector_store %arg7[%swap3A], %swap3A_68 {strides = array<i32>} : memref<4688xi32, #tpu.memory_space<vmem>>, vector<16xi32>,
      %scan3A_69 = arith.constant 0 : i32
      scf.yield %scan3A_69 : i32
    }
    %scan3A_44 = arith.constant 293 : i32
    "tpu.region"() ({
      %run_scoped3A = tpu.sem_alloc : memref<!tpu.dma_semaphore, #tpu.memory_space<semaphore_mem>>
      %dma_start3A = arith.constant 0 : i32
      %dma_start3A_53 = tpu.memref_slice %arg9[%dma_start3A] : memref<1310728xf32, #tpu.memory_space<vmem_shared>> -> memref<1310728xf32, #tpu.memory_space<vmem_shared>>
      tpu.enqueue_indirect_dma source(%arg8 : memref<4688xf32, #tpu.memory_space<vmem>>) target(%dma_start3A_53 : memref<1310728xf32, #tpu.memory_space<vmem_shared>>) offsets(%arg7 : memref<4688xi32, #tpu.memory_space<vmem>>) semaphore(%run_scoped3A : memref<!tpu.dma_semaphore, #tpu.memory_space<semaphore_mem>>) {add = true}
      %dma_wait3A = arith.constant 0 : i32
      %dma_wait3A_54 = tpu.memref_slice %arg9[%dma_wait3A] : memref<1310728xf32, #tpu.memory_space<vmem_shared>> -> memref<1310728xf32, #tpu.memory_space<vmem_shared>>
      tpu.wait_indirect_dma semaphore(%run_scoped3A : memref<!tpu.dma_semaphore, #tpu.memory_space<semaphore_mem>>) src(%arg8 : memref<4688xf32, #tpu.memory_space<vmem>>) dst(%dma_wait3A_54 : memref<1310728xf32, #tpu.memory_space<vmem_shared>>)
      tpu.yield
    }) : () -> ()
    %barrier3A_45 = arith.constant 0 : index
    tpu.barrier barrier_id(%barrier3A_45)
    %mul3A_46 = arith.constant 81920 : i32
    %mul3A_47 = arith.muli %arg1, %mul3A_46 : i32
    %mul3A_48 = arith.constant 1310720 : i32
    %mul3A_49 = arith.muli %arg0, %mul3A_48 : i32
    %mul3A_50 = arith.constant 81920 : i32
    %mul3A_51 = arith.muli %arg1, %mul3A_50 : i32
    %add3A_52 = arith.addi %mul3A_49, %mul3A_51 : i32
    "tpu.region"() ({
      %run_scoped3A = tpu.sem_alloc : memref<!tpu.dma_semaphore, #tpu.memory_space<semaphore_mem>>
      %dma_start3A = tpu.memref_slice %arg5[%add3A_52] : memref<2621440xf32, #tpu.memory_space<hbm>> -> memref<81920xf32, #tpu.memory_space<hbm>>
      %dma_start3A_53 = tpu.memref_slice %arg9[%mul3A_47] : memref<1310728xf32, #tpu.memory_space<vmem_shared>> -> memref<81920xf32, #tpu.memory_space<vmem_shared>>
      tpu.enqueue_dma source(%dma_start3A_53 : memref<81920xf32, #tpu.memory_space<vmem_shared>>) target(%dma_start3A : memref<81920xf32, #tpu.memory_space<hbm>>) target_semaphore(%run_scoped3A : memref<!tpu.dma_semaphore, #tpu.memory_space<semaphore_mem>>)
      %dma_wait3A = tpu.memref_slice %arg5[%add3A_52] : memref<2621440xf32, #tpu.memory_space<hbm>> -> memref<81920xf32, #tpu.memory_space<hbm>>
      %dma_wait3A_54 = tpu.memref_slice %arg9[%mul3A_47] : memref<1310728xf32, #tpu.memory_space<vmem_shared>> -> memref<81920xf32, #tpu.memory_space<vmem_shared>>
      tpu.wait_dma2 semaphore(%run_scoped3A : memref<!tpu.dma_semaphore, #tpu.memory_space<semaphore_mem>>) src(%dma_wait3A_54 : memref<81920xf32, #tpu.memory_space<vmem_shared>>) dst(%dma_wait3A : memref<81920xf32, #tpu.memory_space<hbm>>)
      tpu.yield
    }) : () -> ()
    return
  }
}

#map = affine_map<(d0, d1) -> (0, 0)>
#map1 = affine_map<(d0, d1) -> (0)>
#map2 = affine_map<(d0, d1) -> (0, 0, 0)>
module attributes {stable_mosaic.version = 14 : i64} {
  func.func @_sc_accum(%arg0: i32, %arg1: i32, %arg2: memref<8x300032xf32, #tpu.memory_space<hbm>>, %arg3: memref<300032xi32, #tpu.memory_space<hbm>>, %arg4: memref<2621448xi32, #tpu.memory_space<hbm>>, %arg5: memref<2568xf32, #tpu.memory_space<hbm>>, %arg6: memref<2x8x41088xf32, #tpu.memory_space<hbm>>, %arg7: memref<9376xi32, #tpu.memory_space<vmem>>, %arg8: memref<9376xi32, #tpu.memory_space<vmem>>, %arg9: memref<8x9376xf32, #tpu.memory_space<vmem>>, %arg10: memref<8x41088xf32, #tpu.memory_space<vmem_shared>>, %arg11: memref<!tpu.dma_semaphore, #tpu.memory_space<semaphore_mem>>) attributes {dimension_semantics = [#tpu.dimension_semantics<core_parallel>, #tpu.dimension_semantics<subcore_parallel>], iteration_bounds = array<i64: 2, 16>, scalar_prefetch = 0 : i64, scratch_operands = 5 : i64, tpu.core_type = #tpu.core_type<sc_vector_subcore>, window_params = [{transform_indices = #map}, {transform_indices = #map1}, {transform_indices = #map1}, {transform_indices = #map1}, {transform_indices = #map2}]} {
    %mul3A = arith.constant 2 : i32
    %mul3A_0 = arith.muli %arg1, %mul3A : i32
    %add3A = arith.addi %mul3A_0, %arg0 : i32
    %mul3A_1 = arith.constant 2568 : i32
    %mul3A_2 = arith.muli %arg1, %mul3A_1 : i32
    %run_scoped3A = arith.constant 0 : i32
    "tpu.region"() ({
      %run_scoped3A_239 = tpu.sem_alloc : memref<!tpu.dma_semaphore, #tpu.memory_space<semaphore_mem>>
      %dma_start3A_240 = tpu.memref_slice %arg10[%run_scoped3A, %mul3A_2] : memref<8x41088xf32, #tpu.memory_space<vmem_shared>> -> memref<1x2568xf32, #tpu.memory_space<vmem_shared>>
      %dma_start3A_241 = tpu.memref_squeeze %dma_start3A_240 : memref<1x2568xf32, #tpu.memory_space<vmem_shared>> -> memref<2568xf32, #tpu.memory_space<vmem_shared>>
      tpu.enqueue_dma source(%arg5 : memref<2568xf32, #tpu.memory_space<hbm>>) target(%dma_start3A_241 : memref<2568xf32, #tpu.memory_space<vmem_shared>>) target_semaphore(%run_scoped3A_239 : memref<!tpu.dma_semaphore, #tpu.memory_space<semaphore_mem>>)
      %dma_wait3A_242 = tpu.memref_slice %arg10[%run_scoped3A, %mul3A_2] : memref<8x41088xf32, #tpu.memory_space<vmem_shared>> -> memref<1x2568xf32, #tpu.memory_space<vmem_shared>>
      %dma_wait3A_243 = tpu.memref_squeeze %dma_wait3A_242 : memref<1x2568xf32, #tpu.memory_space<vmem_shared>> -> memref<2568xf32, #tpu.memory_space<vmem_shared>>
      tpu.wait_dma2 semaphore(%run_scoped3A_239 : memref<!tpu.dma_semaphore, #tpu.memory_space<semaphore_mem>>) src(%arg5 : memref<2568xf32, #tpu.memory_space<hbm>>) dst(%dma_wait3A_243 : memref<2568xf32, #tpu.memory_space<vmem_shared>>)
      tpu.yield
    }) : () -> ()
    %mul3A_3 = arith.constant 2568 : i32
    %mul3A_4 = arith.muli %arg1, %mul3A_3 : i32
    %run_scoped3A_5 = arith.constant 1 : i32
    "tpu.region"() ({
      %run_scoped3A_239 = tpu.sem_alloc : memref<!tpu.dma_semaphore, #tpu.memory_space<semaphore_mem>>
      %dma_start3A_240 = tpu.memref_slice %arg10[%run_scoped3A_5, %mul3A_4] : memref<8x41088xf32, #tpu.memory_space<vmem_shared>> -> memref<1x2568xf32, #tpu.memory_space<vmem_shared>>
      %dma_start3A_241 = tpu.memref_squeeze %dma_start3A_240 : memref<1x2568xf32, #tpu.memory_space<vmem_shared>> -> memref<2568xf32, #tpu.memory_space<vmem_shared>>
      tpu.enqueue_dma source(%arg5 : memref<2568xf32, #tpu.memory_space<hbm>>) target(%dma_start3A_241 : memref<2568xf32, #tpu.memory_space<vmem_shared>>) target_semaphore(%run_scoped3A_239 : memref<!tpu.dma_semaphore, #tpu.memory_space<semaphore_mem>>)
      %dma_wait3A_242 = tpu.memref_slice %arg10[%run_scoped3A_5, %mul3A_4] : memref<8x41088xf32, #tpu.memory_space<vmem_shared>> -> memref<1x2568xf32, #tpu.memory_space<vmem_shared>>
      %dma_wait3A_243 = tpu.memref_squeeze %dma_wait3A_242 : memref<1x2568xf32, #tpu.memory_space<vmem_shared>> -> memref<2568xf32, #tpu.memory_space<vmem_shared>>
      tpu.wait_dma2 semaphore(%run_scoped3A_239 : memref<!tpu.dma_semaphore, #tpu.memory_space<semaphore_mem>>) src(%arg5 : memref<2568xf32, #tpu.memory_space<hbm>>) dst(%dma_wait3A_243 : memref<2568xf32, #tpu.memory_space<vmem_shared>>)
      tpu.yield
    }) : () -> ()
    %mul3A_6 = arith.constant 2568 : i32
    %mul3A_7 = arith.muli %arg1, %mul3A_6 : i32
    %run_scoped3A_8 = arith.constant 2 : i32
    "tpu.region"() ({
      %run_scoped3A_239 = tpu.sem_alloc : memref<!tpu.dma_semaphore, #tpu.memory_space<semaphore_mem>>
      %dma_start3A_240 = tpu.memref_slice %arg10[%run_scoped3A_8, %mul3A_7] : memref<8x41088xf32, #tpu.memory_space<vmem_shared>> -> memref<1x2568xf32, #tpu.memory_space<vmem_shared>>
      %dma_start3A_241 = tpu.memref_squeeze %dma_start3A_240 : memref<1x2568xf32, #tpu.memory_space<vmem_shared>> -> memref<2568xf32, #tpu.memory_space<vmem_shared>>
      tpu.enqueue_dma source(%arg5 : memref<2568xf32, #tpu.memory_space<hbm>>) target(%dma_start3A_241 : memref<2568xf32, #tpu.memory_space<vmem_shared>>) target_semaphore(%run_scoped3A_239 : memref<!tpu.dma_semaphore, #tpu.memory_space<semaphore_mem>>)
      %dma_wait3A_242 = tpu.memref_slice %arg10[%run_scoped3A_8, %mul3A_7] : memref<8x41088xf32, #tpu.memory_space<vmem_shared>> -> memref<1x2568xf32, #tpu.memory_space<vmem_shared>>
      %dma_wait3A_243 = tpu.memref_squeeze %dma_wait3A_242 : memref<1x2568xf32, #tpu.memory_space<vmem_shared>> -> memref<2568xf32, #tpu.memory_space<vmem_shared>>
      tpu.wait_dma2 semaphore(%run_scoped3A_239 : memref<!tpu.dma_semaphore, #tpu.memory_space<semaphore_mem>>) src(%arg5 : memref<2568xf32, #tpu.memory_space<hbm>>) dst(%dma_wait3A_243 : memref<2568xf32, #tpu.memory_space<vmem_shared>>)
      tpu.yield
    }) : () -> ()
    %mul3A_9 = arith.constant 2568 : i32
    %mul3A_10 = arith.muli %arg1, %mul3A_9 : i32
    %run_scoped3A_11 = arith.constant 3 : i32
    "tpu.region"() ({
      %run_scoped3A_239 = tpu.sem_alloc : memref<!tpu.dma_semaphore, #tpu.memory_space<semaphore_mem>>
      %dma_start3A_240 = tpu.memref_slice %arg10[%run_scoped3A_11, %mul3A_10] : memref<8x41088xf32, #tpu.memory_space<vmem_shared>> -> memref<1x2568xf32, #tpu.memory_space<vmem_shared>>
      %dma_start3A_241 = tpu.memref_squeeze %dma_start3A_240 : memref<1x2568xf32, #tpu.memory_space<vmem_shared>> -> memref<2568xf32, #tpu.memory_space<vmem_shared>>
      tpu.enqueue_dma source(%arg5 : memref<2568xf32, #tpu.memory_space<hbm>>) target(%dma_start3A_241 : memref<2568xf32, #tpu.memory_space<vmem_shared>>) target_semaphore(%run_scoped3A_239 : memref<!tpu.dma_semaphore, #tpu.memory_space<semaphore_mem>>)
      %dma_wait3A_242 = tpu.memref_slice %arg10[%run_scoped3A_11, %mul3A_10] : memref<8x41088xf32, #tpu.memory_space<vmem_shared>> -> memref<1x2568xf32, #tpu.memory_space<vmem_shared>>
      %dma_wait3A_243 = tpu.memref_squeeze %dma_wait3A_242 : memref<1x2568xf32, #tpu.memory_space<vmem_shared>> -> memref<2568xf32, #tpu.memory_space<vmem_shared>>
      tpu.wait_dma2 semaphore(%run_scoped3A_239 : memref<!tpu.dma_semaphore, #tpu.memory_space<semaphore_mem>>) src(%arg5 : memref<2568xf32, #tpu.memory_space<hbm>>) dst(%dma_wait3A_243 : memref<2568xf32, #tpu.memory_space<vmem_shared>>)
      tpu.yield
    }) : () -> ()
    %mul3A_12 = arith.constant 2568 : i32
    %mul3A_13 = arith.muli %arg1, %mul3A_12 : i32
    %run_scoped3A_14 = arith.constant 4 : i32
    "tpu.region"() ({
      %run_scoped3A_239 = tpu.sem_alloc : memref<!tpu.dma_semaphore, #tpu.memory_space<semaphore_mem>>
      %dma_start3A_240 = tpu.memref_slice %arg10[%run_scoped3A_14, %mul3A_13] : memref<8x41088xf32, #tpu.memory_space<vmem_shared>> -> memref<1x2568xf32, #tpu.memory_space<vmem_shared>>
      %dma_start3A_241 = tpu.memref_squeeze %dma_start3A_240 : memref<1x2568xf32, #tpu.memory_space<vmem_shared>> -> memref<2568xf32, #tpu.memory_space<vmem_shared>>
      tpu.enqueue_dma source(%arg5 : memref<2568xf32, #tpu.memory_space<hbm>>) target(%dma_start3A_241 : memref<2568xf32, #tpu.memory_space<vmem_shared>>) target_semaphore(%run_scoped3A_239 : memref<!tpu.dma_semaphore, #tpu.memory_space<semaphore_mem>>)
      %dma_wait3A_242 = tpu.memref_slice %arg10[%run_scoped3A_14, %mul3A_13] : memref<8x41088xf32, #tpu.memory_space<vmem_shared>> -> memref<1x2568xf32, #tpu.memory_space<vmem_shared>>
      %dma_wait3A_243 = tpu.memref_squeeze %dma_wait3A_242 : memref<1x2568xf32, #tpu.memory_space<vmem_shared>> -> memref<2568xf32, #tpu.memory_space<vmem_shared>>
      tpu.wait_dma2 semaphore(%run_scoped3A_239 : memref<!tpu.dma_semaphore, #tpu.memory_space<semaphore_mem>>) src(%arg5 : memref<2568xf32, #tpu.memory_space<hbm>>) dst(%dma_wait3A_243 : memref<2568xf32, #tpu.memory_space<vmem_shared>>)
      tpu.yield
    }) : () -> ()
    %mul3A_15 = arith.constant 2568 : i32
    %mul3A_16 = arith.muli %arg1, %mul3A_15 : i32
    %run_scoped3A_17 = arith.constant 5 : i32
    "tpu.region"() ({
      %run_scoped3A_239 = tpu.sem_alloc : memref<!tpu.dma_semaphore, #tpu.memory_space<semaphore_mem>>
      %dma_start3A_240 = tpu.memref_slice %arg10[%run_scoped3A_17, %mul3A_16] : memref<8x41088xf32, #tpu.memory_space<vmem_shared>> -> memref<1x2568xf32, #tpu.memory_space<vmem_shared>>
      %dma_start3A_241 = tpu.memref_squeeze %dma_start3A_240 : memref<1x2568xf32, #tpu.memory_space<vmem_shared>> -> memref<2568xf32, #tpu.memory_space<vmem_shared>>
      tpu.enqueue_dma source(%arg5 : memref<2568xf32, #tpu.memory_space<hbm>>) target(%dma_start3A_241 : memref<2568xf32, #tpu.memory_space<vmem_shared>>) target_semaphore(%run_scoped3A_239 : memref<!tpu.dma_semaphore, #tpu.memory_space<semaphore_mem>>)
      %dma_wait3A_242 = tpu.memref_slice %arg10[%run_scoped3A_17, %mul3A_16] : memref<8x41088xf32, #tpu.memory_space<vmem_shared>> -> memref<1x2568xf32, #tpu.memory_space<vmem_shared>>
      %dma_wait3A_243 = tpu.memref_squeeze %dma_wait3A_242 : memref<1x2568xf32, #tpu.memory_space<vmem_shared>> -> memref<2568xf32, #tpu.memory_space<vmem_shared>>
      tpu.wait_dma2 semaphore(%run_scoped3A_239 : memref<!tpu.dma_semaphore, #tpu.memory_space<semaphore_mem>>) src(%arg5 : memref<2568xf32, #tpu.memory_space<hbm>>) dst(%dma_wait3A_243 : memref<2568xf32, #tpu.memory_space<vmem_shared>>)
      tpu.yield
    }) : () -> ()
    %mul3A_18 = arith.constant 2568 : i32
    %mul3A_19 = arith.muli %arg1, %mul3A_18 : i32
    %run_scoped3A_20 = arith.constant 6 : i32
    "tpu.region"() ({
      %run_scoped3A_239 = tpu.sem_alloc : memref<!tpu.dma_semaphore, #tpu.memory_space<semaphore_mem>>
      %dma_start3A_240 = tpu.memref_slice %arg10[%run_scoped3A_20, %mul3A_19] : memref<8x41088xf32, #tpu.memory_space<vmem_shared>> -> memref<1x2568xf32, #tpu.memory_space<vmem_shared>>
      %dma_start3A_241 = tpu.memref_squeeze %dma_start3A_240 : memref<1x2568xf32, #tpu.memory_space<vmem_shared>> -> memref<2568xf32, #tpu.memory_space<vmem_shared>>
      tpu.enqueue_dma source(%arg5 : memref<2568xf32, #tpu.memory_space<hbm>>) target(%dma_start3A_241 : memref<2568xf32, #tpu.memory_space<vmem_shared>>) target_semaphore(%run_scoped3A_239 : memref<!tpu.dma_semaphore, #tpu.memory_space<semaphore_mem>>)
      %dma_wait3A_242 = tpu.memref_slice %arg10[%run_scoped3A_20, %mul3A_19] : memref<8x41088xf32, #tpu.memory_space<vmem_shared>> -> memref<1x2568xf32, #tpu.memory_space<vmem_shared>>
      %dma_wait3A_243 = tpu.memref_squeeze %dma_wait3A_242 : memref<1x2568xf32, #tpu.memory_space<vmem_shared>> -> memref<2568xf32, #tpu.memory_space<vmem_shared>>
      tpu.wait_dma2 semaphore(%run_scoped3A_239 : memref<!tpu.dma_semaphore, #tpu.memory_space<semaphore_mem>>) src(%arg5 : memref<2568xf32, #tpu.memory_space<hbm>>) dst(%dma_wait3A_243 : memref<2568xf32, #tpu.memory_space<vmem_shared>>)
      tpu.yield
    }) : () -> ()
    %mul3A_21 = arith.constant 2568 : i32
    %mul3A_22 = arith.muli %arg1, %mul3A_21 : i32
    %run_scoped3A_23 = arith.constant 7 : i32
    "tpu.region"() ({
      %run_scoped3A_239 = tpu.sem_alloc : memref<!tpu.dma_semaphore, #tpu.memory_space<semaphore_mem>>
      %dma_start3A_240 = tpu.memref_slice %arg10[%run_scoped3A_23, %mul3A_22] : memref<8x41088xf32, #tpu.memory_space<vmem_shared>> -> memref<1x2568xf32, #tpu.memory_space<vmem_shared>>
      %dma_start3A_241 = tpu.memref_squeeze %dma_start3A_240 : memref<1x2568xf32, #tpu.memory_space<vmem_shared>> -> memref<2568xf32, #tpu.memory_space<vmem_shared>>
      tpu.enqueue_dma source(%arg5 : memref<2568xf32, #tpu.memory_space<hbm>>) target(%dma_start3A_241 : memref<2568xf32, #tpu.memory_space<vmem_shared>>) target_semaphore(%run_scoped3A_239 : memref<!tpu.dma_semaphore, #tpu.memory_space<semaphore_mem>>)
      %dma_wait3A_242 = tpu.memref_slice %arg10[%run_scoped3A_23, %mul3A_22] : memref<8x41088xf32, #tpu.memory_space<vmem_shared>> -> memref<1x2568xf32, #tpu.memory_space<vmem_shared>>
      %dma_wait3A_243 = tpu.memref_squeeze %dma_wait3A_242 : memref<1x2568xf32, #tpu.memory_space<vmem_shared>> -> memref<2568xf32, #tpu.memory_space<vmem_shared>>
      tpu.wait_dma2 semaphore(%run_scoped3A_239 : memref<!tpu.dma_semaphore, #tpu.memory_space<semaphore_mem>>) src(%arg5 : memref<2568xf32, #tpu.memory_space<hbm>>) dst(%dma_wait3A_243 : memref<2568xf32, #tpu.memory_space<vmem_shared>>)
      tpu.yield
    }) : () -> ()
    %mul3A_24 = arith.constant 9376 : i32
    %mul3A_25 = arith.muli %add3A, %mul3A_24 : i32
    "tpu.region"() ({
      %run_scoped3A_239 = tpu.sem_alloc : memref<!tpu.dma_semaphore, #tpu.memory_space<semaphore_mem>>
      %dma_start3A_240 = tpu.memref_slice %arg3[%mul3A_25] : memref<300032xi32, #tpu.memory_space<hbm>> -> memref<9376xi32, #tpu.memory_space<hbm>>
      %dma_start3A_241 = tpu.memref_slice %arg3[%mul3A_25] : memref<300032xi32, #tpu.memory_space<hbm>> -> memref<9376xi32, #tpu.memory_space<hbm>>
      tpu.enqueue_dma source(%dma_start3A_241 : memref<9376xi32, #tpu.memory_space<hbm>>) target(%arg7 : memref<9376xi32, #tpu.memory_space<vmem>>) target_semaphore(%run_scoped3A_239 : memref<!tpu.dma_semaphore, #tpu.memory_space<semaphore_mem>>)
      %dma_wait3A_242 = tpu.memref_slice %arg3[%mul3A_25] : memref<300032xi32, #tpu.memory_space<hbm>> -> memref<9376xi32, #tpu.memory_space<hbm>>
      %dma_wait3A_243 = tpu.memref_slice %arg3[%mul3A_25] : memref<300032xi32, #tpu.memory_space<hbm>> -> memref<9376xi32, #tpu.memory_space<hbm>>
      tpu.wait_dma2 semaphore(%run_scoped3A_239 : memref<!tpu.dma_semaphore, #tpu.memory_space<semaphore_mem>>) src(%dma_wait3A_243 : memref<9376xi32, #tpu.memory_space<hbm>>) dst(%arg7 : memref<9376xi32, #tpu.memory_space<vmem>>)
      tpu.yield
    }) : () -> ()
    %dma_start3A = arith.constant 0 : i32
    %dma_start3A_26 = tpu.memref_slice %arg4[%dma_start3A] : memref<2621448xi32, #tpu.memory_space<hbm>> -> memref<2621448xi32, #tpu.memory_space<hbm>>
    tpu.enqueue_indirect_dma source(%dma_start3A_26 : memref<2621448xi32, #tpu.memory_space<hbm>>) target(%arg8 : memref<9376xi32, #tpu.memory_space<vmem>>) offsets(%arg7 : memref<9376xi32, #tpu.memory_space<vmem>>) semaphore(%arg11 : memref<!tpu.dma_semaphore, #tpu.memory_space<semaphore_mem>>)
    %dma_wait3A = arith.constant 0 : i32
    %dma_wait3A_27 = tpu.memref_slice %arg4[%dma_wait3A] : memref<2621448xi32, #tpu.memory_space<hbm>> -> memref<2621448xi32, #tpu.memory_space<hbm>>
    tpu.wait_indirect_dma semaphore(%arg11 : memref<!tpu.dma_semaphore, #tpu.memory_space<semaphore_mem>>) src(%dma_wait3A_27 : memref<2621448xi32, #tpu.memory_space<hbm>>) dst(%arg8 : memref<9376xi32, #tpu.memory_space<vmem>>)
    %barrier3A = arith.constant 0 : index
    tpu.barrier barrier_id(%barrier3A)
    %mul3A_28 = arith.constant 9376 : i32
    %mul3A_29 = arith.muli %add3A, %mul3A_28 : i32
    "tpu.region"() ({
      %run_scoped3A_239 = tpu.sem_alloc : memref<!tpu.dma_semaphore, #tpu.memory_space<semaphore_mem>>
      %dma_start3A_240 = arith.constant 0 : i32
      %dma_start3A_241 = tpu.memref_slice %arg2[%dma_start3A_240, %mul3A_29] : memref<8x300032xf32, #tpu.memory_space<hbm>> -> memref<8x9376xf32, #tpu.memory_space<hbm>>
      %dma_start3A_242 = arith.constant 0 : i32
      %dma_start3A_243 = tpu.memref_slice %arg2[%dma_start3A_242, %mul3A_29] : memref<8x300032xf32, #tpu.memory_space<hbm>> -> memref<8x9376xf32, #tpu.memory_space<hbm>>
      tpu.enqueue_dma source(%dma_start3A_243 : memref<8x9376xf32, #tpu.memory_space<hbm>>) target(%arg9 : memref<8x9376xf32, #tpu.memory_space<vmem>>) target_semaphore(%run_scoped3A_239 : memref<!tpu.dma_semaphore, #tpu.memory_space<semaphore_mem>>)
      %dma_wait3A_244 = arith.constant 0 : i32
      %dma_wait3A_245 = tpu.memref_slice %arg2[%dma_wait3A_244, %mul3A_29] : memref<8x300032xf32, #tpu.memory_space<hbm>> -> memref<8x9376xf32, #tpu.memory_space<hbm>>
      %dma_wait3A_246 = arith.constant 0 : i32
      %dma_wait3A_247 = tpu.memref_slice %arg2[%dma_wait3A_246, %mul3A_29] : memref<8x300032xf32, #tpu.memory_space<hbm>> -> memref<8x9376xf32, #tpu.memory_space<hbm>>
      tpu.wait_dma2 semaphore(%run_scoped3A_239 : memref<!tpu.dma_semaphore, #tpu.memory_space<semaphore_mem>>) src(%dma_wait3A_247 : memref<8x9376xf32, #tpu.memory_space<hbm>>) dst(%arg9 : memref<8x9376xf32, #tpu.memory_space<vmem>>)
      tpu.yield
    }) : () -> ()
    %dma_start3A_30 = arith.constant 0 : i32
    %dma_start3A_31 = arith.constant 0 : i32
    %dma_start3A_32 = arith.constant 0 : i32
    %dma_start3A_33 = tpu.memref_slice %arg9[%dma_start3A_30, %dma_start3A_32] : memref<8x9376xf32, #tpu.memory_space<vmem>> -> memref<1x9376xf32, #tpu.memory_space<vmem>>
    %dma_start3A_34 = tpu.memref_squeeze %dma_start3A_33 : memref<1x9376xf32, #tpu.memory_space<vmem>> -> memref<9376xf32, #tpu.memory_space<vmem>>
    %dma_start3A_35 = arith.constant 0 : i32
    %dma_start3A_36 = tpu.memref_slice %arg10[%dma_start3A_31, %dma_start3A_35] : memref<8x41088xf32, #tpu.memory_space<vmem_shared>> -> memref<1x41088xf32, #tpu.memory_space<vmem_shared>>
    %dma_start3A_37 = tpu.memref_squeeze %dma_start3A_36 : memref<1x41088xf32, #tpu.memory_space<vmem_shared>> -> memref<41088xf32, #tpu.memory_space<vmem_shared>>
    %dma_start3A_38 = arith.constant 0 : i32
    %dma_start3A_39 = tpu.memref_slice %dma_start3A_37[%dma_start3A_38] : memref<41088xf32, #tpu.memory_space<vmem_shared>> -> memref<41088xf32, #tpu.memory_space<vmem_shared>>
    tpu.enqueue_indirect_dma source(%dma_start3A_34 : memref<9376xf32, #tpu.memory_space<vmem>>) target(%dma_start3A_39 : memref<41088xf32, #tpu.memory_space<vmem_shared>>) offsets(%arg8 : memref<9376xi32, #tpu.memory_space<vmem>>) semaphore(%arg11 : memref<!tpu.dma_semaphore, #tpu.memory_space<semaphore_mem>>) {add = true}
    %dma_start3A_40 = arith.constant 1 : i32
    %dma_start3A_41 = arith.constant 1 : i32
    %dma_start3A_42 = arith.constant 0 : i32
    %dma_start3A_43 = tpu.memref_slice %arg9[%dma_start3A_40, %dma_start3A_42] : memref<8x9376xf32, #tpu.memory_space<vmem>> -> memref<1x9376xf32, #tpu.memory_space<vmem>>
    %dma_start3A_44 = tpu.memref_squeeze %dma_start3A_43 : memref<1x9376xf32, #tpu.memory_space<vmem>> -> memref<9376xf32, #tpu.memory_space<vmem>>
    %dma_start3A_45 = arith.constant 0 : i32
    %dma_start3A_46 = tpu.memref_slice %arg10[%dma_start3A_41, %dma_start3A_45] : memref<8x41088xf32, #tpu.memory_space<vmem_shared>> -> memref<1x41088xf32, #tpu.memory_space<vmem_shared>>
    %dma_start3A_47 = tpu.memref_squeeze %dma_start3A_46 : memref<1x41088xf32, #tpu.memory_space<vmem_shared>> -> memref<41088xf32, #tpu.memory_space<vmem_shared>>
    %dma_start3A_48 = arith.constant 0 : i32
    %dma_start3A_49 = tpu.memref_slice %dma_start3A_47[%dma_start3A_48] : memref<41088xf32, #tpu.memory_space<vmem_shared>> -> memref<41088xf32, #tpu.memory_space<vmem_shared>>
    tpu.enqueue_indirect_dma source(%dma_start3A_44 : memref<9376xf32, #tpu.memory_space<vmem>>) target(%dma_start3A_49 : memref<41088xf32, #tpu.memory_space<vmem_shared>>) offsets(%arg8 : memref<9376xi32, #tpu.memory_space<vmem>>) semaphore(%arg11 : memref<!tpu.dma_semaphore, #tpu.memory_space<semaphore_mem>>) {add = true}
    %dma_start3A_50 = arith.constant 2 : i32
    %dma_start3A_51 = arith.constant 2 : i32
    %dma_start3A_52 = arith.constant 0 : i32
    %dma_start3A_53 = tpu.memref_slice %arg9[%dma_start3A_50, %dma_start3A_52] : memref<8x9376xf32, #tpu.memory_space<vmem>> -> memref<1x9376xf32, #tpu.memory_space<vmem>>
    %dma_start3A_54 = tpu.memref_squeeze %dma_start3A_53 : memref<1x9376xf32, #tpu.memory_space<vmem>> -> memref<9376xf32, #tpu.memory_space<vmem>>
    %dma_start3A_55 = arith.constant 0 : i32
    %dma_start3A_56 = tpu.memref_slice %arg10[%dma_start3A_51, %dma_start3A_55] : memref<8x41088xf32, #tpu.memory_space<vmem_shared>> -> memref<1x41088xf32, #tpu.memory_space<vmem_shared>>
    %dma_start3A_57 = tpu.memref_squeeze %dma_start3A_56 : memref<1x41088xf32, #tpu.memory_space<vmem_shared>> -> memref<41088xf32, #tpu.memory_space<vmem_shared>>
    %dma_start3A_58 = arith.constant 0 : i32
    %dma_start3A_59 = tpu.memref_slice %dma_start3A_57[%dma_start3A_58] : memref<41088xf32, #tpu.memory_space<vmem_shared>> -> memref<41088xf32, #tpu.memory_space<vmem_shared>>
    tpu.enqueue_indirect_dma source(%dma_start3A_54 : memref<9376xf32, #tpu.memory_space<vmem>>) target(%dma_start3A_59 : memref<41088xf32, #tpu.memory_space<vmem_shared>>) offsets(%arg8 : memref<9376xi32, #tpu.memory_space<vmem>>) semaphore(%arg11 : memref<!tpu.dma_semaphore, #tpu.memory_space<semaphore_mem>>) {add = true}
    %dma_start3A_60 = arith.constant 3 : i32
    %dma_start3A_61 = arith.constant 3 : i32
    %dma_start3A_62 = arith.constant 0 : i32
    %dma_start3A_63 = tpu.memref_slice %arg9[%dma_start3A_60, %dma_start3A_62] : memref<8x9376xf32, #tpu.memory_space<vmem>> -> memref<1x9376xf32, #tpu.memory_space<vmem>>
    %dma_start3A_64 = tpu.memref_squeeze %dma_start3A_63 : memref<1x9376xf32, #tpu.memory_space<vmem>> -> memref<9376xf32, #tpu.memory_space<vmem>>
    %dma_start3A_65 = arith.constant 0 : i32
    %dma_start3A_66 = tpu.memref_slice %arg10[%dma_start3A_61, %dma_start3A_65] : memref<8x41088xf32, #tpu.memory_space<vmem_shared>> -> memref<1x41088xf32, #tpu.memory_space<vmem_shared>>
    %dma_start3A_67 = tpu.memref_squeeze %dma_start3A_66 : memref<1x41088xf32, #tpu.memory_space<vmem_shared>> -> memref<41088xf32, #tpu.memory_space<vmem_shared>>
    %dma_start3A_68 = arith.constant 0 : i32
    %dma_start3A_69 = tpu.memref_slice %dma_start3A_67[%dma_start3A_68] : memref<41088xf32, #tpu.memory_space<vmem_shared>> -> memref<41088xf32, #tpu.memory_space<vmem_shared>>
    tpu.enqueue_indirect_dma source(%dma_start3A_64 : memref<9376xf32, #tpu.memory_space<vmem>>) target(%dma_start3A_69 : memref<41088xf32, #tpu.memory_space<vmem_shared>>) offsets(%arg8 : memref<9376xi32, #tpu.memory_space<vmem>>) semaphore(%arg11 : memref<!tpu.dma_semaphore, #tpu.memory_space<semaphore_mem>>) {add = true}
    %dma_start3A_70 = arith.constant 4 : i32
    %dma_start3A_71 = arith.constant 4 : i32
    %dma_start3A_72 = arith.constant 0 : i32
    %dma_start3A_73 = tpu.memref_slice %arg9[%dma_start3A_70, %dma_start3A_72] : memref<8x9376xf32, #tpu.memory_space<vmem>> -> memref<1x9376xf32, #tpu.memory_space<vmem>>
    %dma_start3A_74 = tpu.memref_squeeze %dma_start3A_73 : memref<1x9376xf32, #tpu.memory_space<vmem>> -> memref<9376xf32, #tpu.memory_space<vmem>>
    %dma_start3A_75 = arith.constant 0 : i32
    %dma_start3A_76 = tpu.memref_slice %arg10[%dma_start3A_71, %dma_start3A_75] : memref<8x41088xf32, #tpu.memory_space<vmem_shared>> -> memref<1x41088xf32, #tpu.memory_space<vmem_shared>>
    %dma_start3A_77 = tpu.memref_squeeze %dma_start3A_76 : memref<1x41088xf32, #tpu.memory_space<vmem_shared>> -> memref<41088xf32, #tpu.memory_space<vmem_shared>>
    %dma_start3A_78 = arith.constant 0 : i32
    %dma_start3A_79 = tpu.memref_slice %dma_start3A_77[%dma_start3A_78] : memref<41088xf32, #tpu.memory_space<vmem_shared>> -> memref<41088xf32, #tpu.memory_space<vmem_shared>>
    tpu.enqueue_indirect_dma source(%dma_start3A_74 : memref<9376xf32, #tpu.memory_space<vmem>>) target(%dma_start3A_79 : memref<41088xf32, #tpu.memory_space<vmem_shared>>) offsets(%arg8 : memref<9376xi32, #tpu.memory_space<vmem>>) semaphore(%arg11 : memref<!tpu.dma_semaphore, #tpu.memory_space<semaphore_mem>>) {add = true}
    %dma_start3A_80 = arith.constant 5 : i32
    %dma_start3A_81 = arith.constant 5 : i32
    %dma_start3A_82 = arith.constant 0 : i32
    %dma_start3A_83 = tpu.memref_slice %arg9[%dma_start3A_80, %dma_start3A_82] : memref<8x9376xf32, #tpu.memory_space<vmem>> -> memref<1x9376xf32, #tpu.memory_space<vmem>>
    %dma_start3A_84 = tpu.memref_squeeze %dma_start3A_83 : memref<1x9376xf32, #tpu.memory_space<vmem>> -> memref<9376xf32, #tpu.memory_space<vmem>>
    %dma_start3A_85 = arith.constant 0 : i32
    %dma_start3A_86 = tpu.memref_slice %arg10[%dma_start3A_81, %dma_start3A_85] : memref<8x41088xf32, #tpu.memory_space<vmem_shared>> -> memref<1x41088xf32, #tpu.memory_space<vmem_shared>>
    %dma_start3A_87 = tpu.memref_squeeze %dma_start3A_86 : memref<1x41088xf32, #tpu.memory_space<vmem_shared>> -> memref<41088xf32, #tpu.memory_space<vmem_shared>>
    %dma_start3A_88 = arith.constant 0 : i32
    %dma_start3A_89 = tpu.memref_slice %dma_start3A_87[%dma_start3A_88] : memref<41088xf32, #tpu.memory_space<vmem_shared>> -> memref<41088xf32, #tpu.memory_space<vmem_shared>>
    tpu.enqueue_indirect_dma source(%dma_start3A_84 : memref<9376xf32, #tpu.memory_space<vmem>>) target(%dma_start3A_89 : memref<41088xf32, #tpu.memory_space<vmem_shared>>) offsets(%arg8 : memref<9376xi32, #tpu.memory_space<vmem>>) semaphore(%arg11 : memref<!tpu.dma_semaphore, #tpu.memory_space<semaphore_mem>>) {add = true}
    %dma_start3A_90 = arith.constant 6 : i32
    %dma_start3A_91 = arith.constant 6 : i32
    %dma_start3A_92 = arith.constant 0 : i32
    %dma_start3A_93 = tpu.memref_slice %arg9[%dma_start3A_90, %dma_start3A_92] : memref<8x9376xf32, #tpu.memory_space<vmem>> -> memref<1x9376xf32, #tpu.memory_space<vmem>>
    %dma_start3A_94 = tpu.memref_squeeze %dma_start3A_93 : memref<1x9376xf32, #tpu.memory_space<vmem>> -> memref<9376xf32, #tpu.memory_space<vmem>>
    %dma_start3A_95 = arith.constant 0 : i32
    %dma_start3A_96 = tpu.memref_slice %arg10[%dma_start3A_91, %dma_start3A_95] : memref<8x41088xf32, #tpu.memory_space<vmem_shared>> -> memref<1x41088xf32, #tpu.memory_space<vmem_shared>>
    %dma_start3A_97 = tpu.memref_squeeze %dma_start3A_96 : memref<1x41088xf32, #tpu.memory_space<vmem_shared>> -> memref<41088xf32, #tpu.memory_space<vmem_shared>>
    %dma_start3A_98 = arith.constant 0 : i32
    %dma_start3A_99 = tpu.memref_slice %dma_start3A_97[%dma_start3A_98] : memref<41088xf32, #tpu.memory_space<vmem_shared>> -> memref<41088xf32, #tpu.memory_space<vmem_shared>>
    tpu.enqueue_indirect_dma source(%dma_start3A_94 : memref<9376xf32, #tpu.memory_space<vmem>>) target(%dma_start3A_99 : memref<41088xf32, #tpu.memory_space<vmem_shared>>) offsets(%arg8 : memref<9376xi32, #tpu.memory_space<vmem>>) semaphore(%arg11 : memref<!tpu.dma_semaphore, #tpu.memory_space<semaphore_mem>>) {add = true}
    %dma_start3A_100 = arith.constant 7 : i32
    %dma_start3A_101 = arith.constant 7 : i32
    %dma_start3A_102 = arith.constant 0 : i32
    %dma_start3A_103 = tpu.memref_slice %arg9[%dma_start3A_100, %dma_start3A_102] : memref<8x9376xf32, #tpu.memory_space<vmem>> -> memref<1x9376xf32, #tpu.memory_space<vmem>>
    %dma_start3A_104 = tpu.memref_squeeze %dma_start3A_103 : memref<1x9376xf32, #tpu.memory_space<vmem>> -> memref<9376xf32, #tpu.memory_space<vmem>>
    %dma_start3A_105 = arith.constant 0 : i32
    %dma_start3A_106 = tpu.memref_slice %arg10[%dma_start3A_101, %dma_start3A_105] : memref<8x41088xf32, #tpu.memory_space<vmem_shared>> -> memref<1x41088xf32, #tpu.memory_space<vmem_shared>>
    %dma_start3A_107 = tpu.memref_squeeze %dma_start3A_106 : memref<1x41088xf32, #tpu.memory_space<vmem_shared>> -> memref<41088xf32, #tpu.memory_space<vmem_shared>>
    %dma_start3A_108 = arith.constant 0 : i32
    %dma_start3A_109 = tpu.memref_slice %dma_start3A_107[%dma_start3A_108] : memref<41088xf32, #tpu.memory_space<vmem_shared>> -> memref<41088xf32, #tpu.memory_space<vmem_shared>>
    tpu.enqueue_indirect_dma source(%dma_start3A_104 : memref<9376xf32, #tpu.memory_space<vmem>>) target(%dma_start3A_109 : memref<41088xf32, #tpu.memory_space<vmem_shared>>) offsets(%arg8 : memref<9376xi32, #tpu.memory_space<vmem>>) semaphore(%arg11 : memref<!tpu.dma_semaphore, #tpu.memory_space<semaphore_mem>>) {add = true}
    %dma_wait3A_110 = arith.constant 0 : i32
    %dma_wait3A_111 = arith.constant 0 : i32
    %dma_wait3A_112 = arith.constant 0 : i32
    %dma_wait3A_113 = tpu.memref_slice %arg9[%dma_wait3A_110, %dma_wait3A_112] : memref<8x9376xf32, #tpu.memory_space<vmem>> -> memref<1x9376xf32, #tpu.memory_space<vmem>>
    %dma_wait3A_114 = tpu.memref_squeeze %dma_wait3A_113 : memref<1x9376xf32, #tpu.memory_space<vmem>> -> memref<9376xf32, #tpu.memory_space<vmem>>
    %dma_wait3A_115 = arith.constant 0 : i32
    %dma_wait3A_116 = tpu.memref_slice %arg10[%dma_wait3A_111, %dma_wait3A_115] : memref<8x41088xf32, #tpu.memory_space<vmem_shared>> -> memref<1x41088xf32, #tpu.memory_space<vmem_shared>>
    %dma_wait3A_117 = tpu.memref_squeeze %dma_wait3A_116 : memref<1x41088xf32, #tpu.memory_space<vmem_shared>> -> memref<41088xf32, #tpu.memory_space<vmem_shared>>
    %dma_wait3A_118 = arith.constant 0 : i32
    %dma_wait3A_119 = tpu.memref_slice %dma_wait3A_117[%dma_wait3A_118] : memref<41088xf32, #tpu.memory_space<vmem_shared>> -> memref<41088xf32, #tpu.memory_space<vmem_shared>>
    tpu.wait_indirect_dma semaphore(%arg11 : memref<!tpu.dma_semaphore, #tpu.memory_space<semaphore_mem>>) src(%dma_wait3A_114 : memref<9376xf32, #tpu.memory_space<vmem>>) dst(%dma_wait3A_119 : memref<41088xf32, #tpu.memory_space<vmem_shared>>)
    %dma_wait3A_120 = arith.constant 1 : i32
    %dma_wait3A_121 = arith.constant 1 : i32
    %dma_wait3A_122 = arith.constant 0 : i32
    %dma_wait3A_123 = tpu.memref_slice %arg9[%dma_wait3A_120, %dma_wait3A_122] : memref<8x9376xf32, #tpu.memory_space<vmem>> -> memref<1x9376xf32, #tpu.memory_space<vmem>>
    %dma_wait3A_124 = tpu.memref_squeeze %dma_wait3A_123 : memref<1x9376xf32, #tpu.memory_space<vmem>> -> memref<9376xf32, #tpu.memory_space<vmem>>
    %dma_wait3A_125 = arith.constant 0 : i32
    %dma_wait3A_126 = tpu.memref_slice %arg10[%dma_wait3A_121, %dma_wait3A_125] : memref<8x41088xf32, #tpu.memory_space<vmem_shared>> -> memref<1x41088xf32, #tpu.memory_space<vmem_shared>>
    %dma_wait3A_127 = tpu.memref_squeeze %dma_wait3A_126 : memref<1x41088xf32, #tpu.memory_space<vmem_shared>> -> memref<41088xf32, #tpu.memory_space<vmem_shared>>
    %dma_wait3A_128 = arith.constant 0 : i32
    %dma_wait3A_129 = tpu.memref_slice %dma_wait3A_127[%dma_wait3A_128] : memref<41088xf32, #tpu.memory_space<vmem_shared>> -> memref<41088xf32, #tpu.memory_space<vmem_shared>>
    tpu.wait_indirect_dma semaphore(%arg11 : memref<!tpu.dma_semaphore, #tpu.memory_space<semaphore_mem>>) src(%dma_wait3A_124 : memref<9376xf32, #tpu.memory_space<vmem>>) dst(%dma_wait3A_129 : memref<41088xf32, #tpu.memory_space<vmem_shared>>)
    %dma_wait3A_130 = arith.constant 2 : i32
    %dma_wait3A_131 = arith.constant 2 : i32
    %dma_wait3A_132 = arith.constant 0 : i32
    %dma_wait3A_133 = tpu.memref_slice %arg9[%dma_wait3A_130, %dma_wait3A_132] : memref<8x9376xf32, #tpu.memory_space<vmem>> -> memref<1x9376xf32, #tpu.memory_space<vmem>>
    %dma_wait3A_134 = tpu.memref_squeeze %dma_wait3A_133 : memref<1x9376xf32, #tpu.memory_space<vmem>> -> memref<9376xf32, #tpu.memory_space<vmem>>
    %dma_wait3A_135 = arith.constant 0 : i32
    %dma_wait3A_136 = tpu.memref_slice %arg10[%dma_wait3A_131, %dma_wait3A_135] : memref<8x41088xf32, #tpu.memory_space<vmem_shared>> -> memref<1x41088xf32, #tpu.memory_space<vmem_shared>>
    %dma_wait3A_137 = tpu.memref_squeeze %dma_wait3A_136 : memref<1x41088xf32, #tpu.memory_space<vmem_shared>> -> memref<41088xf32, #tpu.memory_space<vmem_shared>>
    %dma_wait3A_138 = arith.constant 0 : i32
    %dma_wait3A_139 = tpu.memref_slice %dma_wait3A_137[%dma_wait3A_138] : memref<41088xf32, #tpu.memory_space<vmem_shared>> -> memref<41088xf32, #tpu.memory_space<vmem_shared>>
    tpu.wait_indirect_dma semaphore(%arg11 : memref<!tpu.dma_semaphore, #tpu.memory_space<semaphore_mem>>) src(%dma_wait3A_134 : memref<9376xf32, #tpu.memory_space<vmem>>) dst(%dma_wait3A_139 : memref<41088xf32, #tpu.memory_space<vmem_shared>>)
    %dma_wait3A_140 = arith.constant 3 : i32
    %dma_wait3A_141 = arith.constant 3 : i32
    %dma_wait3A_142 = arith.constant 0 : i32
    %dma_wait3A_143 = tpu.memref_slice %arg9[%dma_wait3A_140, %dma_wait3A_142] : memref<8x9376xf32, #tpu.memory_space<vmem>> -> memref<1x9376xf32, #tpu.memory_space<vmem>>
    %dma_wait3A_144 = tpu.memref_squeeze %dma_wait3A_143 : memref<1x9376xf32, #tpu.memory_space<vmem>> -> memref<9376xf32, #tpu.memory_space<vmem>>
    %dma_wait3A_145 = arith.constant 0 : i32
    %dma_wait3A_146 = tpu.memref_slice %arg10[%dma_wait3A_141, %dma_wait3A_145] : memref<8x41088xf32, #tpu.memory_space<vmem_shared>> -> memref<1x41088xf32, #tpu.memory_space<vmem_shared>>
    %dma_wait3A_147 = tpu.memref_squeeze %dma_wait3A_146 : memref<1x41088xf32, #tpu.memory_space<vmem_shared>> -> memref<41088xf32, #tpu.memory_space<vmem_shared>>
    %dma_wait3A_148 = arith.constant 0 : i32
    %dma_wait3A_149 = tpu.memref_slice %dma_wait3A_147[%dma_wait3A_148] : memref<41088xf32, #tpu.memory_space<vmem_shared>> -> memref<41088xf32, #tpu.memory_space<vmem_shared>>
    tpu.wait_indirect_dma semaphore(%arg11 : memref<!tpu.dma_semaphore, #tpu.memory_space<semaphore_mem>>) src(%dma_wait3A_144 : memref<9376xf32, #tpu.memory_space<vmem>>) dst(%dma_wait3A_149 : memref<41088xf32, #tpu.memory_space<vmem_shared>>)
    %dma_wait3A_150 = arith.constant 4 : i32
    %dma_wait3A_151 = arith.constant 4 : i32
    %dma_wait3A_152 = arith.constant 0 : i32
    %dma_wait3A_153 = tpu.memref_slice %arg9[%dma_wait3A_150, %dma_wait3A_152] : memref<8x9376xf32, #tpu.memory_space<vmem>> -> memref<1x9376xf32, #tpu.memory_space<vmem>>
    %dma_wait3A_154 = tpu.memref_squeeze %dma_wait3A_153 : memref<1x9376xf32, #tpu.memory_space<vmem>> -> memref<9376xf32, #tpu.memory_space<vmem>>
    %dma_wait3A_155 = arith.constant 0 : i32
    %dma_wait3A_156 = tpu.memref_slice %arg10[%dma_wait3A_151, %dma_wait3A_155] : memref<8x41088xf32, #tpu.memory_space<vmem_shared>> -> memref<1x41088xf32, #tpu.memory_space<vmem_shared>>
    %dma_wait3A_157 = tpu.memref_squeeze %dma_wait3A_156 : memref<1x41088xf32, #tpu.memory_space<vmem_shared>> -> memref<41088xf32, #tpu.memory_space<vmem_shared>>
    %dma_wait3A_158 = arith.constant 0 : i32
    %dma_wait3A_159 = tpu.memref_slice %dma_wait3A_157[%dma_wait3A_158] : memref<41088xf32, #tpu.memory_space<vmem_shared>> -> memref<41088xf32, #tpu.memory_space<vmem_shared>>
    tpu.wait_indirect_dma semaphore(%arg11 : memref<!tpu.dma_semaphore, #tpu.memory_space<semaphore_mem>>) src(%dma_wait3A_154 : memref<9376xf32, #tpu.memory_space<vmem>>) dst(%dma_wait3A_159 : memref<41088xf32, #tpu.memory_space<vmem_shared>>)
    %dma_wait3A_160 = arith.constant 5 : i32
    %dma_wait3A_161 = arith.constant 5 : i32
    %dma_wait3A_162 = arith.constant 0 : i32
    %dma_wait3A_163 = tpu.memref_slice %arg9[%dma_wait3A_160, %dma_wait3A_162] : memref<8x9376xf32, #tpu.memory_space<vmem>> -> memref<1x9376xf32, #tpu.memory_space<vmem>>
    %dma_wait3A_164 = tpu.memref_squeeze %dma_wait3A_163 : memref<1x9376xf32, #tpu.memory_space<vmem>> -> memref<9376xf32, #tpu.memory_space<vmem>>
    %dma_wait3A_165 = arith.constant 0 : i32
    %dma_wait3A_166 = tpu.memref_slice %arg10[%dma_wait3A_161, %dma_wait3A_165] : memref<8x41088xf32, #tpu.memory_space<vmem_shared>> -> memref<1x41088xf32, #tpu.memory_space<vmem_shared>>
    %dma_wait3A_167 = tpu.memref_squeeze %dma_wait3A_166 : memref<1x41088xf32, #tpu.memory_space<vmem_shared>> -> memref<41088xf32, #tpu.memory_space<vmem_shared>>
    %dma_wait3A_168 = arith.constant 0 : i32
    %dma_wait3A_169 = tpu.memref_slice %dma_wait3A_167[%dma_wait3A_168] : memref<41088xf32, #tpu.memory_space<vmem_shared>> -> memref<41088xf32, #tpu.memory_space<vmem_shared>>
    tpu.wait_indirect_dma semaphore(%arg11 : memref<!tpu.dma_semaphore, #tpu.memory_space<semaphore_mem>>) src(%dma_wait3A_164 : memref<9376xf32, #tpu.memory_space<vmem>>) dst(%dma_wait3A_169 : memref<41088xf32, #tpu.memory_space<vmem_shared>>)
    %dma_wait3A_170 = arith.constant 6 : i32
    %dma_wait3A_171 = arith.constant 6 : i32
    %dma_wait3A_172 = arith.constant 0 : i32
    %dma_wait3A_173 = tpu.memref_slice %arg9[%dma_wait3A_170, %dma_wait3A_172] : memref<8x9376xf32, #tpu.memory_space<vmem>> -> memref<1x9376xf32, #tpu.memory_space<vmem>>
    %dma_wait3A_174 = tpu.memref_squeeze %dma_wait3A_173 : memref<1x9376xf32, #tpu.memory_space<vmem>> -> memref<9376xf32, #tpu.memory_space<vmem>>
    %dma_wait3A_175 = arith.constant 0 : i32
    %dma_wait3A_176 = tpu.memref_slice %arg10[%dma_wait3A_171, %dma_wait3A_175] : memref<8x41088xf32, #tpu.memory_space<vmem_shared>> -> memref<1x41088xf32, #tpu.memory_space<vmem_shared>>
    %dma_wait3A_177 = tpu.memref_squeeze %dma_wait3A_176 : memref<1x41088xf32, #tpu.memory_space<vmem_shared>> -> memref<41088xf32, #tpu.memory_space<vmem_shared>>
    %dma_wait3A_178 = arith.constant 0 : i32
    %dma_wait3A_179 = tpu.memref_slice %dma_wait3A_177[%dma_wait3A_178] : memref<41088xf32, #tpu.memory_space<vmem_shared>> -> memref<41088xf32, #tpu.memory_space<vmem_shared>>
    tpu.wait_indirect_dma semaphore(%arg11 : memref<!tpu.dma_semaphore, #tpu.memory_space<semaphore_mem>>) src(%dma_wait3A_174 : memref<9376xf32, #tpu.memory_space<vmem>>) dst(%dma_wait3A_179 : memref<41088xf32, #tpu.memory_space<vmem_shared>>)
    %dma_wait3A_180 = arith.constant 7 : i32
    %dma_wait3A_181 = arith.constant 7 : i32
    %dma_wait3A_182 = arith.constant 0 : i32
    %dma_wait3A_183 = tpu.memref_slice %arg9[%dma_wait3A_180, %dma_wait3A_182] : memref<8x9376xf32, #tpu.memory_space<vmem>> -> memref<1x9376xf32, #tpu.memory_space<vmem>>
    %dma_wait3A_184 = tpu.memref_squeeze %dma_wait3A_183 : memref<1x9376xf32, #tpu.memory_space<vmem>> -> memref<9376xf32, #tpu.memory_space<vmem>>
    %dma_wait3A_185 = arith.constant 0 : i32
    %dma_wait3A_186 = tpu.memref_slice %arg10[%dma_wait3A_181, %dma_wait3A_185] : memref<8x41088xf32, #tpu.memory_space<vmem_shared>> -> memref<1x41088xf32, #tpu.memory_space<vmem_shared>>
    %dma_wait3A_187 = tpu.memref_squeeze %dma_wait3A_186 : memref<1x41088xf32, #tpu.memory_space<vmem_shared>> -> memref<41088xf32, #tpu.memory_space<vmem_shared>>
    %dma_wait3A_188 = arith.constant 0 : i32
    %dma_wait3A_189 = tpu.memref_slice %dma_wait3A_187[%dma_wait3A_188] : memref<41088xf32, #tpu.memory_space<vmem_shared>> -> memref<41088xf32, #tpu.memory_space<vmem_shared>>
    tpu.wait_indirect_dma semaphore(%arg11 : memref<!tpu.dma_semaphore, #tpu.memory_space<semaphore_mem>>) src(%dma_wait3A_184 : memref<9376xf32, #tpu.memory_space<vmem>>) dst(%dma_wait3A_189 : memref<41088xf32, #tpu.memory_space<vmem_shared>>)
    %barrier3A_190 = arith.constant 0 : index
    tpu.barrier barrier_id(%barrier3A_190)
    %mul3A_191 = arith.constant 2568 : i32
    %mul3A_192 = arith.muli %arg1, %mul3A_191 : i32
    %mul3A_193 = arith.constant 2568 : i32
    %mul3A_194 = arith.muli %arg1, %mul3A_193 : i32
    %run_scoped3A_195 = arith.constant 0 : i32
    %run_scoped3A_196 = arith.constant 0 : i32
    "tpu.region"() ({
      %run_scoped3A_239 = tpu.sem_alloc : memref<!tpu.dma_semaphore, #tpu.memory_space<semaphore_mem>>
      %dma_start3A_240 = tpu.memref_slice %arg6[%arg0, %run_scoped3A_196, %mul3A_194] : memref<2x8x41088xf32, #tpu.memory_space<hbm>> -> memref<1x1x2568xf32, #tpu.memory_space<hbm>>
      %dma_start3A_241 = tpu.memref_squeeze %dma_start3A_240 : memref<1x1x2568xf32, #tpu.memory_space<hbm>> -> memref<2568xf32, #tpu.memory_space<hbm>>
      %dma_start3A_242 = tpu.memref_slice %arg10[%run_scoped3A_195, %mul3A_192] : memref<8x41088xf32, #tpu.memory_space<vmem_shared>> -> memref<1x2568xf32, #tpu.memory_space<vmem_shared>>
      %dma_start3A_243 = tpu.memref_squeeze %dma_start3A_242 : memref<1x2568xf32, #tpu.memory_space<vmem_shared>> -> memref<2568xf32, #tpu.memory_space<vmem_shared>>
      tpu.enqueue_dma source(%dma_start3A_243 : memref<2568xf32, #tpu.memory_space<vmem_shared>>) target(%dma_start3A_241 : memref<2568xf32, #tpu.memory_space<hbm>>) target_semaphore(%run_scoped3A_239 : memref<!tpu.dma_semaphore, #tpu.memory_space<semaphore_mem>>)
      %dma_wait3A_244 = tpu.memref_slice %arg6[%arg0, %run_scoped3A_196, %mul3A_194] : memref<2x8x41088xf32, #tpu.memory_space<hbm>> -> memref<1x1x2568xf32, #tpu.memory_space<hbm>>
      %dma_wait3A_245 = tpu.memref_squeeze %dma_wait3A_244 : memref<1x1x2568xf32, #tpu.memory_space<hbm>> -> memref<2568xf32, #tpu.memory_space<hbm>>
      %dma_wait3A_246 = tpu.memref_slice %arg10[%run_scoped3A_195, %mul3A_192] : memref<8x41088xf32, #tpu.memory_space<vmem_shared>> -> memref<1x2568xf32, #tpu.memory_space<vmem_shared>>
      %dma_wait3A_247 = tpu.memref_squeeze %dma_wait3A_246 : memref<1x2568xf32, #tpu.memory_space<vmem_shared>> -> memref<2568xf32, #tpu.memory_space<vmem_shared>>
      tpu.wait_dma2 semaphore(%run_scoped3A_239 : memref<!tpu.dma_semaphore, #tpu.memory_space<semaphore_mem>>) src(%dma_wait3A_247 : memref<2568xf32, #tpu.memory_space<vmem_shared>>) dst(%dma_wait3A_245 : memref<2568xf32, #tpu.memory_space<hbm>>)
      tpu.yield
    }) : () -> ()
    %mul3A_197 = arith.constant 2568 : i32
    %mul3A_198 = arith.muli %arg1, %mul3A_197 : i32
    %mul3A_199 = arith.constant 2568 : i32
    %mul3A_200 = arith.muli %arg1, %mul3A_199 : i32
    %run_scoped3A_201 = arith.constant 1 : i32
    %run_scoped3A_202 = arith.constant 1 : i32
    "tpu.region"() ({
      %run_scoped3A_239 = tpu.sem_alloc : memref<!tpu.dma_semaphore, #tpu.memory_space<semaphore_mem>>
      %dma_start3A_240 = tpu.memref_slice %arg6[%arg0, %run_scoped3A_202, %mul3A_200] : memref<2x8x41088xf32, #tpu.memory_space<hbm>> -> memref<1x1x2568xf32, #tpu.memory_space<hbm>>
      %dma_start3A_241 = tpu.memref_squeeze %dma_start3A_240 : memref<1x1x2568xf32, #tpu.memory_space<hbm>> -> memref<2568xf32, #tpu.memory_space<hbm>>
      %dma_start3A_242 = tpu.memref_slice %arg10[%run_scoped3A_201, %mul3A_198] : memref<8x41088xf32, #tpu.memory_space<vmem_shared>> -> memref<1x2568xf32, #tpu.memory_space<vmem_shared>>
      %dma_start3A_243 = tpu.memref_squeeze %dma_start3A_242 : memref<1x2568xf32, #tpu.memory_space<vmem_shared>> -> memref<2568xf32, #tpu.memory_space<vmem_shared>>
      tpu.enqueue_dma source(%dma_start3A_243 : memref<2568xf32, #tpu.memory_space<vmem_shared>>) target(%dma_start3A_241 : memref<2568xf32, #tpu.memory_space<hbm>>) target_semaphore(%run_scoped3A_239 : memref<!tpu.dma_semaphore, #tpu.memory_space<semaphore_mem>>)
      %dma_wait3A_244 = tpu.memref_slice %arg6[%arg0, %run_scoped3A_202, %mul3A_200] : memref<2x8x41088xf32, #tpu.memory_space<hbm>> -> memref<1x1x2568xf32, #tpu.memory_space<hbm>>
      %dma_wait3A_245 = tpu.memref_squeeze %dma_wait3A_244 : memref<1x1x2568xf32, #tpu.memory_space<hbm>> -> memref<2568xf32, #tpu.memory_space<hbm>>
      %dma_wait3A_246 = tpu.memref_slice %arg10[%run_scoped3A_201, %mul3A_198] : memref<8x41088xf32, #tpu.memory_space<vmem_shared>> -> memref<1x2568xf32, #tpu.memory_space<vmem_shared>>
      %dma_wait3A_247 = tpu.memref_squeeze %dma_wait3A_246 : memref<1x2568xf32, #tpu.memory_space<vmem_shared>> -> memref<2568xf32, #tpu.memory_space<vmem_shared>>
      tpu.wait_dma2 semaphore(%run_scoped3A_239 : memref<!tpu.dma_semaphore, #tpu.memory_space<semaphore_mem>>) src(%dma_wait3A_247 : memref<2568xf32, #tpu.memory_space<vmem_shared>>) dst(%dma_wait3A_245 : memref<2568xf32, #tpu.memory_space<hbm>>)
      tpu.yield
    }) : () -> ()
    %mul3A_203 = arith.constant 2568 : i32
    %mul3A_204 = arith.muli %arg1, %mul3A_203 : i32
    %mul3A_205 = arith.constant 2568 : i32
    %mul3A_206 = arith.muli %arg1, %mul3A_205 : i32
    %run_scoped3A_207 = arith.constant 2 : i32
    %run_scoped3A_208 = arith.constant 2 : i32
    "tpu.region"() ({
      %run_scoped3A_239 = tpu.sem_alloc : memref<!tpu.dma_semaphore, #tpu.memory_space<semaphore_mem>>
      %dma_start3A_240 = tpu.memref_slice %arg6[%arg0, %run_scoped3A_208, %mul3A_206] : memref<2x8x41088xf32, #tpu.memory_space<hbm>> -> memref<1x1x2568xf32, #tpu.memory_space<hbm>>
      %dma_start3A_241 = tpu.memref_squeeze %dma_start3A_240 : memref<1x1x2568xf32, #tpu.memory_space<hbm>> -> memref<2568xf32, #tpu.memory_space<hbm>>
      %dma_start3A_242 = tpu.memref_slice %arg10[%run_scoped3A_207, %mul3A_204] : memref<8x41088xf32, #tpu.memory_space<vmem_shared>> -> memref<1x2568xf32, #tpu.memory_space<vmem_shared>>
      %dma_start3A_243 = tpu.memref_squeeze %dma_start3A_242 : memref<1x2568xf32, #tpu.memory_space<vmem_shared>> -> memref<2568xf32, #tpu.memory_space<vmem_shared>>
      tpu.enqueue_dma source(%dma_start3A_243 : memref<2568xf32, #tpu.memory_space<vmem_shared>>) target(%dma_start3A_241 : memref<2568xf32, #tpu.memory_space<hbm>>) target_semaphore(%run_scoped3A_239 : memref<!tpu.dma_semaphore, #tpu.memory_space<semaphore_mem>>)
      %dma_wait3A_244 = tpu.memref_slice %arg6[%arg0, %run_scoped3A_208, %mul3A_206] : memref<2x8x41088xf32, #tpu.memory_space<hbm>> -> memref<1x1x2568xf32, #tpu.memory_space<hbm>>
      %dma_wait3A_245 = tpu.memref_squeeze %dma_wait3A_244 : memref<1x1x2568xf32, #tpu.memory_space<hbm>> -> memref<2568xf32, #tpu.memory_space<hbm>>
      %dma_wait3A_246 = tpu.memref_slice %arg10[%run_scoped3A_207, %mul3A_204] : memref<8x41088xf32, #tpu.memory_space<vmem_shared>> -> memref<1x2568xf32, #tpu.memory_space<vmem_shared>>
      %dma_wait3A_247 = tpu.memref_squeeze %dma_wait3A_246 : memref<1x2568xf32, #tpu.memory_space<vmem_shared>> -> memref<2568xf32, #tpu.memory_space<vmem_shared>>
      tpu.wait_dma2 semaphore(%run_scoped3A_239 : memref<!tpu.dma_semaphore, #tpu.memory_space<semaphore_mem>>) src(%dma_wait3A_247 : memref<2568xf32, #tpu.memory_space<vmem_shared>>) dst(%dma_wait3A_245 : memref<2568xf32, #tpu.memory_space<hbm>>)
      tpu.yield
    }) : () -> ()
    %mul3A_209 = arith.constant 2568 : i32
    %mul3A_210 = arith.muli %arg1, %mul3A_209 : i32
    %mul3A_211 = arith.constant 2568 : i32
    %mul3A_212 = arith.muli %arg1, %mul3A_211 : i32
    %run_scoped3A_213 = arith.constant 3 : i32
    %run_scoped3A_214 = arith.constant 3 : i32
    "tpu.region"() ({
      %run_scoped3A_239 = tpu.sem_alloc : memref<!tpu.dma_semaphore, #tpu.memory_space<semaphore_mem>>
      %dma_start3A_240 = tpu.memref_slice %arg6[%arg0, %run_scoped3A_214, %mul3A_212] : memref<2x8x41088xf32, #tpu.memory_space<hbm>> -> memref<1x1x2568xf32, #tpu.memory_space<hbm>>
      %dma_start3A_241 = tpu.memref_squeeze %dma_start3A_240 : memref<1x1x2568xf32, #tpu.memory_space<hbm>> -> memref<2568xf32, #tpu.memory_space<hbm>>
      %dma_start3A_242 = tpu.memref_slice %arg10[%run_scoped3A_213, %mul3A_210] : memref<8x41088xf32, #tpu.memory_space<vmem_shared>> -> memref<1x2568xf32, #tpu.memory_space<vmem_shared>>
      %dma_start3A_243 = tpu.memref_squeeze %dma_start3A_242 : memref<1x2568xf32, #tpu.memory_space<vmem_shared>> -> memref<2568xf32, #tpu.memory_space<vmem_shared>>
      tpu.enqueue_dma source(%dma_start3A_243 : memref<2568xf32, #tpu.memory_space<vmem_shared>>) target(%dma_start3A_241 : memref<2568xf32, #tpu.memory_space<hbm>>) target_semaphore(%run_scoped3A_239 : memref<!tpu.dma_semaphore, #tpu.memory_space<semaphore_mem>>)
      %dma_wait3A_244 = tpu.memref_slice %arg6[%arg0, %run_scoped3A_214, %mul3A_212] : memref<2x8x41088xf32, #tpu.memory_space<hbm>> -> memref<1x1x2568xf32, #tpu.memory_space<hbm>>
      %dma_wait3A_245 = tpu.memref_squeeze %dma_wait3A_244 : memref<1x1x2568xf32, #tpu.memory_space<hbm>> -> memref<2568xf32, #tpu.memory_space<hbm>>
      %dma_wait3A_246 = tpu.memref_slice %arg10[%run_scoped3A_213, %mul3A_210] : memref<8x41088xf32, #tpu.memory_space<vmem_shared>> -> memref<1x2568xf32, #tpu.memory_space<vmem_shared>>
      %dma_wait3A_247 = tpu.memref_squeeze %dma_wait3A_246 : memref<1x2568xf32, #tpu.memory_space<vmem_shared>> -> memref<2568xf32, #tpu.memory_space<vmem_shared>>
      tpu.wait_dma2 semaphore(%run_scoped3A_239 : memref<!tpu.dma_semaphore, #tpu.memory_space<semaphore_mem>>) src(%dma_wait3A_247 : memref<2568xf32, #tpu.memory_space<vmem_shared>>) dst(%dma_wait3A_245 : memref<2568xf32, #tpu.memory_space<hbm>>)
      tpu.yield
    }) : () -> ()
    %mul3A_215 = arith.constant 2568 : i32
    %mul3A_216 = arith.muli %arg1, %mul3A_215 : i32
    %mul3A_217 = arith.constant 2568 : i32
    %mul3A_218 = arith.muli %arg1, %mul3A_217 : i32
    %run_scoped3A_219 = arith.constant 4 : i32
    %run_scoped3A_220 = arith.constant 4 : i32
    "tpu.region"() ({
      %run_scoped3A_239 = tpu.sem_alloc : memref<!tpu.dma_semaphore, #tpu.memory_space<semaphore_mem>>
      %dma_start3A_240 = tpu.memref_slice %arg6[%arg0, %run_scoped3A_220, %mul3A_218] : memref<2x8x41088xf32, #tpu.memory_space<hbm>> -> memref<1x1x2568xf32, #tpu.memory_space<hbm>>
      %dma_start3A_241 = tpu.memref_squeeze %dma_start3A_240 : memref<1x1x2568xf32, #tpu.memory_space<hbm>> -> memref<2568xf32, #tpu.memory_space<hbm>>
      %dma_start3A_242 = tpu.memref_slice %arg10[%run_scoped3A_219, %mul3A_216] : memref<8x41088xf32, #tpu.memory_space<vmem_shared>> -> memref<1x2568xf32, #tpu.memory_space<vmem_shared>>
      %dma_start3A_243 = tpu.memref_squeeze %dma_start3A_242 : memref<1x2568xf32, #tpu.memory_space<vmem_shared>> -> memref<2568xf32, #tpu.memory_space<vmem_shared>>
      tpu.enqueue_dma source(%dma_start3A_243 : memref<2568xf32, #tpu.memory_space<vmem_shared>>) target(%dma_start3A_241 : memref<2568xf32, #tpu.memory_space<hbm>>) target_semaphore(%run_scoped3A_239 : memref<!tpu.dma_semaphore, #tpu.memory_space<semaphore_mem>>)
      %dma_wait3A_244 = tpu.memref_slice %arg6[%arg0, %run_scoped3A_220, %mul3A_218] : memref<2x8x41088xf32, #tpu.memory_space<hbm>> -> memref<1x1x2568xf32, #tpu.memory_space<hbm>>
      %dma_wait3A_245 = tpu.memref_squeeze %dma_wait3A_244 : memref<1x1x2568xf32, #tpu.memory_space<hbm>> -> memref<2568xf32, #tpu.memory_space<hbm>>
      %dma_wait3A_246 = tpu.memref_slice %arg10[%run_scoped3A_219, %mul3A_216] : memref<8x41088xf32, #tpu.memory_space<vmem_shared>> -> memref<1x2568xf32, #tpu.memory_space<vmem_shared>>
      %dma_wait3A_247 = tpu.memref_squeeze %dma_wait3A_246 : memref<1x2568xf32, #tpu.memory_space<vmem_shared>> -> memref<2568xf32, #tpu.memory_space<vmem_shared>>
      tpu.wait_dma2 semaphore(%run_scoped3A_239 : memref<!tpu.dma_semaphore, #tpu.memory_space<semaphore_mem>>) src(%dma_wait3A_247 : memref<2568xf32, #tpu.memory_space<vmem_shared>>) dst(%dma_wait3A_245 : memref<2568xf32, #tpu.memory_space<hbm>>)
      tpu.yield
    }) : () -> ()
    %mul3A_221 = arith.constant 2568 : i32
    %mul3A_222 = arith.muli %arg1, %mul3A_221 : i32
    %mul3A_223 = arith.constant 2568 : i32
    %mul3A_224 = arith.muli %arg1, %mul3A_223 : i32
    %run_scoped3A_225 = arith.constant 5 : i32
    %run_scoped3A_226 = arith.constant 5 : i32
    "tpu.region"() ({
      %run_scoped3A_239 = tpu.sem_alloc : memref<!tpu.dma_semaphore, #tpu.memory_space<semaphore_mem>>
      %dma_start3A_240 = tpu.memref_slice %arg6[%arg0, %run_scoped3A_226, %mul3A_224] : memref<2x8x41088xf32, #tpu.memory_space<hbm>> -> memref<1x1x2568xf32, #tpu.memory_space<hbm>>
      %dma_start3A_241 = tpu.memref_squeeze %dma_start3A_240 : memref<1x1x2568xf32, #tpu.memory_space<hbm>> -> memref<2568xf32, #tpu.memory_space<hbm>>
      %dma_start3A_242 = tpu.memref_slice %arg10[%run_scoped3A_225, %mul3A_222] : memref<8x41088xf32, #tpu.memory_space<vmem_shared>> -> memref<1x2568xf32, #tpu.memory_space<vmem_shared>>
      %dma_start3A_243 = tpu.memref_squeeze %dma_start3A_242 : memref<1x2568xf32, #tpu.memory_space<vmem_shared>> -> memref<2568xf32, #tpu.memory_space<vmem_shared>>
      tpu.enqueue_dma source(%dma_start3A_243 : memref<2568xf32, #tpu.memory_space<vmem_shared>>) target(%dma_start3A_241 : memref<2568xf32, #tpu.memory_space<hbm>>) target_semaphore(%run_scoped3A_239 : memref<!tpu.dma_semaphore, #tpu.memory_space<semaphore_mem>>)
      %dma_wait3A_244 = tpu.memref_slice %arg6[%arg0, %run_scoped3A_226, %mul3A_224] : memref<2x8x41088xf32, #tpu.memory_space<hbm>> -> memref<1x1x2568xf32, #tpu.memory_space<hbm>>
      %dma_wait3A_245 = tpu.memref_squeeze %dma_wait3A_244 : memref<1x1x2568xf32, #tpu.memory_space<hbm>> -> memref<2568xf32, #tpu.memory_space<hbm>>
      %dma_wait3A_246 = tpu.memref_slice %arg10[%run_scoped3A_225, %mul3A_222] : memref<8x41088xf32, #tpu.memory_space<vmem_shared>> -> memref<1x2568xf32, #tpu.memory_space<vmem_shared>>
      %dma_wait3A_247 = tpu.memref_squeeze %dma_wait3A_246 : memref<1x2568xf32, #tpu.memory_space<vmem_shared>> -> memref<2568xf32, #tpu.memory_space<vmem_shared>>
      tpu.wait_dma2 semaphore(%run_scoped3A_239 : memref<!tpu.dma_semaphore, #tpu.memory_space<semaphore_mem>>) src(%dma_wait3A_247 : memref<2568xf32, #tpu.memory_space<vmem_shared>>) dst(%dma_wait3A_245 : memref<2568xf32, #tpu.memory_space<hbm>>)
      tpu.yield
    }) : () -> ()
    %mul3A_227 = arith.constant 2568 : i32
    %mul3A_228 = arith.muli %arg1, %mul3A_227 : i32
    %mul3A_229 = arith.constant 2568 : i32
    %mul3A_230 = arith.muli %arg1, %mul3A_229 : i32
    %run_scoped3A_231 = arith.constant 6 : i32
    %run_scoped3A_232 = arith.constant 6 : i32
    "tpu.region"() ({
      %run_scoped3A_239 = tpu.sem_alloc : memref<!tpu.dma_semaphore, #tpu.memory_space<semaphore_mem>>
      %dma_start3A_240 = tpu.memref_slice %arg6[%arg0, %run_scoped3A_232, %mul3A_230] : memref<2x8x41088xf32, #tpu.memory_space<hbm>> -> memref<1x1x2568xf32, #tpu.memory_space<hbm>>
      %dma_start3A_241 = tpu.memref_squeeze %dma_start3A_240 : memref<1x1x2568xf32, #tpu.memory_space<hbm>> -> memref<2568xf32, #tpu.memory_space<hbm>>
      %dma_start3A_242 = tpu.memref_slice %arg10[%run_scoped3A_231, %mul3A_228] : memref<8x41088xf32, #tpu.memory_space<vmem_shared>> -> memref<1x2568xf32, #tpu.memory_space<vmem_shared>>
      %dma_start3A_243 = tpu.memref_squeeze %dma_start3A_242 : memref<1x2568xf32, #tpu.memory_space<vmem_shared>> -> memref<2568xf32, #tpu.memory_space<vmem_shared>>
      tpu.enqueue_dma source(%dma_start3A_243 : memref<2568xf32, #tpu.memory_space<vmem_shared>>) target(%dma_start3A_241 : memref<2568xf32, #tpu.memory_space<hbm>>) target_semaphore(%run_scoped3A_239 : memref<!tpu.dma_semaphore, #tpu.memory_space<semaphore_mem>>)
      %dma_wait3A_244 = tpu.memref_slice %arg6[%arg0, %run_scoped3A_232, %mul3A_230] : memref<2x8x41088xf32, #tpu.memory_space<hbm>> -> memref<1x1x2568xf32, #tpu.memory_space<hbm>>
      %dma_wait3A_245 = tpu.memref_squeeze %dma_wait3A_244 : memref<1x1x2568xf32, #tpu.memory_space<hbm>> -> memref<2568xf32, #tpu.memory_space<hbm>>
      %dma_wait3A_246 = tpu.memref_slice %arg10[%run_scoped3A_231, %mul3A_228] : memref<8x41088xf32, #tpu.memory_space<vmem_shared>> -> memref<1x2568xf32, #tpu.memory_space<vmem_shared>>
      %dma_wait3A_247 = tpu.memref_squeeze %dma_wait3A_246 : memref<1x2568xf32, #tpu.memory_space<vmem_shared>> -> memref<2568xf32, #tpu.memory_space<vmem_shared>>
      tpu.wait_dma2 semaphore(%run_scoped3A_239 : memref<!tpu.dma_semaphore, #tpu.memory_space<semaphore_mem>>) src(%dma_wait3A_247 : memref<2568xf32, #tpu.memory_space<vmem_shared>>) dst(%dma_wait3A_245 : memref<2568xf32, #tpu.memory_space<hbm>>)
      tpu.yield
    }) : () -> ()
    %mul3A_233 = arith.constant 2568 : i32
    %mul3A_234 = arith.muli %arg1, %mul3A_233 : i32
    %mul3A_235 = arith.constant 2568 : i32
    %mul3A_236 = arith.muli %arg1, %mul3A_235 : i32
    %run_scoped3A_237 = arith.constant 7 : i32
    %run_scoped3A_238 = arith.constant 7 : i32
    "tpu.region"() ({
      %run_scoped3A_239 = tpu.sem_alloc : memref<!tpu.dma_semaphore, #tpu.memory_space<semaphore_mem>>
      %dma_start3A_240 = tpu.memref_slice %arg6[%arg0, %run_scoped3A_238, %mul3A_236] : memref<2x8x41088xf32, #tpu.memory_space<hbm>> -> memref<1x1x2568xf32, #tpu.memory_space<hbm>>
      %dma_start3A_241 = tpu.memref_squeeze %dma_start3A_240 : memref<1x1x2568xf32, #tpu.memory_space<hbm>> -> memref<2568xf32, #tpu.memory_space<hbm>>
      %dma_start3A_242 = tpu.memref_slice %arg10[%run_scoped3A_237, %mul3A_234] : memref<8x41088xf32, #tpu.memory_space<vmem_shared>> -> memref<1x2568xf32, #tpu.memory_space<vmem_shared>>
      %dma_start3A_243 = tpu.memref_squeeze %dma_start3A_242 : memref<1x2568xf32, #tpu.memory_space<vmem_shared>> -> memref<2568xf32, #tpu.memory_space<vmem_shared>>
      tpu.enqueue_dma source(%dma_start3A_243 : memref<2568xf32, #tpu.memory_space<vmem_shared>>) target(%dma_start3A_241 : memref<2568xf32, #tpu.memory_space<hbm>>) target_semaphore(%run_scoped3A_239 : memref<!tpu.dma_semaphore, #tpu.memory_space<semaphore_mem>>)
      %dma_wait3A_244 = tpu.memref_slice %arg6[%arg0, %run_scoped3A_238, %mul3A_236] : memref<2x8x41088xf32, #tpu.memory_space<hbm>> -> memref<1x1x2568xf32, #tpu.memory_space<hbm>>
      %dma_wait3A_245 = tpu.memref_squeeze %dma_wait3A_244 : memref<1x1x2568xf32, #tpu.memory_space<hbm>> -> memref<2568xf32, #tpu.memory_space<hbm>>
      %dma_wait3A_246 = tpu.memref_slice %arg10[%run_scoped3A_237, %mul3A_234] : memref<8x41088xf32, #tpu.memory_space<vmem_shared>> -> memref<1x2568xf32, #tpu.memory_space<vmem_shared>>
      %dma_wait3A_247 = tpu.memref_squeeze %dma_wait3A_246 : memref<1x2568xf32, #tpu.memory_space<vmem_shared>> -> memref<2568xf32, #tpu.memory_space<vmem_shared>>
      tpu.wait_dma2 semaphore(%run_scoped3A_239 : memref<!tpu.dma_semaphore, #tpu.memory_space<semaphore_mem>>) src(%dma_wait3A_247 : memref<2568xf32, #tpu.memory_space<vmem_shared>>) dst(%dma_wait3A_245 : memref<2568xf32, #tpu.memory_space<hbm>>)
      tpu.yield
    }) : () -> ()
    return
  }
}

module attributes {stable_mosaic.version = 14 : i64} {
  func.func @_k0_body(%arg0: i32, %arg1: memref<5x37504xf32, #tpu.memory_space<vmem>>, %arg2: memref<1x37504xi32, #tpu.memory_space<vmem>>, %arg3: memref<1x37504xf32, #tpu.memory_space<vmem>>, %arg4: memref<1x37504xf32, #tpu.memory_space<vmem>>) attributes {dimension_semantics = [#tpu.dimension_semantics<arbitrary>], iteration_bounds = array<i64: 8>, scalar_prefetch = 0 : i64, scratch_operands = 0 : i64, tpu.core_type = #tpu.core_type<tc>, window_params = [{transform_indices = @transform_0, window_bounds = array<i64: 5, 37504>}, {transform_indices = @transform_1, window_bounds = array<i64: 1, 37504>}, {transform_indices = @transform_2, window_bounds = array<i64: 1, 37504>}, {transform_indices = @transform_3, window_bounds = array<i64: 1, 37504>}]} {
    %get3A = arith.constant 0 : index
    %get3A_0 = arith.constant 0 : index
    %get3A_1 = vector.load %arg1[%get3A, %get3A_0] : memref<5x37504xf32, #tpu.memory_space<vmem>>, vector<1x37504xf32>
    %get3A_2 = arith.constant 1 : index
    %get3A_3 = arith.constant 0 : index
    %get3A_4 = vector.load %arg1[%get3A_2, %get3A_3] : memref<5x37504xf32, #tpu.memory_space<vmem>>, vector<1x37504xf32>
    %get3A_5 = arith.constant 2 : index
    %get3A_6 = arith.constant 0 : index
    %get3A_7 = vector.load %arg1[%get3A_5, %get3A_6] : memref<5x37504xf32, #tpu.memory_space<vmem>>, vector<1x37504xf32>
    %sub3A = arith.constant -5.120000e+01 : f32
    %sub3A_8 = vector.broadcast %sub3A : f32 to vector<1x37504xf32>
    %sub3A_9 = arith.subf %get3A_1, %sub3A_8 : vector<1x37504xf32>
    %div3A = arith.constant 2.000000e-01 : f32
    %div3A_10 = vector.broadcast %div3A : f32 to vector<1x37504xf32>
    %div3A_11 = arith.divf %sub3A_9, %div3A_10 : vector<1x37504xf32>
    %floor3A = math.floor %div3A_11 : vector<1x37504xf32>
    %convert_element_type3A = arith.fptosi %floor3A : vector<1x37504xf32> to vector<1x37504xi32>
    %sub3A_12 = arith.constant -5.120000e+01 : f32
    %sub3A_13 = vector.broadcast %sub3A_12 : f32 to vector<1x37504xf32>
    %sub3A_14 = arith.subf %get3A_4, %sub3A_13 : vector<1x37504xf32>
    %div3A_15 = arith.constant 2.000000e-01 : f32
    %div3A_16 = vector.broadcast %div3A_15 : f32 to vector<1x37504xf32>
    %div3A_17 = arith.divf %sub3A_14, %div3A_16 : vector<1x37504xf32>
    %floor3A_18 = math.floor %div3A_17 : vector<1x37504xf32>
    %convert_element_type3A_19 = arith.fptosi %floor3A_18 : vector<1x37504xf32> to vector<1x37504xi32>
    %sub3A_20 = arith.constant -5.000000e+00 : f32
    %sub3A_21 = vector.broadcast %sub3A_20 : f32 to vector<1x37504xf32>
    %sub3A_22 = arith.subf %get3A_7, %sub3A_21 : vector<1x37504xf32>
    %div3A_23 = arith.constant 8.000000e-01 : f32
    %div3A_24 = vector.broadcast %div3A_23 : f32 to vector<1x37504xf32>
    %div3A_25 = arith.divf %sub3A_22, %div3A_24 : vector<1x37504xf32>
    %floor3A_26 = math.floor %div3A_25 : vector<1x37504xf32>
    %convert_element_type3A_27 = arith.fptosi %floor3A_26 : vector<1x37504xf32> to vector<1x37504xi32>
    %ge3A = arith.constant 0 : i32
    %ge3A_28 = vector.broadcast %ge3A : i32 to vector<1x37504xi32>
    %ge3A_29 = arith.cmpi sge, %convert_element_type3A, %ge3A_28 : vector<1x37504xi32>
    %lt3A = arith.constant 512 : i32
    %lt3A_30 = vector.broadcast %lt3A : i32 to vector<1x37504xi32>
    %lt3A_31 = arith.cmpi slt, %convert_element_type3A, %lt3A_30 : vector<1x37504xi32>
    %and3A = arith.andi %ge3A_29, %lt3A_31 : vector<1x37504xi1>
    %ge3A_32 = arith.constant 0 : i32
    %ge3A_33 = vector.broadcast %ge3A_32 : i32 to vector<1x37504xi32>
    %ge3A_34 = arith.cmpi sge, %convert_element_type3A_19, %ge3A_33 : vector<1x37504xi32>
    %and3A_35 = arith.andi %and3A, %ge3A_34 : vector<1x37504xi1>
    %lt3A_36 = arith.constant 512 : i32
    %lt3A_37 = vector.broadcast %lt3A_36 : i32 to vector<1x37504xi32>
    %lt3A_38 = arith.cmpi slt, %convert_element_type3A_19, %lt3A_37 : vector<1x37504xi32>
    %and3A_39 = arith.andi %and3A_35, %lt3A_38 : vector<1x37504xi1>
    %ge3A_40 = arith.constant 0 : i32
    %ge3A_41 = vector.broadcast %ge3A_40 : i32 to vector<1x37504xi32>
    %ge3A_42 = arith.cmpi sge, %convert_element_type3A_27, %ge3A_41 : vector<1x37504xi32>
    %and3A_43 = arith.andi %and3A_39, %ge3A_42 : vector<1x37504xi1>
    %lt3A_44 = arith.constant 10 : i32
    %lt3A_45 = vector.broadcast %lt3A_44 : i32 to vector<1x37504xi32>
    %lt3A_46 = arith.cmpi slt, %convert_element_type3A_27, %lt3A_45 : vector<1x37504xi32>
    %and3A_47 = arith.andi %and3A_43, %lt3A_46 : vector<1x37504xi1>
    %mul3A = arith.constant 37504 : i32
    %mul3A_48 = arith.muli %arg0, %mul3A : i32
    %iota3A = tpu.iota {dimensions = array<i32: 1>} : vector<1x37504xi32>
    %add3A = vector.broadcast %mul3A_48 : i32 to vector<1x37504xi32>
    %add3A_49 = arith.addi %add3A, %iota3A : vector<1x37504xi32>
    %lt3A_50 = arith.constant 300000 : i32
    %lt3A_51 = vector.broadcast %lt3A_50 : i32 to vector<1x37504xi32>
    %lt3A_52 = arith.cmpi slt, %add3A_49, %lt3A_51 : vector<1x37504xi32>
    %and3A_53 = arith.andi %and3A_47, %lt3A_52 : vector<1x37504xi1>
    %mul3A_54 = arith.constant 262144 : i32
    %mul3A_55 = vector.broadcast %mul3A_54 : i32 to vector<1x37504xi32>
    %mul3A_56 = arith.muli %convert_element_type3A_27, %mul3A_55 : vector<1x37504xi32>
    %mul3A_57 = arith.constant 512 : i32
    %mul3A_58 = vector.broadcast %mul3A_57 : i32 to vector<1x37504xi32>
    %mul3A_59 = arith.muli %convert_element_type3A_19, %mul3A_58 : vector<1x37504xi32>
    %add3A_60 = arith.addi %mul3A_56, %mul3A_59 : vector<1x37504xi32>
    %add3A_61 = arith.addi %add3A_60, %convert_element_type3A : vector<1x37504xi32>
    %jit3A = arith.constant 2621440 : i32
    %broadcast_in_dim3A = vector.broadcast %jit3A : i32 to vector<1x37504xi32>
    %select_n3A = arith.select %and3A_53, %add3A_61, %broadcast_in_dim3A : vector<1x37504xi1>, vector<1x37504xi32>
    %swap3A = arith.constant 0 : index
    %swap3A_62 = arith.constant 0 : index
    %swap3A_63 = vector.load %arg2[%swap3A, %swap3A_62] : memref<1x37504xi32, #tpu.memory_space<vmem>>, vector<1x37504xi32>
    tpu.vector_store %arg2[%swap3A, %swap3A_62], %select_n3A {strides = array<i32>} : memref<1x37504xi32, #tpu.memory_space<vmem>>, vector<1x37504xi32>,
    %jit3A_64 = arith.constant 2048 : i32
    %div3A_65 = vector.broadcast %jit3A_64 : i32 to vector<1x37504xi32>
    %div3A_66 = arith.divsi %select_n3A, %div3A_65 : vector<1x37504xi32>
    %sign3A = arith.constant 0 : i32
    %sign3A_67 = vector.broadcast %sign3A : i32 to vector<1x37504xi32>
    %sign3A_68 = arith.cmpi sgt, %select_n3A, %sign3A_67 : vector<1x37504xi32>
    %sign3A_69 = arith.extui %sign3A_68 : vector<1x37504xi1> to vector<1x37504xi32>
    %sign3A_70 = arith.constant 0 : i32
    %sign3A_71 = vector.broadcast %sign3A_70 : i32 to vector<1x37504xi32>
    %sign3A_72 = arith.cmpi slt, %select_n3A, %sign3A_71 : vector<1x37504xi32>
    %sign3A_73 = arith.extui %sign3A_72 : vector<1x37504xi1> to vector<1x37504xi32>
    %sign3A_74 = arith.subi %sign3A_69, %sign3A_73 : vector<1x37504xi32>
    %sign3A_75 = arith.constant 0 : i32
    %sign3A_76 = arith.cmpi sgt, %jit3A_64, %sign3A_75 : i32
    %sign3A_77 = arith.extui %sign3A_76 : i1 to i32
    %sign3A_78 = arith.constant 0 : i32
    %sign3A_79 = arith.cmpi slt, %jit3A_64, %sign3A_78 : i32
    %sign3A_80 = arith.extui %sign3A_79 : i1 to i32
    %sign3A_81 = arith.subi %sign3A_77, %sign3A_80 : i32
    %ne3A = vector.broadcast %sign3A_81 : i32 to vector<1x37504xi32>
    %ne3A_82 = arith.cmpi ne, %sign3A_74, %ne3A : vector<1x37504xi32>
    %rem3A = vector.broadcast %jit3A_64 : i32 to vector<1x37504xi32>
    %rem3A_83 = arith.remsi %select_n3A, %rem3A : vector<1x37504xi32>
    %ne3A_84 = arith.constant 0 : i32
    %ne3A_85 = vector.broadcast %ne3A_84 : i32 to vector<1x37504xi32>
    %ne3A_86 = arith.cmpi ne, %rem3A_83, %ne3A_85 : vector<1x37504xi32>
    %and3A_87 = arith.andi %ne3A_82, %ne3A_86 : vector<1x37504xi1>
    %sub3A_88 = arith.constant 1 : i32
    %sub3A_89 = vector.broadcast %sub3A_88 : i32 to vector<1x37504xi32>
    %sub3A_90 = arith.subi %div3A_66, %sub3A_89 : vector<1x37504xi32>
    %select_n3A_91 = arith.select %and3A_87, %sub3A_90, %div3A_66 : vector<1x37504xi1>, vector<1x37504xi32>
    %convert_element_type3A_92 = arith.sitofp %select_n3A_91 : vector<1x37504xi32> to vector<1x37504xf32>
    %swap3A_93 = arith.constant 0 : index
    %swap3A_94 = arith.constant 0 : index
    %swap3A_95 = vector.load %arg3[%swap3A_93, %swap3A_94] : memref<1x37504xf32, #tpu.memory_space<vmem>>, vector<1x37504xf32>
    tpu.vector_store %arg3[%swap3A_93, %swap3A_94], %convert_element_type3A_92 {strides = array<i32>} : memref<1x37504xf32, #tpu.memory_space<vmem>>, vector<1x37504xf32>,
    %jit3A_96 = arith.constant 2048 : i32
    %eq3A = arith.constant 0 : i32
    %eq3A_97 = arith.cmpi eq, %jit3A_96, %eq3A : i32
    %jit3A_98 = arith.constant 1 : i32
    %select_n3A_99 = arith.select %eq3A_97, %jit3A_98, %jit3A_96 : i32
    %rem3A_100 = vector.broadcast %select_n3A_99 : i32 to vector<1x37504xi32>
    %rem3A_101 = arith.remsi %select_n3A, %rem3A_100 : vector<1x37504xi32>
    %ne3A_102 = arith.constant 0 : i32
    %ne3A_103 = vector.broadcast %ne3A_102 : i32 to vector<1x37504xi32>
    %ne3A_104 = arith.cmpi ne, %rem3A_101, %ne3A_103 : vector<1x37504xi32>
    %lt3A_105 = arith.constant 0 : i32
    %lt3A_106 = vector.broadcast %lt3A_105 : i32 to vector<1x37504xi32>
    %lt3A_107 = arith.cmpi slt, %rem3A_101, %lt3A_106 : vector<1x37504xi32>
    %lt3A_108 = arith.constant 0 : i32
    %lt3A_109 = arith.cmpi slt, %select_n3A_99, %lt3A_108 : i32
    %ne3A_110 = vector.broadcast %lt3A_109 : i1 to vector<1x37504xi1>
    %ne3A_111 = vector.broadcast %ne3A_110 : vector<1x37504xi1> to vector<1x37504xi1>
    %ne3A_112 = arith.xori %lt3A_107, %ne3A_111 : vector<1x37504xi1>
    %and3A_113 = arith.andi %ne3A_112, %ne3A_104 : vector<1x37504xi1>
    %add3A_114 = vector.broadcast %select_n3A_99 : i32 to vector<1x37504xi32>
    %add3A_115 = arith.addi %rem3A_101, %add3A_114 : vector<1x37504xi32>
    %select_n3A_116 = arith.select %and3A_113, %add3A_115, %rem3A_101 : vector<1x37504xi1>, vector<1x37504xi32>
    %convert_element_type3A_117 = arith.sitofp %select_n3A_116 : vector<1x37504xi32> to vector<1x37504xf32>
    %swap3A_118 = arith.constant 0 : index
    %swap3A_119 = arith.constant 0 : index
    %swap3A_120 = vector.load %arg4[%swap3A_118, %swap3A_119] : memref<1x37504xf32, #tpu.memory_space<vmem>>, vector<1x37504xf32>
    tpu.vector_store %arg4[%swap3A_118, %swap3A_119], %convert_element_type3A_117 {strides = array<i32>} : memref<1x37504xf32, #tpu.memory_space<vmem>>, vector<1x37504xf32>,
    return
  }
  func.func @transform_0(%arg0: i32) -> (i32, i32) {
    %c0_i32 = arith.constant 0 : i32
    %c0_i32_0 = arith.constant 0 : i32
    return %c0_i32, %arg0 : i32, i32
  }
  func.func @transform_1(%arg0: i32) -> (i32, i32) {
    %c0_i32 = arith.constant 0 : i32
    %c0_i32_0 = arith.constant 0 : i32
    return %c0_i32, %arg0 : i32, i32
  }
  func.func @transform_2(%arg0: i32) -> (i32, i32) {
    %c0_i32 = arith.constant 0 : i32
    %c0_i32_0 = arith.constant 0 : i32
    return %c0_i32, %arg0 : i32, i32
  }
  func.func @transform_3(%arg0: i32) -> (i32, i32) {
    %c0_i32 = arith.constant 0 : i32
    %c0_i32_0 = arith.constant 0 : i32
    return %c0_i32, %arg0 : i32, i32
  }
}

module attributes {stable_mosaic.version = 14 : i64} {
  func.func @_k2_body(%arg0: i32, %arg1: memref<1024x128xf32, #tpu.memory_space<vmem>>, %arg2: memref<64x32xf32, #tpu.memory_space<vmem>>) attributes {dimension_semantics = [#tpu.dimension_semantics<arbitrary>], iteration_bounds = array<i64: 20>, scalar_prefetch = 0 : i64, scratch_operands = 0 : i64, tpu.core_type = #tpu.core_type<tc>, window_params = [{transform_indices = @transform_0, window_bounds = array<i64: 1024, 128>}, {transform_indices = @transform_1, window_bounds = array<i64: 64, 32>}]} {
    %get3A = arith.constant 0 : index
    %get3A_0 = arith.constant 0 : index
    %get3A_1 = vector.load %arg1[%get3A, %get3A_0] : memref<1024x128xf32, #tpu.memory_space<vmem>>, vector<1024x128xf32>
    %convert_element_type3A = arith.fptosi %get3A_1 : vector<1024x128xf32> to vector<1024x128xi32>
    %min3A = arith.constant 31 : i32
    %min3A_2 = vector.broadcast %min3A : i32 to vector<1024x128xi32>
    %min3A_3 = arith.minsi %convert_element_type3A, %min3A_2 : vector<1024x128xi32>
    %eq3A = arith.constant 0 : i32
    %eq3A_4 = vector.broadcast %eq3A : i32 to vector<1024x128xi32>
    %eq3A_5 = arith.cmpi eq, %min3A_3, %eq3A_4 : vector<1024x128xi32>
    %convert_element_type3A_6 = arith.extui %eq3A_5 : vector<1024x128xi1> to vector<1024x128xi32>
    %convert_element_type3A_7 = arith.sitofp %convert_element_type3A_6 : vector<1024x128xi32> to vector<1024x128xf32>
    %reduce_sum3A = arith.constant dense<0.000000e+00> : vector<1024xf32>
    %reduce_sum3A_8 = vector.multi_reduction <add>, %convert_element_type3A_7, %reduce_sum3A [1] : vector<1024x128xf32> to vector<1024xf32>
    %broadcast_in_dim3A = vector.shape_cast %reduce_sum3A_8 : vector<1024xf32> to vector<1024x1xf32>
    %eq3A_9 = arith.constant 1 : i32
    %eq3A_10 = vector.broadcast %eq3A_9 : i32 to vector<1024x128xi32>
    %eq3A_11 = arith.cmpi eq, %min3A_3, %eq3A_10 : vector<1024x128xi32>
    %convert_element_type3A_12 = arith.extui %eq3A_11 : vector<1024x128xi1> to vector<1024x128xi32>
    %convert_element_type3A_13 = arith.sitofp %convert_element_type3A_12 : vector<1024x128xi32> to vector<1024x128xf32>
    %reduce_sum3A_14 = arith.constant dense<0.000000e+00> : vector<1024xf32>
    %reduce_sum3A_15 = vector.multi_reduction <add>, %convert_element_type3A_13, %reduce_sum3A_14 [1] : vector<1024x128xf32> to vector<1024xf32>
    %broadcast_in_dim3A_16 = vector.shape_cast %reduce_sum3A_15 : vector<1024xf32> to vector<1024x1xf32>
    %eq3A_17 = arith.constant 2 : i32
    %eq3A_18 = vector.broadcast %eq3A_17 : i32 to vector<1024x128xi32>
    %eq3A_19 = arith.cmpi eq, %min3A_3, %eq3A_18 : vector<1024x128xi32>
    %convert_element_type3A_20 = arith.extui %eq3A_19 : vector<1024x128xi1> to vector<1024x128xi32>
    %convert_element_type3A_21 = arith.sitofp %convert_element_type3A_20 : vector<1024x128xi32> to vector<1024x128xf32>
    %reduce_sum3A_22 = arith.constant dense<0.000000e+00> : vector<1024xf32>
    %reduce_sum3A_23 = vector.multi_reduction <add>, %convert_element_type3A_21, %reduce_sum3A_22 [1] : vector<1024x128xf32> to vector<1024xf32>
    %broadcast_in_dim3A_24 = vector.shape_cast %reduce_sum3A_23 : vector<1024xf32> to vector<1024x1xf32>
    %eq3A_25 = arith.constant 3 : i32
    %eq3A_26 = vector.broadcast %eq3A_25 : i32 to vector<1024x128xi32>
    %eq3A_27 = arith.cmpi eq, %min3A_3, %eq3A_26 : vector<1024x128xi32>
    %convert_element_type3A_28 = arith.extui %eq3A_27 : vector<1024x128xi1> to vector<1024x128xi32>
    %convert_element_type3A_29 = arith.sitofp %convert_element_type3A_28 : vector<1024x128xi32> to vector<1024x128xf32>
    %reduce_sum3A_30 = arith.constant dense<0.000000e+00> : vector<1024xf32>
    %reduce_sum3A_31 = vector.multi_reduction <add>, %convert_element_type3A_29, %reduce_sum3A_30 [1] : vector<1024x128xf32> to vector<1024xf32>
    %broadcast_in_dim3A_32 = vector.shape_cast %reduce_sum3A_31 : vector<1024xf32> to vector<1024x1xf32>
    %eq3A_33 = arith.constant 4 : i32
    %eq3A_34 = vector.broadcast %eq3A_33 : i32 to vector<1024x128xi32>
    %eq3A_35 = arith.cmpi eq, %min3A_3, %eq3A_34 : vector<1024x128xi32>
    %convert_element_type3A_36 = arith.extui %eq3A_35 : vector<1024x128xi1> to vector<1024x128xi32>
    %convert_element_type3A_37 = arith.sitofp %convert_element_type3A_36 : vector<1024x128xi32> to vector<1024x128xf32>
    %reduce_sum3A_38 = arith.constant dense<0.000000e+00> : vector<1024xf32>
    %reduce_sum3A_39 = vector.multi_reduction <add>, %convert_element_type3A_37, %reduce_sum3A_38 [1] : vector<1024x128xf32> to vector<1024xf32>
    %broadcast_in_dim3A_40 = vector.shape_cast %reduce_sum3A_39 : vector<1024xf32> to vector<1024x1xf32>
    %eq3A_41 = arith.constant 5 : i32
    %eq3A_42 = vector.broadcast %eq3A_41 : i32 to vector<1024x128xi32>
    %eq3A_43 = arith.cmpi eq, %min3A_3, %eq3A_42 : vector<1024x128xi32>
    %convert_element_type3A_44 = arith.extui %eq3A_43 : vector<1024x128xi1> to vector<1024x128xi32>
    %convert_element_type3A_45 = arith.sitofp %convert_element_type3A_44 : vector<1024x128xi32> to vector<1024x128xf32>
    %reduce_sum3A_46 = arith.constant dense<0.000000e+00> : vector<1024xf32>
    %reduce_sum3A_47 = vector.multi_reduction <add>, %convert_element_type3A_45, %reduce_sum3A_46 [1] : vector<1024x128xf32> to vector<1024xf32>
    %broadcast_in_dim3A_48 = vector.shape_cast %reduce_sum3A_47 : vector<1024xf32> to vector<1024x1xf32>
    %eq3A_49 = arith.constant 6 : i32
    %eq3A_50 = vector.broadcast %eq3A_49 : i32 to vector<1024x128xi32>
    %eq3A_51 = arith.cmpi eq, %min3A_3, %eq3A_50 : vector<1024x128xi32>
    %convert_element_type3A_52 = arith.extui %eq3A_51 : vector<1024x128xi1> to vector<1024x128xi32>
    %convert_element_type3A_53 = arith.sitofp %convert_element_type3A_52 : vector<1024x128xi32> to vector<1024x128xf32>
    %reduce_sum3A_54 = arith.constant dense<0.000000e+00> : vector<1024xf32>
    %reduce_sum3A_55 = vector.multi_reduction <add>, %convert_element_type3A_53, %reduce_sum3A_54 [1] : vector<1024x128xf32> to vector<1024xf32>
    %broadcast_in_dim3A_56 = vector.shape_cast %reduce_sum3A_55 : vector<1024xf32> to vector<1024x1xf32>
    %eq3A_57 = arith.constant 7 : i32
    %eq3A_58 = vector.broadcast %eq3A_57 : i32 to vector<1024x128xi32>
    %eq3A_59 = arith.cmpi eq, %min3A_3, %eq3A_58 : vector<1024x128xi32>
    %convert_element_type3A_60 = arith.extui %eq3A_59 : vector<1024x128xi1> to vector<1024x128xi32>
    %convert_element_type3A_61 = arith.sitofp %convert_element_type3A_60 : vector<1024x128xi32> to vector<1024x128xf32>
    %reduce_sum3A_62 = arith.constant dense<0.000000e+00> : vector<1024xf32>
    %reduce_sum3A_63 = vector.multi_reduction <add>, %convert_element_type3A_61, %reduce_sum3A_62 [1] : vector<1024x128xf32> to vector<1024xf32>
    %broadcast_in_dim3A_64 = vector.shape_cast %reduce_sum3A_63 : vector<1024xf32> to vector<1024x1xf32>
    %eq3A_65 = arith.constant 8 : i32
    %eq3A_66 = vector.broadcast %eq3A_65 : i32 to vector<1024x128xi32>
    %eq3A_67 = arith.cmpi eq, %min3A_3, %eq3A_66 : vector<1024x128xi32>
    %convert_element_type3A_68 = arith.extui %eq3A_67 : vector<1024x128xi1> to vector<1024x128xi32>
    %convert_element_type3A_69 = arith.sitofp %convert_element_type3A_68 : vector<1024x128xi32> to vector<1024x128xf32>
    %reduce_sum3A_70 = arith.constant dense<0.000000e+00> : vector<1024xf32>
    %reduce_sum3A_71 = vector.multi_reduction <add>, %convert_element_type3A_69, %reduce_sum3A_70 [1] : vector<1024x128xf32> to vector<1024xf32>
    %broadcast_in_dim3A_72 = vector.shape_cast %reduce_sum3A_71 : vector<1024xf32> to vector<1024x1xf32>
    %eq3A_73 = arith.constant 9 : i32
    %eq3A_74 = vector.broadcast %eq3A_73 : i32 to vector<1024x128xi32>
    %eq3A_75 = arith.cmpi eq, %min3A_3, %eq3A_74 : vector<1024x128xi32>
    %convert_element_type3A_76 = arith.extui %eq3A_75 : vector<1024x128xi1> to vector<1024x128xi32>
    %convert_element_type3A_77 = arith.sitofp %convert_element_type3A_76 : vector<1024x128xi32> to vector<1024x128xf32>
    %reduce_sum3A_78 = arith.constant dense<0.000000e+00> : vector<1024xf32>
    %reduce_sum3A_79 = vector.multi_reduction <add>, %convert_element_type3A_77, %reduce_sum3A_78 [1] : vector<1024x128xf32> to vector<1024xf32>
    %broadcast_in_dim3A_80 = vector.shape_cast %reduce_sum3A_79 : vector<1024xf32> to vector<1024x1xf32>
    %eq3A_81 = arith.constant 10 : i32
    %eq3A_82 = vector.broadcast %eq3A_81 : i32 to vector<1024x128xi32>
    %eq3A_83 = arith.cmpi eq, %min3A_3, %eq3A_82 : vector<1024x128xi32>
    %convert_element_type3A_84 = arith.extui %eq3A_83 : vector<1024x128xi1> to vector<1024x128xi32>
    %convert_element_type3A_85 = arith.sitofp %convert_element_type3A_84 : vector<1024x128xi32> to vector<1024x128xf32>
    %reduce_sum3A_86 = arith.constant dense<0.000000e+00> : vector<1024xf32>
    %reduce_sum3A_87 = vector.multi_reduction <add>, %convert_element_type3A_85, %reduce_sum3A_86 [1] : vector<1024x128xf32> to vector<1024xf32>
    %broadcast_in_dim3A_88 = vector.shape_cast %reduce_sum3A_87 : vector<1024xf32> to vector<1024x1xf32>
    %eq3A_89 = arith.constant 11 : i32
    %eq3A_90 = vector.broadcast %eq3A_89 : i32 to vector<1024x128xi32>
    %eq3A_91 = arith.cmpi eq, %min3A_3, %eq3A_90 : vector<1024x128xi32>
    %convert_element_type3A_92 = arith.extui %eq3A_91 : vector<1024x128xi1> to vector<1024x128xi32>
    %convert_element_type3A_93 = arith.sitofp %convert_element_type3A_92 : vector<1024x128xi32> to vector<1024x128xf32>
    %reduce_sum3A_94 = arith.constant dense<0.000000e+00> : vector<1024xf32>
    %reduce_sum3A_95 = vector.multi_reduction <add>, %convert_element_type3A_93, %reduce_sum3A_94 [1] : vector<1024x128xf32> to vector<1024xf32>
    %broadcast_in_dim3A_96 = vector.shape_cast %reduce_sum3A_95 : vector<1024xf32> to vector<1024x1xf32>
    %eq3A_97 = arith.constant 12 : i32
    %eq3A_98 = vector.broadcast %eq3A_97 : i32 to vector<1024x128xi32>
    %eq3A_99 = arith.cmpi eq, %min3A_3, %eq3A_98 : vector<1024x128xi32>
    %convert_element_type3A_100 = arith.extui %eq3A_99 : vector<1024x128xi1> to vector<1024x128xi32>
    %convert_element_type3A_101 = arith.sitofp %convert_element_type3A_100 : vector<1024x128xi32> to vector<1024x128xf32>
    %reduce_sum3A_102 = arith.constant dense<0.000000e+00> : vector<1024xf32>
    %reduce_sum3A_103 = vector.multi_reduction <add>, %convert_element_type3A_101, %reduce_sum3A_102 [1] : vector<1024x128xf32> to vector<1024xf32>
    %broadcast_in_dim3A_104 = vector.shape_cast %reduce_sum3A_103 : vector<1024xf32> to vector<1024x1xf32>
    %eq3A_105 = arith.constant 13 : i32
    %eq3A_106 = vector.broadcast %eq3A_105 : i32 to vector<1024x128xi32>
    %eq3A_107 = arith.cmpi eq, %min3A_3, %eq3A_106 : vector<1024x128xi32>
    %convert_element_type3A_108 = arith.extui %eq3A_107 : vector<1024x128xi1> to vector<1024x128xi32>
    %convert_element_type3A_109 = arith.sitofp %convert_element_type3A_108 : vector<1024x128xi32> to vector<1024x128xf32>
    %reduce_sum3A_110 = arith.constant dense<0.000000e+00> : vector<1024xf32>
    %reduce_sum3A_111 = vector.multi_reduction <add>, %convert_element_type3A_109, %reduce_sum3A_110 [1] : vector<1024x128xf32> to vector<1024xf32>
    %broadcast_in_dim3A_112 = vector.shape_cast %reduce_sum3A_111 : vector<1024xf32> to vector<1024x1xf32>
    %eq3A_113 = arith.constant 14 : i32
    %eq3A_114 = vector.broadcast %eq3A_113 : i32 to vector<1024x128xi32>
    %eq3A_115 = arith.cmpi eq, %min3A_3, %eq3A_114 : vector<1024x128xi32>
    %convert_element_type3A_116 = arith.extui %eq3A_115 : vector<1024x128xi1> to vector<1024x128xi32>
    %convert_element_type3A_117 = arith.sitofp %convert_element_type3A_116 : vector<1024x128xi32> to vector<1024x128xf32>
    %reduce_sum3A_118 = arith.constant dense<0.000000e+00> : vector<1024xf32>
    %reduce_sum3A_119 = vector.multi_reduction <add>, %convert_element_type3A_117, %reduce_sum3A_118 [1] : vector<1024x128xf32> to vector<1024xf32>
    %broadcast_in_dim3A_120 = vector.shape_cast %reduce_sum3A_119 : vector<1024xf32> to vector<1024x1xf32>
    %eq3A_121 = arith.constant 15 : i32
    %eq3A_122 = vector.broadcast %eq3A_121 : i32 to vector<1024x128xi32>
    %eq3A_123 = arith.cmpi eq, %min3A_3, %eq3A_122 : vector<1024x128xi32>
    %convert_element_type3A_124 = arith.extui %eq3A_123 : vector<1024x128xi1> to vector<1024x128xi32>
    %convert_element_type3A_125 = arith.sitofp %convert_element_type3A_124 : vector<1024x128xi32> to vector<1024x128xf32>
    %reduce_sum3A_126 = arith.constant dense<0.000000e+00> : vector<1024xf32>
    %reduce_sum3A_127 = vector.multi_reduction <add>, %convert_element_type3A_125, %reduce_sum3A_126 [1] : vector<1024x128xf32> to vector<1024xf32>
    %broadcast_in_dim3A_128 = vector.shape_cast %reduce_sum3A_127 : vector<1024xf32> to vector<1024x1xf32>
    %eq3A_129 = arith.constant 16 : i32
    %eq3A_130 = vector.broadcast %eq3A_129 : i32 to vector<1024x128xi32>
    %eq3A_131 = arith.cmpi eq, %min3A_3, %eq3A_130 : vector<1024x128xi32>
    %convert_element_type3A_132 = arith.extui %eq3A_131 : vector<1024x128xi1> to vector<1024x128xi32>
    %convert_element_type3A_133 = arith.sitofp %convert_element_type3A_132 : vector<1024x128xi32> to vector<1024x128xf32>
    %reduce_sum3A_134 = arith.constant dense<0.000000e+00> : vector<1024xf32>
    %reduce_sum3A_135 = vector.multi_reduction <add>, %convert_element_type3A_133, %reduce_sum3A_134 [1] : vector<1024x128xf32> to vector<1024xf32>
    %broadcast_in_dim3A_136 = vector.shape_cast %reduce_sum3A_135 : vector<1024xf32> to vector<1024x1xf32>
    %eq3A_137 = arith.constant 17 : i32
    %eq3A_138 = vector.broadcast %eq3A_137 : i32 to vector<1024x128xi32>
    %eq3A_139 = arith.cmpi eq, %min3A_3, %eq3A_138 : vector<1024x128xi32>
    %convert_element_type3A_140 = arith.extui %eq3A_139 : vector<1024x128xi1> to vector<1024x128xi32>
    %convert_element_type3A_141 = arith.sitofp %convert_element_type3A_140 : vector<1024x128xi32> to vector<1024x128xf32>
    %reduce_sum3A_142 = arith.constant dense<0.000000e+00> : vector<1024xf32>
    %reduce_sum3A_143 = vector.multi_reduction <add>, %convert_element_type3A_141, %reduce_sum3A_142 [1] : vector<1024x128xf32> to vector<1024xf32>
    %broadcast_in_dim3A_144 = vector.shape_cast %reduce_sum3A_143 : vector<1024xf32> to vector<1024x1xf32>
    %eq3A_145 = arith.constant 18 : i32
    %eq3A_146 = vector.broadcast %eq3A_145 : i32 to vector<1024x128xi32>
    %eq3A_147 = arith.cmpi eq, %min3A_3, %eq3A_146 : vector<1024x128xi32>
    %convert_element_type3A_148 = arith.extui %eq3A_147 : vector<1024x128xi1> to vector<1024x128xi32>
    %convert_element_type3A_149 = arith.sitofp %convert_element_type3A_148 : vector<1024x128xi32> to vector<1024x128xf32>
    %reduce_sum3A_150 = arith.constant dense<0.000000e+00> : vector<1024xf32>
    %reduce_sum3A_151 = vector.multi_reduction <add>, %convert_element_type3A_149, %reduce_sum3A_150 [1] : vector<1024x128xf32> to vector<1024xf32>
    %broadcast_in_dim3A_152 = vector.shape_cast %reduce_sum3A_151 : vector<1024xf32> to vector<1024x1xf32>
    %eq3A_153 = arith.constant 19 : i32
    %eq3A_154 = vector.broadcast %eq3A_153 : i32 to vector<1024x128xi32>
    %eq3A_155 = arith.cmpi eq, %min3A_3, %eq3A_154 : vector<1024x128xi32>
    %convert_element_type3A_156 = arith.extui %eq3A_155 : vector<1024x128xi1> to vector<1024x128xi32>
    %convert_element_type3A_157 = arith.sitofp %convert_element_type3A_156 : vector<1024x128xi32> to vector<1024x128xf32>
    %reduce_sum3A_158 = arith.constant dense<0.000000e+00> : vector<1024xf32>
    %reduce_sum3A_159 = vector.multi_reduction <add>, %convert_element_type3A_157, %reduce_sum3A_158 [1] : vector<1024x128xf32> to vector<1024xf32>
    %broadcast_in_dim3A_160 = vector.shape_cast %reduce_sum3A_159 : vector<1024xf32> to vector<1024x1xf32>
    %eq3A_161 = arith.constant 20 : i32
    %eq3A_162 = vector.broadcast %eq3A_161 : i32 to vector<1024x128xi32>
    %eq3A_163 = arith.cmpi eq, %min3A_3, %eq3A_162 : vector<1024x128xi32>
    %convert_element_type3A_164 = arith.extui %eq3A_163 : vector<1024x128xi1> to vector<1024x128xi32>
    %convert_element_type3A_165 = arith.sitofp %convert_element_type3A_164 : vector<1024x128xi32> to vector<1024x128xf32>
    %reduce_sum3A_166 = arith.constant dense<0.000000e+00> : vector<1024xf32>
    %reduce_sum3A_167 = vector.multi_reduction <add>, %convert_element_type3A_165, %reduce_sum3A_166 [1] : vector<1024x128xf32> to vector<1024xf32>
    %broadcast_in_dim3A_168 = vector.shape_cast %reduce_sum3A_167 : vector<1024xf32> to vector<1024x1xf32>
    %eq3A_169 = arith.constant 21 : i32
    %eq3A_170 = vector.broadcast %eq3A_169 : i32 to vector<1024x128xi32>
    %eq3A_171 = arith.cmpi eq, %min3A_3, %eq3A_170 : vector<1024x128xi32>
    %convert_element_type3A_172 = arith.extui %eq3A_171 : vector<1024x128xi1> to vector<1024x128xi32>
    %convert_element_type3A_173 = arith.sitofp %convert_element_type3A_172 : vector<1024x128xi32> to vector<1024x128xf32>
    %reduce_sum3A_174 = arith.constant dense<0.000000e+00> : vector<1024xf32>
    %reduce_sum3A_175 = vector.multi_reduction <add>, %convert_element_type3A_173, %reduce_sum3A_174 [1] : vector<1024x128xf32> to vector<1024xf32>
    %broadcast_in_dim3A_176 = vector.shape_cast %reduce_sum3A_175 : vector<1024xf32> to vector<1024x1xf32>
    %eq3A_177 = arith.constant 22 : i32
    %eq3A_178 = vector.broadcast %eq3A_177 : i32 to vector<1024x128xi32>
    %eq3A_179 = arith.cmpi eq, %min3A_3, %eq3A_178 : vector<1024x128xi32>
    %convert_element_type3A_180 = arith.extui %eq3A_179 : vector<1024x128xi1> to vector<1024x128xi32>
    %convert_element_type3A_181 = arith.sitofp %convert_element_type3A_180 : vector<1024x128xi32> to vector<1024x128xf32>
    %reduce_sum3A_182 = arith.constant dense<0.000000e+00> : vector<1024xf32>
    %reduce_sum3A_183 = vector.multi_reduction <add>, %convert_element_type3A_181, %reduce_sum3A_182 [1] : vector<1024x128xf32> to vector<1024xf32>
    %broadcast_in_dim3A_184 = vector.shape_cast %reduce_sum3A_183 : vector<1024xf32> to vector<1024x1xf32>
    %eq3A_185 = arith.constant 23 : i32
    %eq3A_186 = vector.broadcast %eq3A_185 : i32 to vector<1024x128xi32>
    %eq3A_187 = arith.cmpi eq, %min3A_3, %eq3A_186 : vector<1024x128xi32>
    %convert_element_type3A_188 = arith.extui %eq3A_187 : vector<1024x128xi1> to vector<1024x128xi32>
    %convert_element_type3A_189 = arith.sitofp %convert_element_type3A_188 : vector<1024x128xi32> to vector<1024x128xf32>
    %reduce_sum3A_190 = arith.constant dense<0.000000e+00> : vector<1024xf32>
    %reduce_sum3A_191 = vector.multi_reduction <add>, %convert_element_type3A_189, %reduce_sum3A_190 [1] : vector<1024x128xf32> to vector<1024xf32>
    %broadcast_in_dim3A_192 = vector.shape_cast %reduce_sum3A_191 : vector<1024xf32> to vector<1024x1xf32>
    %eq3A_193 = arith.constant 24 : i32
    %eq3A_194 = vector.broadcast %eq3A_193 : i32 to vector<1024x128xi32>
    %eq3A_195 = arith.cmpi eq, %min3A_3, %eq3A_194 : vector<1024x128xi32>
    %convert_element_type3A_196 = arith.extui %eq3A_195 : vector<1024x128xi1> to vector<1024x128xi32>
    %convert_element_type3A_197 = arith.sitofp %convert_element_type3A_196 : vector<1024x128xi32> to vector<1024x128xf32>
    %reduce_sum3A_198 = arith.constant dense<0.000000e+00> : vector<1024xf32>
    %reduce_sum3A_199 = vector.multi_reduction <add>, %convert_element_type3A_197, %reduce_sum3A_198 [1] : vector<1024x128xf32> to vector<1024xf32>
    %broadcast_in_dim3A_200 = vector.shape_cast %reduce_sum3A_199 : vector<1024xf32> to vector<1024x1xf32>
    %eq3A_201 = arith.constant 25 : i32
    %eq3A_202 = vector.broadcast %eq3A_201 : i32 to vector<1024x128xi32>
    %eq3A_203 = arith.cmpi eq, %min3A_3, %eq3A_202 : vector<1024x128xi32>
    %convert_element_type3A_204 = arith.extui %eq3A_203 : vector<1024x128xi1> to vector<1024x128xi32>
    %convert_element_type3A_205 = arith.sitofp %convert_element_type3A_204 : vector<1024x128xi32> to vector<1024x128xf32>
    %reduce_sum3A_206 = arith.constant dense<0.000000e+00> : vector<1024xf32>
    %reduce_sum3A_207 = vector.multi_reduction <add>, %convert_element_type3A_205, %reduce_sum3A_206 [1] : vector<1024x128xf32> to vector<1024xf32>
    %broadcast_in_dim3A_208 = vector.shape_cast %reduce_sum3A_207 : vector<1024xf32> to vector<1024x1xf32>
    %eq3A_209 = arith.constant 26 : i32
    %eq3A_210 = vector.broadcast %eq3A_209 : i32 to vector<1024x128xi32>
    %eq3A_211 = arith.cmpi eq, %min3A_3, %eq3A_210 : vector<1024x128xi32>
    %convert_element_type3A_212 = arith.extui %eq3A_211 : vector<1024x128xi1> to vector<1024x128xi32>
    %convert_element_type3A_213 = arith.sitofp %convert_element_type3A_212 : vector<1024x128xi32> to vector<1024x128xf32>
    %reduce_sum3A_214 = arith.constant dense<0.000000e+00> : vector<1024xf32>
    %reduce_sum3A_215 = vector.multi_reduction <add>, %convert_element_type3A_213, %reduce_sum3A_214 [1] : vector<1024x128xf32> to vector<1024xf32>
    %broadcast_in_dim3A_216 = vector.shape_cast %reduce_sum3A_215 : vector<1024xf32> to vector<1024x1xf32>
    %eq3A_217 = arith.constant 27 : i32
    %eq3A_218 = vector.broadcast %eq3A_217 : i32 to vector<1024x128xi32>
    %eq3A_219 = arith.cmpi eq, %min3A_3, %eq3A_218 : vector<1024x128xi32>
    %convert_element_type3A_220 = arith.extui %eq3A_219 : vector<1024x128xi1> to vector<1024x128xi32>
    %convert_element_type3A_221 = arith.sitofp %convert_element_type3A_220 : vector<1024x128xi32> to vector<1024x128xf32>
    %reduce_sum3A_222 = arith.constant dense<0.000000e+00> : vector<1024xf32>
    %reduce_sum3A_223 = vector.multi_reduction <add>, %convert_element_type3A_221, %reduce_sum3A_222 [1] : vector<1024x128xf32> to vector<1024xf32>
    %broadcast_in_dim3A_224 = vector.shape_cast %reduce_sum3A_223 : vector<1024xf32> to vector<1024x1xf32>
    %eq3A_225 = arith.constant 28 : i32
    %eq3A_226 = vector.broadcast %eq3A_225 : i32 to vector<1024x128xi32>
    %eq3A_227 = arith.cmpi eq, %min3A_3, %eq3A_226 : vector<1024x128xi32>
    %convert_element_type3A_228 = arith.extui %eq3A_227 : vector<1024x128xi1> to vector<1024x128xi32>
    %convert_element_type3A_229 = arith.sitofp %convert_element_type3A_228 : vector<1024x128xi32> to vector<1024x128xf32>
    %reduce_sum3A_230 = arith.constant dense<0.000000e+00> : vector<1024xf32>
    %reduce_sum3A_231 = vector.multi_reduction <add>, %convert_element_type3A_229, %reduce_sum3A_230 [1] : vector<1024x128xf32> to vector<1024xf32>
    %broadcast_in_dim3A_232 = vector.shape_cast %reduce_sum3A_231 : vector<1024xf32> to vector<1024x1xf32>
    %eq3A_233 = arith.constant 29 : i32
    %eq3A_234 = vector.broadcast %eq3A_233 : i32 to vector<1024x128xi32>
    %eq3A_235 = arith.cmpi eq, %min3A_3, %eq3A_234 : vector<1024x128xi32>
    %convert_element_type3A_236 = arith.extui %eq3A_235 : vector<1024x128xi1> to vector<1024x128xi32>
    %convert_element_type3A_237 = arith.sitofp %convert_element_type3A_236 : vector<1024x128xi32> to vector<1024x128xf32>
    %reduce_sum3A_238 = arith.constant dense<0.000000e+00> : vector<1024xf32>
    %reduce_sum3A_239 = vector.multi_reduction <add>, %convert_element_type3A_237, %reduce_sum3A_238 [1] : vector<1024x128xf32> to vector<1024xf32>
    %broadcast_in_dim3A_240 = vector.shape_cast %reduce_sum3A_239 : vector<1024xf32> to vector<1024x1xf32>
    %eq3A_241 = arith.constant 30 : i32
    %eq3A_242 = vector.broadcast %eq3A_241 : i32 to vector<1024x128xi32>
    %eq3A_243 = arith.cmpi eq, %min3A_3, %eq3A_242 : vector<1024x128xi32>
    %convert_element_type3A_244 = arith.extui %eq3A_243 : vector<1024x128xi1> to vector<1024x128xi32>
    %convert_element_type3A_245 = arith.sitofp %convert_element_type3A_244 : vector<1024x128xi32> to vector<1024x128xf32>
    %reduce_sum3A_246 = arith.constant dense<0.000000e+00> : vector<1024xf32>
    %reduce_sum3A_247 = vector.multi_reduction <add>, %convert_element_type3A_245, %reduce_sum3A_246 [1] : vector<1024x128xf32> to vector<1024xf32>
    %broadcast_in_dim3A_248 = vector.shape_cast %reduce_sum3A_247 : vector<1024xf32> to vector<1024x1xf32>
    %eq3A_249 = arith.constant 31 : i32
    %eq3A_250 = vector.broadcast %eq3A_249 : i32 to vector<1024x128xi32>
    %eq3A_251 = arith.cmpi eq, %min3A_3, %eq3A_250 : vector<1024x128xi32>
    %convert_element_type3A_252 = arith.extui %eq3A_251 : vector<1024x128xi1> to vector<1024x128xi32>
    %convert_element_type3A_253 = arith.sitofp %convert_element_type3A_252 : vector<1024x128xi32> to vector<1024x128xf32>
    %reduce_sum3A_254 = arith.constant dense<0.000000e+00> : vector<1024xf32>
    %reduce_sum3A_255 = vector.multi_reduction <add>, %convert_element_type3A_253, %reduce_sum3A_254 [1] : vector<1024x128xf32> to vector<1024xf32>
    %broadcast_in_dim3A_256 = vector.shape_cast %reduce_sum3A_255 : vector<1024xf32> to vector<1024x1xf32>
    %concatenate3A = tpu.concatenate %broadcast_in_dim3A, %broadcast_in_dim3A_16, %broadcast_in_dim3A_24, %broadcast_in_dim3A_32, %broadcast_in_dim3A_40, %broadcast_in_dim3A_48, %broadcast_in_dim3A_56, %broadcast_in_dim3A_64, %broadcast_in_dim3A_72, %broadcast_in_dim3A_80, %broadcast_in_dim3A_88, %broadcast_in_dim3A_96, %broadcast_in_dim3A_104, %broadcast_in_dim3A_112, %broadcast_in_dim3A_120, %broadcast_in_dim3A_128, %broadcast_in_dim3A_136, %broadcast_in_dim3A_144, %broadcast_in_dim3A_152, %broadcast_in_dim3A_160, %broadcast_in_dim3A_168, %broadcast_in_dim3A_176, %broadcast_in_dim3A_184, %broadcast_in_dim3A_192, %broadcast_in_dim3A_200, %broadcast_in_dim3A_208, %broadcast_in_dim3A_216, %broadcast_in_dim3A_224, %broadcast_in_dim3A_232, %broadcast_in_dim3A_240, %broadcast_in_dim3A_248, %broadcast_in_dim3A_256 in 1 : vector<1024x1xf32>, vector<1024x1xf32>, vector<1024x1xf32>, vector<1024x1xf32>, vector<1024x1xf32>, vector<1024x1xf32>, vector<1024x1xf32>, vector<1024x1xf32>, vector<1024x1xf32>, vector<1024x1xf32>, vector<1024x1xf32>, vector<1024x1xf32>, vector<1024x1xf32>, vector<1024x1xf32>, vector<1024x1xf32>, vector<1024x1xf32>, vector<1024x1xf32>, vector<1024x1xf32>, vector<1024x1xf32>, vector<1024x1xf32>, vector<1024x1xf32>, vector<1024x1xf32>, vector<1024x1xf32>, vector<1024x1xf32>, vector<1024x1xf32>, vector<1024x1xf32>, vector<1024x1xf32>, vector<1024x1xf32>, vector<1024x1xf32>, vector<1024x1xf32>, vector<1024x1xf32>, vector<1024x1xf32> -> vector<1024x32xf32>
    %iota3A = tpu.iota {dimensions = array<i32: 1>} : vector<64x1024xi32>
    %iota3A_257 = tpu.iota {dimensions = array<i32: 0>} : vector<64x1024xi32>
    %jit3A = arith.constant 16 : i32
    %div3A = vector.broadcast %jit3A : i32 to vector<64x1024xi32>
    %div3A_258 = arith.divsi %iota3A, %div3A : vector<64x1024xi32>
    %sign3A = arith.constant 0 : i32
    %sign3A_259 = vector.broadcast %sign3A : i32 to vector<64x1024xi32>
    %sign3A_260 = arith.cmpi sgt, %iota3A, %sign3A_259 : vector<64x1024xi32>
    %sign3A_261 = arith.extui %sign3A_260 : vector<64x1024xi1> to vector<64x1024xi32>
    %sign3A_262 = arith.constant 0 : i32
    %sign3A_263 = vector.broadcast %sign3A_262 : i32 to vector<64x1024xi32>
    %sign3A_264 = arith.cmpi slt, %iota3A, %sign3A_263 : vector<64x1024xi32>
    %sign3A_265 = arith.extui %sign3A_264 : vector<64x1024xi1> to vector<64x1024xi32>
    %sign3A_266 = arith.subi %sign3A_261, %sign3A_265 : vector<64x1024xi32>
    %sign3A_267 = arith.constant 0 : i32
    %sign3A_268 = arith.cmpi sgt, %jit3A, %sign3A_267 : i32
    %sign3A_269 = arith.extui %sign3A_268 : i1 to i32
    %sign3A_270 = arith.constant 0 : i32
    %sign3A_271 = arith.cmpi slt, %jit3A, %sign3A_270 : i32
    %sign3A_272 = arith.extui %sign3A_271 : i1 to i32
    %sign3A_273 = arith.subi %sign3A_269, %sign3A_272 : i32
    %ne3A = vector.broadcast %sign3A_273 : i32 to vector<64x1024xi32>
    %ne3A_274 = arith.cmpi ne, %sign3A_266, %ne3A : vector<64x1024xi32>
    %rem3A = vector.broadcast %jit3A : i32 to vector<64x1024xi32>
    %rem3A_275 = arith.remsi %iota3A, %rem3A : vector<64x1024xi32>
    %ne3A_276 = arith.constant 0 : i32
    %ne3A_277 = vector.broadcast %ne3A_276 : i32 to vector<64x1024xi32>
    %ne3A_278 = arith.cmpi ne, %rem3A_275, %ne3A_277 : vector<64x1024xi32>
    %and3A = arith.andi %ne3A_274, %ne3A_278 : vector<64x1024xi1>
    %sub3A = arith.constant 1 : i32
    %sub3A_279 = vector.broadcast %sub3A : i32 to vector<64x1024xi32>
    %sub3A_280 = arith.subi %div3A_258, %sub3A_279 : vector<64x1024xi32>
    %select_n3A = arith.select %and3A, %sub3A_280, %div3A_258 : vector<64x1024xi1>, vector<64x1024xi32>
    %eq3A_281 = arith.cmpi eq, %select_n3A, %iota3A_257 : vector<64x1024xi32>
    %convert_element_type3A_282 = arith.extui %eq3A_281 : vector<64x1024xi1> to vector<64x1024xi32>
    %convert_element_type3A_283 = arith.sitofp %convert_element_type3A_282 : vector<64x1024xi32> to vector<64x1024xf32>
    %dot_general3A = arith.constant dense<0.000000e+00> : vector<64x32xf32>
    %dot_general3A_284 = tpu.matmul %convert_element_type3A_283, %concatenate3A, %dot_general3A {dimension_numbers = #tpu.dot_dimension_numbers<[1], [0], [0], [1], [0, 0, 1, 1], [], []>, precision = #tpu.contract_precision<fp32>, transpose_lhs_hint = false} : vector<64x1024xf32>, vector<1024x32xf32>, vector<64x32xf32> -> vector<64x32xf32>
    %swap3A = arith.constant 0 : index
    %swap3A_285 = arith.constant 0 : index
    %swap3A_286 = vector.load %arg2[%swap3A, %swap3A_285] : memref<64x32xf32, #tpu.memory_space<vmem>>, vector<64x32xf32>
    tpu.vector_store %arg2[%swap3A, %swap3A_285], %dot_general3A_284 {strides = array<i32>} : memref<64x32xf32, #tpu.memory_space<vmem>>, vector<64x32xf32>,
    return
  }
  func.func @transform_0(%arg0: i32) -> (i32, i32) {
    %c0_i32 = arith.constant 0 : i32
    %c0_i32_0 = arith.constant 0 : i32
    return %arg0, %c0_i32 : i32, i32
  }
  func.func @transform_1(%arg0: i32) -> (i32, i32) {
    %c0_i32 = arith.constant 0 : i32
    %c0_i32_0 = arith.constant 0 : i32
    return %arg0, %c0_i32 : i32, i32
  }
}

module attributes {stable_mosaic.version = 14 : i64} {
  func.func @_k3_body(%arg0: memref<1280x32xf32, #tpu.memory_space<vmem>>, %arg1: memref<1280x32xf32, #tpu.memory_space<vmem>>) attributes {dimension_semantics = [], scalar_prefetch = 0 : i64, scratch_operands = 0 : i64, tpu.core_type = #tpu.core_type<tc>} {
    %get3A = arith.constant 0 : index
    %get3A_0 = arith.constant 0 : index
    %get3A_1 = vector.load %arg0[%get3A, %get3A_0] : memref<1280x32xf32, #tpu.memory_space<vmem>>, vector<1280x32xf32>
    %iota3A = tpu.iota {dimensions = array<i32: 0>} : vector<1280x1280xi32>
    %iota3A_2 = tpu.iota {dimensions = array<i32: 1>} : vector<1280x1280xi32>
    %lt3A = arith.cmpi slt, %iota3A_2, %iota3A : vector<1280x1280xi32>
    %convert_element_type3A = arith.extui %lt3A : vector<1280x1280xi1> to vector<1280x1280xi32>
    %convert_element_type3A_3 = arith.sitofp %convert_element_type3A : vector<1280x1280xi32> to vector<1280x1280xf32>
    %dot_general3A = arith.constant dense<0.000000e+00> : vector<1280x32xf32>
    %dot_general3A_4 = tpu.matmul %convert_element_type3A_3, %get3A_1, %dot_general3A {dimension_numbers = #tpu.dot_dimension_numbers<[1], [0], [0], [1], [0, 0, 1, 1], [], []>, precision = #tpu.contract_precision<fp32>, transpose_lhs_hint = false} : vector<1280x1280xf32>, vector<1280x32xf32>, vector<1280x32xf32> -> vector<1280x32xf32>
    %reduce_sum3A = arith.constant dense<0.000000e+00> : vector<32xf32>
    %reduce_sum3A_5 = vector.multi_reduction <add>, %get3A_1, %reduce_sum3A [0] : vector<1280x32xf32> to vector<32xf32>
    %broadcast_in_dim3A = vector.shape_cast %reduce_sum3A_5 : vector<32xf32> to vector<1x32xf32>
    %iota3A_6 = tpu.iota {dimensions = array<i32: 0>} : vector<32x32xi32>
    %iota3A_7 = tpu.iota {dimensions = array<i32: 1>} : vector<32x32xi32>
    %gt3A = arith.cmpi sgt, %iota3A_6, %iota3A_7 : vector<32x32xi32>
    %convert_element_type3A_8 = arith.extui %gt3A : vector<32x32xi1> to vector<32x32xi32>
    %convert_element_type3A_9 = arith.sitofp %convert_element_type3A_8 : vector<32x32xi32> to vector<32x32xf32>
    %dot_general3A_10 = arith.constant dense<0.000000e+00> : vector<1x32xf32>
    %dot_general3A_11 = tpu.matmul %broadcast_in_dim3A, %convert_element_type3A_9, %dot_general3A_10 {dimension_numbers = #tpu.dot_dimension_numbers<[1], [0], [0], [1], [0, 0, 1, 1], [], []>, precision = #tpu.contract_precision<fp32>, transpose_lhs_hint = false} : vector<1x32xf32>, vector<32x32xf32>, vector<1x32xf32> -> vector<1x32xf32>
    %add3A = vector.broadcast %dot_general3A_11 : vector<1x32xf32> to vector<1280x32xf32>
    %add3A_12 = arith.addf %dot_general3A_4, %add3A : vector<1280x32xf32>
    %swap3A = arith.constant 0 : index
    %swap3A_13 = arith.constant 0 : index
    %swap3A_14 = vector.load %arg1[%swap3A, %swap3A_13] : memref<1280x32xf32, #tpu.memory_space<vmem>>, vector<1280x32xf32>
    tpu.vector_store %arg1[%swap3A, %swap3A_13], %add3A_12 {strides = array<i32>} : memref<1280x32xf32, #tpu.memory_space<vmem>>, vector<1280x32xf32>,
    return
  }
}

module attributes {stable_mosaic.version = 14 : i64} {
  func.func @_k4_body(%arg0: i32, %arg1: memref<1024x128xf32, #tpu.memory_space<vmem>>, %arg2: memref<64x32xf32, #tpu.memory_space<vmem>>, %arg3: memref<1024x128xi32, #tpu.memory_space<vmem>>) attributes {dimension_semantics = [#tpu.dimension_semantics<arbitrary>], iteration_bounds = array<i64: 20>, scalar_prefetch = 0 : i64, scratch_operands = 0 : i64, tpu.core_type = #tpu.core_type<tc>, window_params = [{transform_indices = @transform_0, window_bounds = array<i64: 1024, 128>}, {transform_indices = @transform_1, window_bounds = array<i64: 64, 32>}, {transform_indices = @transform_2, window_bounds = array<i64: 1024, 128>}]} {
    %get3A = arith.constant 0 : index
    %get3A_0 = arith.constant 0 : index
    %get3A_1 = vector.load %arg1[%get3A, %get3A_0] : memref<1024x128xf32, #tpu.memory_space<vmem>>, vector<1024x128xf32>
    %convert_element_type3A = arith.fptosi %get3A_1 : vector<1024x128xf32> to vector<1024x128xi32>
    %min3A = arith.constant 31 : i32
    %min3A_2 = vector.broadcast %min3A : i32 to vector<1024x128xi32>
    %min3A_3 = arith.minsi %convert_element_type3A, %min3A_2 : vector<1024x128xi32>
    %eq3A = arith.constant 0 : i32
    %eq3A_4 = vector.broadcast %eq3A : i32 to vector<1024x128xi32>
    %eq3A_5 = arith.cmpi eq, %min3A_3, %eq3A_4 : vector<1024x128xi32>
    %convert_element_type3A_6 = arith.extui %eq3A_5 : vector<1024x128xi1> to vector<1024x128xi32>
    %convert_element_type3A_7 = arith.sitofp %convert_element_type3A_6 : vector<1024x128xi32> to vector<1024x128xf32>
    %reduce_sum3A = arith.constant dense<0.000000e+00> : vector<1024xf32>
    %reduce_sum3A_8 = vector.multi_reduction <add>, %convert_element_type3A_7, %reduce_sum3A [1] : vector<1024x128xf32> to vector<1024xf32>
    %broadcast_in_dim3A = vector.shape_cast %reduce_sum3A_8 : vector<1024xf32> to vector<1024x1xf32>
    %eq3A_9 = arith.constant 1 : i32
    %eq3A_10 = vector.broadcast %eq3A_9 : i32 to vector<1024x128xi32>
    %eq3A_11 = arith.cmpi eq, %min3A_3, %eq3A_10 : vector<1024x128xi32>
    %convert_element_type3A_12 = arith.extui %eq3A_11 : vector<1024x128xi1> to vector<1024x128xi32>
    %convert_element_type3A_13 = arith.sitofp %convert_element_type3A_12 : vector<1024x128xi32> to vector<1024x128xf32>
    %reduce_sum3A_14 = arith.constant dense<0.000000e+00> : vector<1024xf32>
    %reduce_sum3A_15 = vector.multi_reduction <add>, %convert_element_type3A_13, %reduce_sum3A_14 [1] : vector<1024x128xf32> to vector<1024xf32>
    %broadcast_in_dim3A_16 = vector.shape_cast %reduce_sum3A_15 : vector<1024xf32> to vector<1024x1xf32>
    %eq3A_17 = arith.constant 2 : i32
    %eq3A_18 = vector.broadcast %eq3A_17 : i32 to vector<1024x128xi32>
    %eq3A_19 = arith.cmpi eq, %min3A_3, %eq3A_18 : vector<1024x128xi32>
    %convert_element_type3A_20 = arith.extui %eq3A_19 : vector<1024x128xi1> to vector<1024x128xi32>
    %convert_element_type3A_21 = arith.sitofp %convert_element_type3A_20 : vector<1024x128xi32> to vector<1024x128xf32>
    %reduce_sum3A_22 = arith.constant dense<0.000000e+00> : vector<1024xf32>
    %reduce_sum3A_23 = vector.multi_reduction <add>, %convert_element_type3A_21, %reduce_sum3A_22 [1] : vector<1024x128xf32> to vector<1024xf32>
    %broadcast_in_dim3A_24 = vector.shape_cast %reduce_sum3A_23 : vector<1024xf32> to vector<1024x1xf32>
    %eq3A_25 = arith.constant 3 : i32
    %eq3A_26 = vector.broadcast %eq3A_25 : i32 to vector<1024x128xi32>
    %eq3A_27 = arith.cmpi eq, %min3A_3, %eq3A_26 : vector<1024x128xi32>
    %convert_element_type3A_28 = arith.extui %eq3A_27 : vector<1024x128xi1> to vector<1024x128xi32>
    %convert_element_type3A_29 = arith.sitofp %convert_element_type3A_28 : vector<1024x128xi32> to vector<1024x128xf32>
    %reduce_sum3A_30 = arith.constant dense<0.000000e+00> : vector<1024xf32>
    %reduce_sum3A_31 = vector.multi_reduction <add>, %convert_element_type3A_29, %reduce_sum3A_30 [1] : vector<1024x128xf32> to vector<1024xf32>
    %broadcast_in_dim3A_32 = vector.shape_cast %reduce_sum3A_31 : vector<1024xf32> to vector<1024x1xf32>
    %eq3A_33 = arith.constant 4 : i32
    %eq3A_34 = vector.broadcast %eq3A_33 : i32 to vector<1024x128xi32>
    %eq3A_35 = arith.cmpi eq, %min3A_3, %eq3A_34 : vector<1024x128xi32>
    %convert_element_type3A_36 = arith.extui %eq3A_35 : vector<1024x128xi1> to vector<1024x128xi32>
    %convert_element_type3A_37 = arith.sitofp %convert_element_type3A_36 : vector<1024x128xi32> to vector<1024x128xf32>
    %reduce_sum3A_38 = arith.constant dense<0.000000e+00> : vector<1024xf32>
    %reduce_sum3A_39 = vector.multi_reduction <add>, %convert_element_type3A_37, %reduce_sum3A_38 [1] : vector<1024x128xf32> to vector<1024xf32>
    %broadcast_in_dim3A_40 = vector.shape_cast %reduce_sum3A_39 : vector<1024xf32> to vector<1024x1xf32>
    %eq3A_41 = arith.constant 5 : i32
    %eq3A_42 = vector.broadcast %eq3A_41 : i32 to vector<1024x128xi32>
    %eq3A_43 = arith.cmpi eq, %min3A_3, %eq3A_42 : vector<1024x128xi32>
    %convert_element_type3A_44 = arith.extui %eq3A_43 : vector<1024x128xi1> to vector<1024x128xi32>
    %convert_element_type3A_45 = arith.sitofp %convert_element_type3A_44 : vector<1024x128xi32> to vector<1024x128xf32>
    %reduce_sum3A_46 = arith.constant dense<0.000000e+00> : vector<1024xf32>
    %reduce_sum3A_47 = vector.multi_reduction <add>, %convert_element_type3A_45, %reduce_sum3A_46 [1] : vector<1024x128xf32> to vector<1024xf32>
    %broadcast_in_dim3A_48 = vector.shape_cast %reduce_sum3A_47 : vector<1024xf32> to vector<1024x1xf32>
    %eq3A_49 = arith.constant 6 : i32
    %eq3A_50 = vector.broadcast %eq3A_49 : i32 to vector<1024x128xi32>
    %eq3A_51 = arith.cmpi eq, %min3A_3, %eq3A_50 : vector<1024x128xi32>
    %convert_element_type3A_52 = arith.extui %eq3A_51 : vector<1024x128xi1> to vector<1024x128xi32>
    %convert_element_type3A_53 = arith.sitofp %convert_element_type3A_52 : vector<1024x128xi32> to vector<1024x128xf32>
    %reduce_sum3A_54 = arith.constant dense<0.000000e+00> : vector<1024xf32>
    %reduce_sum3A_55 = vector.multi_reduction <add>, %convert_element_type3A_53, %reduce_sum3A_54 [1] : vector<1024x128xf32> to vector<1024xf32>
    %broadcast_in_dim3A_56 = vector.shape_cast %reduce_sum3A_55 : vector<1024xf32> to vector<1024x1xf32>
    %eq3A_57 = arith.constant 7 : i32
    %eq3A_58 = vector.broadcast %eq3A_57 : i32 to vector<1024x128xi32>
    %eq3A_59 = arith.cmpi eq, %min3A_3, %eq3A_58 : vector<1024x128xi32>
    %convert_element_type3A_60 = arith.extui %eq3A_59 : vector<1024x128xi1> to vector<1024x128xi32>
    %convert_element_type3A_61 = arith.sitofp %convert_element_type3A_60 : vector<1024x128xi32> to vector<1024x128xf32>
    %reduce_sum3A_62 = arith.constant dense<0.000000e+00> : vector<1024xf32>
    %reduce_sum3A_63 = vector.multi_reduction <add>, %convert_element_type3A_61, %reduce_sum3A_62 [1] : vector<1024x128xf32> to vector<1024xf32>
    %broadcast_in_dim3A_64 = vector.shape_cast %reduce_sum3A_63 : vector<1024xf32> to vector<1024x1xf32>
    %eq3A_65 = arith.constant 8 : i32
    %eq3A_66 = vector.broadcast %eq3A_65 : i32 to vector<1024x128xi32>
    %eq3A_67 = arith.cmpi eq, %min3A_3, %eq3A_66 : vector<1024x128xi32>
    %convert_element_type3A_68 = arith.extui %eq3A_67 : vector<1024x128xi1> to vector<1024x128xi32>
    %convert_element_type3A_69 = arith.sitofp %convert_element_type3A_68 : vector<1024x128xi32> to vector<1024x128xf32>
    %reduce_sum3A_70 = arith.constant dense<0.000000e+00> : vector<1024xf32>
    %reduce_sum3A_71 = vector.multi_reduction <add>, %convert_element_type3A_69, %reduce_sum3A_70 [1] : vector<1024x128xf32> to vector<1024xf32>
    %broadcast_in_dim3A_72 = vector.shape_cast %reduce_sum3A_71 : vector<1024xf32> to vector<1024x1xf32>
    %eq3A_73 = arith.constant 9 : i32
    %eq3A_74 = vector.broadcast %eq3A_73 : i32 to vector<1024x128xi32>
    %eq3A_75 = arith.cmpi eq, %min3A_3, %eq3A_74 : vector<1024x128xi32>
    %convert_element_type3A_76 = arith.extui %eq3A_75 : vector<1024x128xi1> to vector<1024x128xi32>
    %convert_element_type3A_77 = arith.sitofp %convert_element_type3A_76 : vector<1024x128xi32> to vector<1024x128xf32>
    %reduce_sum3A_78 = arith.constant dense<0.000000e+00> : vector<1024xf32>
    %reduce_sum3A_79 = vector.multi_reduction <add>, %convert_element_type3A_77, %reduce_sum3A_78 [1] : vector<1024x128xf32> to vector<1024xf32>
    %broadcast_in_dim3A_80 = vector.shape_cast %reduce_sum3A_79 : vector<1024xf32> to vector<1024x1xf32>
    %eq3A_81 = arith.constant 10 : i32
    %eq3A_82 = vector.broadcast %eq3A_81 : i32 to vector<1024x128xi32>
    %eq3A_83 = arith.cmpi eq, %min3A_3, %eq3A_82 : vector<1024x128xi32>
    %convert_element_type3A_84 = arith.extui %eq3A_83 : vector<1024x128xi1> to vector<1024x128xi32>
    %convert_element_type3A_85 = arith.sitofp %convert_element_type3A_84 : vector<1024x128xi32> to vector<1024x128xf32>
    %reduce_sum3A_86 = arith.constant dense<0.000000e+00> : vector<1024xf32>
    %reduce_sum3A_87 = vector.multi_reduction <add>, %convert_element_type3A_85, %reduce_sum3A_86 [1] : vector<1024x128xf32> to vector<1024xf32>
    %broadcast_in_dim3A_88 = vector.shape_cast %reduce_sum3A_87 : vector<1024xf32> to vector<1024x1xf32>
    %eq3A_89 = arith.constant 11 : i32
    %eq3A_90 = vector.broadcast %eq3A_89 : i32 to vector<1024x128xi32>
    %eq3A_91 = arith.cmpi eq, %min3A_3, %eq3A_90 : vector<1024x128xi32>
    %convert_element_type3A_92 = arith.extui %eq3A_91 : vector<1024x128xi1> to vector<1024x128xi32>
    %convert_element_type3A_93 = arith.sitofp %convert_element_type3A_92 : vector<1024x128xi32> to vector<1024x128xf32>
    %reduce_sum3A_94 = arith.constant dense<0.000000e+00> : vector<1024xf32>
    %reduce_sum3A_95 = vector.multi_reduction <add>, %convert_element_type3A_93, %reduce_sum3A_94 [1] : vector<1024x128xf32> to vector<1024xf32>
    %broadcast_in_dim3A_96 = vector.shape_cast %reduce_sum3A_95 : vector<1024xf32> to vector<1024x1xf32>
    %eq3A_97 = arith.constant 12 : i32
    %eq3A_98 = vector.broadcast %eq3A_97 : i32 to vector<1024x128xi32>
    %eq3A_99 = arith.cmpi eq, %min3A_3, %eq3A_98 : vector<1024x128xi32>
    %convert_element_type3A_100 = arith.extui %eq3A_99 : vector<1024x128xi1> to vector<1024x128xi32>
    %convert_element_type3A_101 = arith.sitofp %convert_element_type3A_100 : vector<1024x128xi32> to vector<1024x128xf32>
    %reduce_sum3A_102 = arith.constant dense<0.000000e+00> : vector<1024xf32>
    %reduce_sum3A_103 = vector.multi_reduction <add>, %convert_element_type3A_101, %reduce_sum3A_102 [1] : vector<1024x128xf32> to vector<1024xf32>
    %broadcast_in_dim3A_104 = vector.shape_cast %reduce_sum3A_103 : vector<1024xf32> to vector<1024x1xf32>
    %eq3A_105 = arith.constant 13 : i32
    %eq3A_106 = vector.broadcast %eq3A_105 : i32 to vector<1024x128xi32>
    %eq3A_107 = arith.cmpi eq, %min3A_3, %eq3A_106 : vector<1024x128xi32>
    %convert_element_type3A_108 = arith.extui %eq3A_107 : vector<1024x128xi1> to vector<1024x128xi32>
    %convert_element_type3A_109 = arith.sitofp %convert_element_type3A_108 : vector<1024x128xi32> to vector<1024x128xf32>
    %reduce_sum3A_110 = arith.constant dense<0.000000e+00> : vector<1024xf32>
    %reduce_sum3A_111 = vector.multi_reduction <add>, %convert_element_type3A_109, %reduce_sum3A_110 [1] : vector<1024x128xf32> to vector<1024xf32>
    %broadcast_in_dim3A_112 = vector.shape_cast %reduce_sum3A_111 : vector<1024xf32> to vector<1024x1xf32>
    %eq3A_113 = arith.constant 14 : i32
    %eq3A_114 = vector.broadcast %eq3A_113 : i32 to vector<1024x128xi32>
    %eq3A_115 = arith.cmpi eq, %min3A_3, %eq3A_114 : vector<1024x128xi32>
    %convert_element_type3A_116 = arith.extui %eq3A_115 : vector<1024x128xi1> to vector<1024x128xi32>
    %convert_element_type3A_117 = arith.sitofp %convert_element_type3A_116 : vector<1024x128xi32> to vector<1024x128xf32>
    %reduce_sum3A_118 = arith.constant dense<0.000000e+00> : vector<1024xf32>
    %reduce_sum3A_119 = vector.multi_reduction <add>, %convert_element_type3A_117, %reduce_sum3A_118 [1] : vector<1024x128xf32> to vector<1024xf32>
    %broadcast_in_dim3A_120 = vector.shape_cast %reduce_sum3A_119 : vector<1024xf32> to vector<1024x1xf32>
    %eq3A_121 = arith.constant 15 : i32
    %eq3A_122 = vector.broadcast %eq3A_121 : i32 to vector<1024x128xi32>
    %eq3A_123 = arith.cmpi eq, %min3A_3, %eq3A_122 : vector<1024x128xi32>
    %convert_element_type3A_124 = arith.extui %eq3A_123 : vector<1024x128xi1> to vector<1024x128xi32>
    %convert_element_type3A_125 = arith.sitofp %convert_element_type3A_124 : vector<1024x128xi32> to vector<1024x128xf32>
    %reduce_sum3A_126 = arith.constant dense<0.000000e+00> : vector<1024xf32>
    %reduce_sum3A_127 = vector.multi_reduction <add>, %convert_element_type3A_125, %reduce_sum3A_126 [1] : vector<1024x128xf32> to vector<1024xf32>
    %broadcast_in_dim3A_128 = vector.shape_cast %reduce_sum3A_127 : vector<1024xf32> to vector<1024x1xf32>
    %eq3A_129 = arith.constant 16 : i32
    %eq3A_130 = vector.broadcast %eq3A_129 : i32 to vector<1024x128xi32>
    %eq3A_131 = arith.cmpi eq, %min3A_3, %eq3A_130 : vector<1024x128xi32>
    %convert_element_type3A_132 = arith.extui %eq3A_131 : vector<1024x128xi1> to vector<1024x128xi32>
    %convert_element_type3A_133 = arith.sitofp %convert_element_type3A_132 : vector<1024x128xi32> to vector<1024x128xf32>
    %reduce_sum3A_134 = arith.constant dense<0.000000e+00> : vector<1024xf32>
    %reduce_sum3A_135 = vector.multi_reduction <add>, %convert_element_type3A_133, %reduce_sum3A_134 [1] : vector<1024x128xf32> to vector<1024xf32>
    %broadcast_in_dim3A_136 = vector.shape_cast %reduce_sum3A_135 : vector<1024xf32> to vector<1024x1xf32>
    %eq3A_137 = arith.constant 17 : i32
    %eq3A_138 = vector.broadcast %eq3A_137 : i32 to vector<1024x128xi32>
    %eq3A_139 = arith.cmpi eq, %min3A_3, %eq3A_138 : vector<1024x128xi32>
    %convert_element_type3A_140 = arith.extui %eq3A_139 : vector<1024x128xi1> to vector<1024x128xi32>
    %convert_element_type3A_141 = arith.sitofp %convert_element_type3A_140 : vector<1024x128xi32> to vector<1024x128xf32>
    %reduce_sum3A_142 = arith.constant dense<0.000000e+00> : vector<1024xf32>
    %reduce_sum3A_143 = vector.multi_reduction <add>, %convert_element_type3A_141, %reduce_sum3A_142 [1] : vector<1024x128xf32> to vector<1024xf32>
    %broadcast_in_dim3A_144 = vector.shape_cast %reduce_sum3A_143 : vector<1024xf32> to vector<1024x1xf32>
    %eq3A_145 = arith.constant 18 : i32
    %eq3A_146 = vector.broadcast %eq3A_145 : i32 to vector<1024x128xi32>
    %eq3A_147 = arith.cmpi eq, %min3A_3, %eq3A_146 : vector<1024x128xi32>
    %convert_element_type3A_148 = arith.extui %eq3A_147 : vector<1024x128xi1> to vector<1024x128xi32>
    %convert_element_type3A_149 = arith.sitofp %convert_element_type3A_148 : vector<1024x128xi32> to vector<1024x128xf32>
    %reduce_sum3A_150 = arith.constant dense<0.000000e+00> : vector<1024xf32>
    %reduce_sum3A_151 = vector.multi_reduction <add>, %convert_element_type3A_149, %reduce_sum3A_150 [1] : vector<1024x128xf32> to vector<1024xf32>
    %broadcast_in_dim3A_152 = vector.shape_cast %reduce_sum3A_151 : vector<1024xf32> to vector<1024x1xf32>
    %eq3A_153 = arith.constant 19 : i32
    %eq3A_154 = vector.broadcast %eq3A_153 : i32 to vector<1024x128xi32>
    %eq3A_155 = arith.cmpi eq, %min3A_3, %eq3A_154 : vector<1024x128xi32>
    %convert_element_type3A_156 = arith.extui %eq3A_155 : vector<1024x128xi1> to vector<1024x128xi32>
    %convert_element_type3A_157 = arith.sitofp %convert_element_type3A_156 : vector<1024x128xi32> to vector<1024x128xf32>
    %reduce_sum3A_158 = arith.constant dense<0.000000e+00> : vector<1024xf32>
    %reduce_sum3A_159 = vector.multi_reduction <add>, %convert_element_type3A_157, %reduce_sum3A_158 [1] : vector<1024x128xf32> to vector<1024xf32>
    %broadcast_in_dim3A_160 = vector.shape_cast %reduce_sum3A_159 : vector<1024xf32> to vector<1024x1xf32>
    %eq3A_161 = arith.constant 20 : i32
    %eq3A_162 = vector.broadcast %eq3A_161 : i32 to vector<1024x128xi32>
    %eq3A_163 = arith.cmpi eq, %min3A_3, %eq3A_162 : vector<1024x128xi32>
    %convert_element_type3A_164 = arith.extui %eq3A_163 : vector<1024x128xi1> to vector<1024x128xi32>
    %convert_element_type3A_165 = arith.sitofp %convert_element_type3A_164 : vector<1024x128xi32> to vector<1024x128xf32>
    %reduce_sum3A_166 = arith.constant dense<0.000000e+00> : vector<1024xf32>
    %reduce_sum3A_167 = vector.multi_reduction <add>, %convert_element_type3A_165, %reduce_sum3A_166 [1] : vector<1024x128xf32> to vector<1024xf32>
    %broadcast_in_dim3A_168 = vector.shape_cast %reduce_sum3A_167 : vector<1024xf32> to vector<1024x1xf32>
    %eq3A_169 = arith.constant 21 : i32
    %eq3A_170 = vector.broadcast %eq3A_169 : i32 to vector<1024x128xi32>
    %eq3A_171 = arith.cmpi eq, %min3A_3, %eq3A_170 : vector<1024x128xi32>
    %convert_element_type3A_172 = arith.extui %eq3A_171 : vector<1024x128xi1> to vector<1024x128xi32>
    %convert_element_type3A_173 = arith.sitofp %convert_element_type3A_172 : vector<1024x128xi32> to vector<1024x128xf32>
    %reduce_sum3A_174 = arith.constant dense<0.000000e+00> : vector<1024xf32>
    %reduce_sum3A_175 = vector.multi_reduction <add>, %convert_element_type3A_173, %reduce_sum3A_174 [1] : vector<1024x128xf32> to vector<1024xf32>
    %broadcast_in_dim3A_176 = vector.shape_cast %reduce_sum3A_175 : vector<1024xf32> to vector<1024x1xf32>
    %eq3A_177 = arith.constant 22 : i32
    %eq3A_178 = vector.broadcast %eq3A_177 : i32 to vector<1024x128xi32>
    %eq3A_179 = arith.cmpi eq, %min3A_3, %eq3A_178 : vector<1024x128xi32>
    %convert_element_type3A_180 = arith.extui %eq3A_179 : vector<1024x128xi1> to vector<1024x128xi32>
    %convert_element_type3A_181 = arith.sitofp %convert_element_type3A_180 : vector<1024x128xi32> to vector<1024x128xf32>
    %reduce_sum3A_182 = arith.constant dense<0.000000e+00> : vector<1024xf32>
    %reduce_sum3A_183 = vector.multi_reduction <add>, %convert_element_type3A_181, %reduce_sum3A_182 [1] : vector<1024x128xf32> to vector<1024xf32>
    %broadcast_in_dim3A_184 = vector.shape_cast %reduce_sum3A_183 : vector<1024xf32> to vector<1024x1xf32>
    %eq3A_185 = arith.constant 23 : i32
    %eq3A_186 = vector.broadcast %eq3A_185 : i32 to vector<1024x128xi32>
    %eq3A_187 = arith.cmpi eq, %min3A_3, %eq3A_186 : vector<1024x128xi32>
    %convert_element_type3A_188 = arith.extui %eq3A_187 : vector<1024x128xi1> to vector<1024x128xi32>
    %convert_element_type3A_189 = arith.sitofp %convert_element_type3A_188 : vector<1024x128xi32> to vector<1024x128xf32>
    %reduce_sum3A_190 = arith.constant dense<0.000000e+00> : vector<1024xf32>
    %reduce_sum3A_191 = vector.multi_reduction <add>, %convert_element_type3A_189, %reduce_sum3A_190 [1] : vector<1024x128xf32> to vector<1024xf32>
    %broadcast_in_dim3A_192 = vector.shape_cast %reduce_sum3A_191 : vector<1024xf32> to vector<1024x1xf32>
    %eq3A_193 = arith.constant 24 : i32
    %eq3A_194 = vector.broadcast %eq3A_193 : i32 to vector<1024x128xi32>
    %eq3A_195 = arith.cmpi eq, %min3A_3, %eq3A_194 : vector<1024x128xi32>
    %convert_element_type3A_196 = arith.extui %eq3A_195 : vector<1024x128xi1> to vector<1024x128xi32>
    %convert_element_type3A_197 = arith.sitofp %convert_element_type3A_196 : vector<1024x128xi32> to vector<1024x128xf32>
    %reduce_sum3A_198 = arith.constant dense<0.000000e+00> : vector<1024xf32>
    %reduce_sum3A_199 = vector.multi_reduction <add>, %convert_element_type3A_197, %reduce_sum3A_198 [1] : vector<1024x128xf32> to vector<1024xf32>
    %broadcast_in_dim3A_200 = vector.shape_cast %reduce_sum3A_199 : vector<1024xf32> to vector<1024x1xf32>
    %eq3A_201 = arith.constant 25 : i32
    %eq3A_202 = vector.broadcast %eq3A_201 : i32 to vector<1024x128xi32>
    %eq3A_203 = arith.cmpi eq, %min3A_3, %eq3A_202 : vector<1024x128xi32>
    %convert_element_type3A_204 = arith.extui %eq3A_203 : vector<1024x128xi1> to vector<1024x128xi32>
    %convert_element_type3A_205 = arith.sitofp %convert_element_type3A_204 : vector<1024x128xi32> to vector<1024x128xf32>
    %reduce_sum3A_206 = arith.constant dense<0.000000e+00> : vector<1024xf32>
    %reduce_sum3A_207 = vector.multi_reduction <add>, %convert_element_type3A_205, %reduce_sum3A_206 [1] : vector<1024x128xf32> to vector<1024xf32>
    %broadcast_in_dim3A_208 = vector.shape_cast %reduce_sum3A_207 : vector<1024xf32> to vector<1024x1xf32>
    %eq3A_209 = arith.constant 26 : i32
    %eq3A_210 = vector.broadcast %eq3A_209 : i32 to vector<1024x128xi32>
    %eq3A_211 = arith.cmpi eq, %min3A_3, %eq3A_210 : vector<1024x128xi32>
    %convert_element_type3A_212 = arith.extui %eq3A_211 : vector<1024x128xi1> to vector<1024x128xi32>
    %convert_element_type3A_213 = arith.sitofp %convert_element_type3A_212 : vector<1024x128xi32> to vector<1024x128xf32>
    %reduce_sum3A_214 = arith.constant dense<0.000000e+00> : vector<1024xf32>
    %reduce_sum3A_215 = vector.multi_reduction <add>, %convert_element_type3A_213, %reduce_sum3A_214 [1] : vector<1024x128xf32> to vector<1024xf32>
    %broadcast_in_dim3A_216 = vector.shape_cast %reduce_sum3A_215 : vector<1024xf32> to vector<1024x1xf32>
    %eq3A_217 = arith.constant 27 : i32
    %eq3A_218 = vector.broadcast %eq3A_217 : i32 to vector<1024x128xi32>
    %eq3A_219 = arith.cmpi eq, %min3A_3, %eq3A_218 : vector<1024x128xi32>
    %convert_element_type3A_220 = arith.extui %eq3A_219 : vector<1024x128xi1> to vector<1024x128xi32>
    %convert_element_type3A_221 = arith.sitofp %convert_element_type3A_220 : vector<1024x128xi32> to vector<1024x128xf32>
    %reduce_sum3A_222 = arith.constant dense<0.000000e+00> : vector<1024xf32>
    %reduce_sum3A_223 = vector.multi_reduction <add>, %convert_element_type3A_221, %reduce_sum3A_222 [1] : vector<1024x128xf32> to vector<1024xf32>
    %broadcast_in_dim3A_224 = vector.shape_cast %reduce_sum3A_223 : vector<1024xf32> to vector<1024x1xf32>
    %eq3A_225 = arith.constant 28 : i32
    %eq3A_226 = vector.broadcast %eq3A_225 : i32 to vector<1024x128xi32>
    %eq3A_227 = arith.cmpi eq, %min3A_3, %eq3A_226 : vector<1024x128xi32>
    %convert_element_type3A_228 = arith.extui %eq3A_227 : vector<1024x128xi1> to vector<1024x128xi32>
    %convert_element_type3A_229 = arith.sitofp %convert_element_type3A_228 : vector<1024x128xi32> to vector<1024x128xf32>
    %reduce_sum3A_230 = arith.constant dense<0.000000e+00> : vector<1024xf32>
    %reduce_sum3A_231 = vector.multi_reduction <add>, %convert_element_type3A_229, %reduce_sum3A_230 [1] : vector<1024x128xf32> to vector<1024xf32>
    %broadcast_in_dim3A_232 = vector.shape_cast %reduce_sum3A_231 : vector<1024xf32> to vector<1024x1xf32>
    %eq3A_233 = arith.constant 29 : i32
    %eq3A_234 = vector.broadcast %eq3A_233 : i32 to vector<1024x128xi32>
    %eq3A_235 = arith.cmpi eq, %min3A_3, %eq3A_234 : vector<1024x128xi32>
    %convert_element_type3A_236 = arith.extui %eq3A_235 : vector<1024x128xi1> to vector<1024x128xi32>
    %convert_element_type3A_237 = arith.sitofp %convert_element_type3A_236 : vector<1024x128xi32> to vector<1024x128xf32>
    %reduce_sum3A_238 = arith.constant dense<0.000000e+00> : vector<1024xf32>
    %reduce_sum3A_239 = vector.multi_reduction <add>, %convert_element_type3A_237, %reduce_sum3A_238 [1] : vector<1024x128xf32> to vector<1024xf32>
    %broadcast_in_dim3A_240 = vector.shape_cast %reduce_sum3A_239 : vector<1024xf32> to vector<1024x1xf32>
    %eq3A_241 = arith.constant 30 : i32
    %eq3A_242 = vector.broadcast %eq3A_241 : i32 to vector<1024x128xi32>
    %eq3A_243 = arith.cmpi eq, %min3A_3, %eq3A_242 : vector<1024x128xi32>
    %convert_element_type3A_244 = arith.extui %eq3A_243 : vector<1024x128xi1> to vector<1024x128xi32>
    %convert_element_type3A_245 = arith.sitofp %convert_element_type3A_244 : vector<1024x128xi32> to vector<1024x128xf32>
    %reduce_sum3A_246 = arith.constant dense<0.000000e+00> : vector<1024xf32>
    %reduce_sum3A_247 = vector.multi_reduction <add>, %convert_element_type3A_245, %reduce_sum3A_246 [1] : vector<1024x128xf32> to vector<1024xf32>
    %broadcast_in_dim3A_248 = vector.shape_cast %reduce_sum3A_247 : vector<1024xf32> to vector<1024x1xf32>
    %eq3A_249 = arith.constant 31 : i32
    %eq3A_250 = vector.broadcast %eq3A_249 : i32 to vector<1024x128xi32>
    %eq3A_251 = arith.cmpi eq, %min3A_3, %eq3A_250 : vector<1024x128xi32>
    %convert_element_type3A_252 = arith.extui %eq3A_251 : vector<1024x128xi1> to vector<1024x128xi32>
    %convert_element_type3A_253 = arith.sitofp %convert_element_type3A_252 : vector<1024x128xi32> to vector<1024x128xf32>
    %reduce_sum3A_254 = arith.constant dense<0.000000e+00> : vector<1024xf32>
    %reduce_sum3A_255 = vector.multi_reduction <add>, %convert_element_type3A_253, %reduce_sum3A_254 [1] : vector<1024x128xf32> to vector<1024xf32>
    %broadcast_in_dim3A_256 = vector.shape_cast %reduce_sum3A_255 : vector<1024xf32> to vector<1024x1xf32>
    %concatenate3A = tpu.concatenate %broadcast_in_dim3A, %broadcast_in_dim3A_16, %broadcast_in_dim3A_24, %broadcast_in_dim3A_32, %broadcast_in_dim3A_40, %broadcast_in_dim3A_48, %broadcast_in_dim3A_56, %broadcast_in_dim3A_64, %broadcast_in_dim3A_72, %broadcast_in_dim3A_80, %broadcast_in_dim3A_88, %broadcast_in_dim3A_96, %broadcast_in_dim3A_104, %broadcast_in_dim3A_112, %broadcast_in_dim3A_120, %broadcast_in_dim3A_128, %broadcast_in_dim3A_136, %broadcast_in_dim3A_144, %broadcast_in_dim3A_152, %broadcast_in_dim3A_160, %broadcast_in_dim3A_168, %broadcast_in_dim3A_176, %broadcast_in_dim3A_184, %broadcast_in_dim3A_192, %broadcast_in_dim3A_200, %broadcast_in_dim3A_208, %broadcast_in_dim3A_216, %broadcast_in_dim3A_224, %broadcast_in_dim3A_232, %broadcast_in_dim3A_240, %broadcast_in_dim3A_248, %broadcast_in_dim3A_256 in 1 : vector<1024x1xf32>, vector<1024x1xf32>, vector<1024x1xf32>, vector<1024x1xf32>, vector<1024x1xf32>, vector<1024x1xf32>, vector<1024x1xf32>, vector<1024x1xf32>, vector<1024x1xf32>, vector<1024x1xf32>, vector<1024x1xf32>, vector<1024x1xf32>, vector<1024x1xf32>, vector<1024x1xf32>, vector<1024x1xf32>, vector<1024x1xf32>, vector<1024x1xf32>, vector<1024x1xf32>, vector<1024x1xf32>, vector<1024x1xf32>, vector<1024x1xf32>, vector<1024x1xf32>, vector<1024x1xf32>, vector<1024x1xf32>, vector<1024x1xf32>, vector<1024x1xf32>, vector<1024x1xf32>, vector<1024x1xf32>, vector<1024x1xf32>, vector<1024x1xf32>, vector<1024x1xf32>, vector<1024x1xf32> -> vector<1024x32xf32>
    %iota3A = tpu.iota {dimensions = array<i32: 0>} : vector<1024x1024xi32>
    %iota3A_257 = tpu.iota {dimensions = array<i32: 1>} : vector<1024x1024xi32>
    %jit3A = arith.constant 16 : i32
    %div3A = vector.broadcast %jit3A : i32 to vector<1024x1024xi32>
    %div3A_258 = arith.divsi %iota3A, %div3A : vector<1024x1024xi32>
    %sign3A = arith.constant 0 : i32
    %sign3A_259 = vector.broadcast %sign3A : i32 to vector<1024x1024xi32>
    %sign3A_260 = arith.cmpi sgt, %iota3A, %sign3A_259 : vector<1024x1024xi32>
    %sign3A_261 = arith.extui %sign3A_260 : vector<1024x1024xi1> to vector<1024x1024xi32>
    %sign3A_262 = arith.constant 0 : i32
    %sign3A_263 = vector.broadcast %sign3A_262 : i32 to vector<1024x1024xi32>
    %sign3A_264 = arith.cmpi slt, %iota3A, %sign3A_263 : vector<1024x1024xi32>
    %sign3A_265 = arith.extui %sign3A_264 : vector<1024x1024xi1> to vector<1024x1024xi32>
    %sign3A_266 = arith.subi %sign3A_261, %sign3A_265 : vector<1024x1024xi32>
    %sign3A_267 = arith.constant 0 : i32
    %sign3A_268 = arith.cmpi sgt, %jit3A, %sign3A_267 : i32
    %sign3A_269 = arith.extui %sign3A_268 : i1 to i32
    %sign3A_270 = arith.constant 0 : i32
    %sign3A_271 = arith.cmpi slt, %jit3A, %sign3A_270 : i32
    %sign3A_272 = arith.extui %sign3A_271 : i1 to i32
    %sign3A_273 = arith.subi %sign3A_269, %sign3A_272 : i32
    %ne3A = vector.broadcast %sign3A_273 : i32 to vector<1024x1024xi32>
    %ne3A_274 = arith.cmpi ne, %sign3A_266, %ne3A : vector<1024x1024xi32>
    %rem3A = vector.broadcast %jit3A : i32 to vector<1024x1024xi32>
    %rem3A_275 = arith.remsi %iota3A, %rem3A : vector<1024x1024xi32>
    %ne3A_276 = arith.constant 0 : i32
    %ne3A_277 = vector.broadcast %ne3A_276 : i32 to vector<1024x1024xi32>
    %ne3A_278 = arith.cmpi ne, %rem3A_275, %ne3A_277 : vector<1024x1024xi32>
    %and3A = arith.andi %ne3A_274, %ne3A_278 : vector<1024x1024xi1>
    %sub3A = arith.constant 1 : i32
    %sub3A_279 = vector.broadcast %sub3A : i32 to vector<1024x1024xi32>
    %sub3A_280 = arith.subi %div3A_258, %sub3A_279 : vector<1024x1024xi32>
    %select_n3A = arith.select %and3A, %sub3A_280, %div3A_258 : vector<1024x1024xi1>, vector<1024x1024xi32>
    %jit3A_281 = arith.constant 16 : i32
    %div3A_282 = vector.broadcast %jit3A_281 : i32 to vector<1024x1024xi32>
    %div3A_283 = arith.divsi %iota3A_257, %div3A_282 : vector<1024x1024xi32>
    %sign3A_284 = arith.constant 0 : i32
    %sign3A_285 = vector.broadcast %sign3A_284 : i32 to vector<1024x1024xi32>
    %sign3A_286 = arith.cmpi sgt, %iota3A_257, %sign3A_285 : vector<1024x1024xi32>
    %sign3A_287 = arith.extui %sign3A_286 : vector<1024x1024xi1> to vector<1024x1024xi32>
    %sign3A_288 = arith.constant 0 : i32
    %sign3A_289 = vector.broadcast %sign3A_288 : i32 to vector<1024x1024xi32>
    %sign3A_290 = arith.cmpi slt, %iota3A_257, %sign3A_289 : vector<1024x1024xi32>
    %sign3A_291 = arith.extui %sign3A_290 : vector<1024x1024xi1> to vector<1024x1024xi32>
    %sign3A_292 = arith.subi %sign3A_287, %sign3A_291 : vector<1024x1024xi32>
    %sign3A_293 = arith.constant 0 : i32
    %sign3A_294 = arith.cmpi sgt, %jit3A_281, %sign3A_293 : i32
    %sign3A_295 = arith.extui %sign3A_294 : i1 to i32
    %sign3A_296 = arith.constant 0 : i32
    %sign3A_297 = arith.cmpi slt, %jit3A_281, %sign3A_296 : i32
    %sign3A_298 = arith.extui %sign3A_297 : i1 to i32
    %sign3A_299 = arith.subi %sign3A_295, %sign3A_298 : i32
    %ne3A_300 = vector.broadcast %sign3A_299 : i32 to vector<1024x1024xi32>
    %ne3A_301 = arith.cmpi ne, %sign3A_292, %ne3A_300 : vector<1024x1024xi32>
    %rem3A_302 = vector.broadcast %jit3A_281 : i32 to vector<1024x1024xi32>
    %rem3A_303 = arith.remsi %iota3A_257, %rem3A_302 : vector<1024x1024xi32>
    %ne3A_304 = arith.constant 0 : i32
    %ne3A_305 = vector.broadcast %ne3A_304 : i32 to vector<1024x1024xi32>
    %ne3A_306 = arith.cmpi ne, %rem3A_303, %ne3A_305 : vector<1024x1024xi32>
    %and3A_307 = arith.andi %ne3A_301, %ne3A_306 : vector<1024x1024xi1>
    %sub3A_308 = arith.constant 1 : i32
    %sub3A_309 = vector.broadcast %sub3A_308 : i32 to vector<1024x1024xi32>
    %sub3A_310 = arith.subi %div3A_283, %sub3A_309 : vector<1024x1024xi32>
    %select_n3A_311 = arith.select %and3A_307, %sub3A_310, %div3A_283 : vector<1024x1024xi1>, vector<1024x1024xi32>
    %eq3A_312 = arith.cmpi eq, %select_n3A, %select_n3A_311 : vector<1024x1024xi32>
    %lt3A = arith.cmpi slt, %iota3A_257, %iota3A : vector<1024x1024xi32>
    %and3A_313 = arith.andi %eq3A_312, %lt3A : vector<1024x1024xi1>
    %convert_element_type3A_314 = arith.extui %and3A_313 : vector<1024x1024xi1> to vector<1024x1024xi32>
    %convert_element_type3A_315 = arith.sitofp %convert_element_type3A_314 : vector<1024x1024xi32> to vector<1024x1024xf32>
    %dot_general3A = arith.constant dense<0.000000e+00> : vector<1024x32xf32>
    %dot_general3A_316 = tpu.matmul %convert_element_type3A_315, %concatenate3A, %dot_general3A {dimension_numbers = #tpu.dot_dimension_numbers<[1], [0], [0], [1], [0, 0, 1, 1], [], []>, precision = #tpu.contract_precision<fp32>, transpose_lhs_hint = false} : vector<1024x1024xf32>, vector<1024x32xf32>, vector<1024x32xf32> -> vector<1024x32xf32>
    %iota3A_317 = tpu.iota {dimensions = array<i32: 0>} : vector<1024x64xi32>
    %iota3A_318 = tpu.iota {dimensions = array<i32: 1>} : vector<1024x64xi32>
    %jit3A_319 = arith.constant 16 : i32
    %div3A_320 = vector.broadcast %jit3A_319 : i32 to vector<1024x64xi32>
    %div3A_321 = arith.divsi %iota3A_317, %div3A_320 : vector<1024x64xi32>
    %sign3A_322 = arith.constant 0 : i32
    %sign3A_323 = vector.broadcast %sign3A_322 : i32 to vector<1024x64xi32>
    %sign3A_324 = arith.cmpi sgt, %iota3A_317, %sign3A_323 : vector<1024x64xi32>
    %sign3A_325 = arith.extui %sign3A_324 : vector<1024x64xi1> to vector<1024x64xi32>
    %sign3A_326 = arith.constant 0 : i32
    %sign3A_327 = vector.broadcast %sign3A_326 : i32 to vector<1024x64xi32>
    %sign3A_328 = arith.cmpi slt, %iota3A_317, %sign3A_327 : vector<1024x64xi32>
    %sign3A_329 = arith.extui %sign3A_328 : vector<1024x64xi1> to vector<1024x64xi32>
    %sign3A_330 = arith.subi %sign3A_325, %sign3A_329 : vector<1024x64xi32>
    %sign3A_331 = arith.constant 0 : i32
    %sign3A_332 = arith.cmpi sgt, %jit3A_319, %sign3A_331 : i32
    %sign3A_333 = arith.extui %sign3A_332 : i1 to i32
    %sign3A_334 = arith.constant 0 : i32
    %sign3A_335 = arith.cmpi slt, %jit3A_319, %sign3A_334 : i32
    %sign3A_336 = arith.extui %sign3A_335 : i1 to i32
    %sign3A_337 = arith.subi %sign3A_333, %sign3A_336 : i32
    %ne3A_338 = vector.broadcast %sign3A_337 : i32 to vector<1024x64xi32>
    %ne3A_339 = arith.cmpi ne, %sign3A_330, %ne3A_338 : vector<1024x64xi32>
    %rem3A_340 = vector.broadcast %jit3A_319 : i32 to vector<1024x64xi32>
    %rem3A_341 = arith.remsi %iota3A_317, %rem3A_340 : vector<1024x64xi32>
    %ne3A_342 = arith.constant 0 : i32
    %ne3A_343 = vector.broadcast %ne3A_342 : i32 to vector<1024x64xi32>
    %ne3A_344 = arith.cmpi ne, %rem3A_341, %ne3A_343 : vector<1024x64xi32>
    %and3A_345 = arith.andi %ne3A_339, %ne3A_344 : vector<1024x64xi1>
    %sub3A_346 = arith.constant 1 : i32
    %sub3A_347 = vector.broadcast %sub3A_346 : i32 to vector<1024x64xi32>
    %sub3A_348 = arith.subi %div3A_321, %sub3A_347 : vector<1024x64xi32>
    %select_n3A_349 = arith.select %and3A_345, %sub3A_348, %div3A_321 : vector<1024x64xi1>, vector<1024x64xi32>
    %eq3A_350 = arith.cmpi eq, %select_n3A_349, %iota3A_318 : vector<1024x64xi32>
    %convert_element_type3A_351 = arith.extui %eq3A_350 : vector<1024x64xi1> to vector<1024x64xi32>
    %convert_element_type3A_352 = arith.sitofp %convert_element_type3A_351 : vector<1024x64xi32> to vector<1024x64xf32>
    %get3A_353 = arith.constant 0 : index
    %get3A_354 = arith.constant 0 : index
    %get3A_355 = vector.load %arg2[%get3A_353, %get3A_354] : memref<64x32xf32, #tpu.memory_space<vmem>>, vector<64x32xf32>
    %dot_general3A_356 = arith.constant dense<0.000000e+00> : vector<1024x32xf32>
    %dot_general3A_357 = tpu.matmul %convert_element_type3A_352, %get3A_355, %dot_general3A_356 {dimension_numbers = #tpu.dot_dimension_numbers<[1], [0], [0], [1], [0, 0, 1, 1], [], []>, precision = #tpu.contract_precision<fp32>, transpose_lhs_hint = false} : vector<1024x64xf32>, vector<64x32xf32>, vector<1024x32xf32> -> vector<1024x32xf32>
    %add3A = arith.addf %dot_general3A_316, %dot_general3A_357 : vector<1024x32xf32>
    %iota3A_358 = tpu.iota {dimensions = array<i32: 0>} : vector<128x128xi32>
    %iota3A_359 = tpu.iota {dimensions = array<i32: 1>} : vector<128x128xi32>
    %lt3A_360 = arith.cmpi slt, %iota3A_358, %iota3A_359 : vector<128x128xi32>
    %convert_element_type3A_361 = arith.extui %lt3A_360 : vector<128x128xi1> to vector<128x128xi32>
    %convert_element_type3A_362 = arith.sitofp %convert_element_type3A_361 : vector<128x128xi32> to vector<128x128xf32>
    %broadcast_in_dim3A_363 = arith.constant 0.000000e+00 : f32
    %broadcast_in_dim3A_364 = vector.broadcast %broadcast_in_dim3A_363 : f32 to vector<1024x128xf32>
    %eq3A_365 = arith.constant 0 : i32
    %eq3A_366 = vector.broadcast %eq3A_365 : i32 to vector<1024x128xi32>
    %eq3A_367 = arith.cmpi eq, %min3A_3, %eq3A_366 : vector<1024x128xi32>
    %convert_element_type3A_368 = arith.extui %eq3A_367 : vector<1024x128xi1> to vector<1024x128xi32>
    %convert_element_type3A_369 = arith.sitofp %convert_element_type3A_368 : vector<1024x128xi32> to vector<1024x128xf32>
    %dot_general3A_370 = arith.constant dense<0.000000e+00> : vector<1024x128xf32>
    %dot_general3A_371 = tpu.matmul %convert_element_type3A_369, %convert_element_type3A_362, %dot_general3A_370 {dimension_numbers = #tpu.dot_dimension_numbers<[1], [0], [0], [1], [0, 0, 1, 1], [], []>, precision = #tpu.contract_precision<fp32>, transpose_lhs_hint = false} : vector<1024x128xf32>, vector<128x128xf32>, vector<1024x128xf32> -> vector<1024x128xf32>
    %slice3A = vector.extract_strided_slice %add3A {offsets = [0, 0], sizes = [1024, 1], strides = [1, 1]} : vector<1024x32xf32> to vector<1024x1xf32>
    %add3A_372 = vector.broadcast %slice3A : vector<1024x1xf32> to vector<1024x128xf32>
    %add3A_373 = arith.addf %dot_general3A_371, %add3A_372 : vector<1024x128xf32>
    %mul3A = arith.mulf %convert_element_type3A_369, %add3A_373 : vector<1024x128xf32>
    %add3A_374 = arith.addf %broadcast_in_dim3A_364, %mul3A : vector<1024x128xf32>
    %eq3A_375 = arith.constant 1 : i32
    %eq3A_376 = vector.broadcast %eq3A_375 : i32 to vector<1024x128xi32>
    %eq3A_377 = arith.cmpi eq, %min3A_3, %eq3A_376 : vector<1024x128xi32>
    %convert_element_type3A_378 = arith.extui %eq3A_377 : vector<1024x128xi1> to vector<1024x128xi32>
    %convert_element_type3A_379 = arith.sitofp %convert_element_type3A_378 : vector<1024x128xi32> to vector<1024x128xf32>
    %dot_general3A_380 = arith.constant dense<0.000000e+00> : vector<1024x128xf32>
    %dot_general3A_381 = tpu.matmul %convert_element_type3A_379, %convert_element_type3A_362, %dot_general3A_380 {dimension_numbers = #tpu.dot_dimension_numbers<[1], [0], [0], [1], [0, 0, 1, 1], [], []>, precision = #tpu.contract_precision<fp32>, transpose_lhs_hint = false} : vector<1024x128xf32>, vector<128x128xf32>, vector<1024x128xf32> -> vector<1024x128xf32>
    %slice3A_382 = vector.extract_strided_slice %add3A {offsets = [0, 1], sizes = [1024, 1], strides = [1, 1]} : vector<1024x32xf32> to vector<1024x1xf32>
    %add3A_383 = vector.broadcast %slice3A_382 : vector<1024x1xf32> to vector<1024x128xf32>
    %add3A_384 = arith.addf %dot_general3A_381, %add3A_383 : vector<1024x128xf32>
    %mul3A_385 = arith.mulf %convert_element_type3A_379, %add3A_384 : vector<1024x128xf32>
    %add3A_386 = arith.addf %add3A_374, %mul3A_385 : vector<1024x128xf32>
    %eq3A_387 = arith.constant 2 : i32
    %eq3A_388 = vector.broadcast %eq3A_387 : i32 to vector<1024x128xi32>
    %eq3A_389 = arith.cmpi eq, %min3A_3, %eq3A_388 : vector<1024x128xi32>
    %convert_element_type3A_390 = arith.extui %eq3A_389 : vector<1024x128xi1> to vector<1024x128xi32>
    %convert_element_type3A_391 = arith.sitofp %convert_element_type3A_390 : vector<1024x128xi32> to vector<1024x128xf32>
    %dot_general3A_392 = arith.constant dense<0.000000e+00> : vector<1024x128xf32>
    %dot_general3A_393 = tpu.matmul %convert_element_type3A_391, %convert_element_type3A_362, %dot_general3A_392 {dimension_numbers = #tpu.dot_dimension_numbers<[1], [0], [0], [1], [0, 0, 1, 1], [], []>, precision = #tpu.contract_precision<fp32>, transpose_lhs_hint = false} : vector<1024x128xf32>, vector<128x128xf32>, vector<1024x128xf32> -> vector<1024x128xf32>
    %slice3A_394 = vector.extract_strided_slice %add3A {offsets = [0, 2], sizes = [1024, 1], strides = [1, 1]} : vector<1024x32xf32> to vector<1024x1xf32>
    %add3A_395 = vector.broadcast %slice3A_394 : vector<1024x1xf32> to vector<1024x128xf32>
    %add3A_396 = arith.addf %dot_general3A_393, %add3A_395 : vector<1024x128xf32>
    %mul3A_397 = arith.mulf %convert_element_type3A_391, %add3A_396 : vector<1024x128xf32>
    %add3A_398 = arith.addf %add3A_386, %mul3A_397 : vector<1024x128xf32>
    %eq3A_399 = arith.constant 3 : i32
    %eq3A_400 = vector.broadcast %eq3A_399 : i32 to vector<1024x128xi32>
    %eq3A_401 = arith.cmpi eq, %min3A_3, %eq3A_400 : vector<1024x128xi32>
    %convert_element_type3A_402 = arith.extui %eq3A_401 : vector<1024x128xi1> to vector<1024x128xi32>
    %convert_element_type3A_403 = arith.sitofp %convert_element_type3A_402 : vector<1024x128xi32> to vector<1024x128xf32>
    %dot_general3A_404 = arith.constant dense<0.000000e+00> : vector<1024x128xf32>
    %dot_general3A_405 = tpu.matmul %convert_element_type3A_403, %convert_element_type3A_362, %dot_general3A_404 {dimension_numbers = #tpu.dot_dimension_numbers<[1], [0], [0], [1], [0, 0, 1, 1], [], []>, precision = #tpu.contract_precision<fp32>, transpose_lhs_hint = false} : vector<1024x128xf32>, vector<128x128xf32>, vector<1024x128xf32> -> vector<1024x128xf32>
    %slice3A_406 = vector.extract_strided_slice %add3A {offsets = [0, 3], sizes = [1024, 1], strides = [1, 1]} : vector<1024x32xf32> to vector<1024x1xf32>
    %add3A_407 = vector.broadcast %slice3A_406 : vector<1024x1xf32> to vector<1024x128xf32>
    %add3A_408 = arith.addf %dot_general3A_405, %add3A_407 : vector<1024x128xf32>
    %mul3A_409 = arith.mulf %convert_element_type3A_403, %add3A_408 : vector<1024x128xf32>
    %add3A_410 = arith.addf %add3A_398, %mul3A_409 : vector<1024x128xf32>
    %eq3A_411 = arith.constant 4 : i32
    %eq3A_412 = vector.broadcast %eq3A_411 : i32 to vector<1024x128xi32>
    %eq3A_413 = arith.cmpi eq, %min3A_3, %eq3A_412 : vector<1024x128xi32>
    %convert_element_type3A_414 = arith.extui %eq3A_413 : vector<1024x128xi1> to vector<1024x128xi32>
    %convert_element_type3A_415 = arith.sitofp %convert_element_type3A_414 : vector<1024x128xi32> to vector<1024x128xf32>
    %dot_general3A_416 = arith.constant dense<0.000000e+00> : vector<1024x128xf32>
    %dot_general3A_417 = tpu.matmul %convert_element_type3A_415, %convert_element_type3A_362, %dot_general3A_416 {dimension_numbers = #tpu.dot_dimension_numbers<[1], [0], [0], [1], [0, 0, 1, 1], [], []>, precision = #tpu.contract_precision<fp32>, transpose_lhs_hint = false} : vector<1024x128xf32>, vector<128x128xf32>, vector<1024x128xf32> -> vector<1024x128xf32>
    %slice3A_418 = vector.extract_strided_slice %add3A {offsets = [0, 4], sizes = [1024, 1], strides = [1, 1]} : vector<1024x32xf32> to vector<1024x1xf32>
    %add3A_419 = vector.broadcast %slice3A_418 : vector<1024x1xf32> to vector<1024x128xf32>
    %add3A_420 = arith.addf %dot_general3A_417, %add3A_419 : vector<1024x128xf32>
    %mul3A_421 = arith.mulf %convert_element_type3A_415, %add3A_420 : vector<1024x128xf32>
    %add3A_422 = arith.addf %add3A_410, %mul3A_421 : vector<1024x128xf32>
    %eq3A_423 = arith.constant 5 : i32
    %eq3A_424 = vector.broadcast %eq3A_423 : i32 to vector<1024x128xi32>
    %eq3A_425 = arith.cmpi eq, %min3A_3, %eq3A_424 : vector<1024x128xi32>
    %convert_element_type3A_426 = arith.extui %eq3A_425 : vector<1024x128xi1> to vector<1024x128xi32>
    %convert_element_type3A_427 = arith.sitofp %convert_element_type3A_426 : vector<1024x128xi32> to vector<1024x128xf32>
    %dot_general3A_428 = arith.constant dense<0.000000e+00> : vector<1024x128xf32>
    %dot_general3A_429 = tpu.matmul %convert_element_type3A_427, %convert_element_type3A_362, %dot_general3A_428 {dimension_numbers = #tpu.dot_dimension_numbers<[1], [0], [0], [1], [0, 0, 1, 1], [], []>, precision = #tpu.contract_precision<fp32>, transpose_lhs_hint = false} : vector<1024x128xf32>, vector<128x128xf32>, vector<1024x128xf32> -> vector<1024x128xf32>
    %slice3A_430 = vector.extract_strided_slice %add3A {offsets = [0, 5], sizes = [1024, 1], strides = [1, 1]} : vector<1024x32xf32> to vector<1024x1xf32>
    %add3A_431 = vector.broadcast %slice3A_430 : vector<1024x1xf32> to vector<1024x128xf32>
    %add3A_432 = arith.addf %dot_general3A_429, %add3A_431 : vector<1024x128xf32>
    %mul3A_433 = arith.mulf %convert_element_type3A_427, %add3A_432 : vector<1024x128xf32>
    %add3A_434 = arith.addf %add3A_422, %mul3A_433 : vector<1024x128xf32>
    %eq3A_435 = arith.constant 6 : i32
    %eq3A_436 = vector.broadcast %eq3A_435 : i32 to vector<1024x128xi32>
    %eq3A_437 = arith.cmpi eq, %min3A_3, %eq3A_436 : vector<1024x128xi32>
    %convert_element_type3A_438 = arith.extui %eq3A_437 : vector<1024x128xi1> to vector<1024x128xi32>
    %convert_element_type3A_439 = arith.sitofp %convert_element_type3A_438 : vector<1024x128xi32> to vector<1024x128xf32>
    %dot_general3A_440 = arith.constant dense<0.000000e+00> : vector<1024x128xf32>
    %dot_general3A_441 = tpu.matmul %convert_element_type3A_439, %convert_element_type3A_362, %dot_general3A_440 {dimension_numbers = #tpu.dot_dimension_numbers<[1], [0], [0], [1], [0, 0, 1, 1], [], []>, precision = #tpu.contract_precision<fp32>, transpose_lhs_hint = false} : vector<1024x128xf32>, vector<128x128xf32>, vector<1024x128xf32> -> vector<1024x128xf32>
    %slice3A_442 = vector.extract_strided_slice %add3A {offsets = [0, 6], sizes = [1024, 1], strides = [1, 1]} : vector<1024x32xf32> to vector<1024x1xf32>
    %add3A_443 = vector.broadcast %slice3A_442 : vector<1024x1xf32> to vector<1024x128xf32>
    %add3A_444 = arith.addf %dot_general3A_441, %add3A_443 : vector<1024x128xf32>
    %mul3A_445 = arith.mulf %convert_element_type3A_439, %add3A_444 : vector<1024x128xf32>
    %add3A_446 = arith.addf %add3A_434, %mul3A_445 : vector<1024x128xf32>
    %eq3A_447 = arith.constant 7 : i32
    %eq3A_448 = vector.broadcast %eq3A_447 : i32 to vector<1024x128xi32>
    %eq3A_449 = arith.cmpi eq, %min3A_3, %eq3A_448 : vector<1024x128xi32>
    %convert_element_type3A_450 = arith.extui %eq3A_449 : vector<1024x128xi1> to vector<1024x128xi32>
    %convert_element_type3A_451 = arith.sitofp %convert_element_type3A_450 : vector<1024x128xi32> to vector<1024x128xf32>
    %dot_general3A_452 = arith.constant dense<0.000000e+00> : vector<1024x128xf32>
    %dot_general3A_453 = tpu.matmul %convert_element_type3A_451, %convert_element_type3A_362, %dot_general3A_452 {dimension_numbers = #tpu.dot_dimension_numbers<[1], [0], [0], [1], [0, 0, 1, 1], [], []>, precision = #tpu.contract_precision<fp32>, transpose_lhs_hint = false} : vector<1024x128xf32>, vector<128x128xf32>, vector<1024x128xf32> -> vector<1024x128xf32>
    %slice3A_454 = vector.extract_strided_slice %add3A {offsets = [0, 7], sizes = [1024, 1], strides = [1, 1]} : vector<1024x32xf32> to vector<1024x1xf32>
    %add3A_455 = vector.broadcast %slice3A_454 : vector<1024x1xf32> to vector<1024x128xf32>
    %add3A_456 = arith.addf %dot_general3A_453, %add3A_455 : vector<1024x128xf32>
    %mul3A_457 = arith.mulf %convert_element_type3A_451, %add3A_456 : vector<1024x128xf32>
    %add3A_458 = arith.addf %add3A_446, %mul3A_457 : vector<1024x128xf32>
    %eq3A_459 = arith.constant 8 : i32
    %eq3A_460 = vector.broadcast %eq3A_459 : i32 to vector<1024x128xi32>
    %eq3A_461 = arith.cmpi eq, %min3A_3, %eq3A_460 : vector<1024x128xi32>
    %convert_element_type3A_462 = arith.extui %eq3A_461 : vector<1024x128xi1> to vector<1024x128xi32>
    %convert_element_type3A_463 = arith.sitofp %convert_element_type3A_462 : vector<1024x128xi32> to vector<1024x128xf32>
    %dot_general3A_464 = arith.constant dense<0.000000e+00> : vector<1024x128xf32>
    %dot_general3A_465 = tpu.matmul %convert_element_type3A_463, %convert_element_type3A_362, %dot_general3A_464 {dimension_numbers = #tpu.dot_dimension_numbers<[1], [0], [0], [1], [0, 0, 1, 1], [], []>, precision = #tpu.contract_precision<fp32>, transpose_lhs_hint = false} : vector<1024x128xf32>, vector<128x128xf32>, vector<1024x128xf32> -> vector<1024x128xf32>
    %slice3A_466 = vector.extract_strided_slice %add3A {offsets = [0, 8], sizes = [1024, 1], strides = [1, 1]} : vector<1024x32xf32> to vector<1024x1xf32>
    %add3A_467 = vector.broadcast %slice3A_466 : vector<1024x1xf32> to vector<1024x128xf32>
    %add3A_468 = arith.addf %dot_general3A_465, %add3A_467 : vector<1024x128xf32>
    %mul3A_469 = arith.mulf %convert_element_type3A_463, %add3A_468 : vector<1024x128xf32>
    %add3A_470 = arith.addf %add3A_458, %mul3A_469 : vector<1024x128xf32>
    %eq3A_471 = arith.constant 9 : i32
    %eq3A_472 = vector.broadcast %eq3A_471 : i32 to vector<1024x128xi32>
    %eq3A_473 = arith.cmpi eq, %min3A_3, %eq3A_472 : vector<1024x128xi32>
    %convert_element_type3A_474 = arith.extui %eq3A_473 : vector<1024x128xi1> to vector<1024x128xi32>
    %convert_element_type3A_475 = arith.sitofp %convert_element_type3A_474 : vector<1024x128xi32> to vector<1024x128xf32>
    %dot_general3A_476 = arith.constant dense<0.000000e+00> : vector<1024x128xf32>
    %dot_general3A_477 = tpu.matmul %convert_element_type3A_475, %convert_element_type3A_362, %dot_general3A_476 {dimension_numbers = #tpu.dot_dimension_numbers<[1], [0], [0], [1], [0, 0, 1, 1], [], []>, precision = #tpu.contract_precision<fp32>, transpose_lhs_hint = false} : vector<1024x128xf32>, vector<128x128xf32>, vector<1024x128xf32> -> vector<1024x128xf32>
    %slice3A_478 = vector.extract_strided_slice %add3A {offsets = [0, 9], sizes = [1024, 1], strides = [1, 1]} : vector<1024x32xf32> to vector<1024x1xf32>
    %add3A_479 = vector.broadcast %slice3A_478 : vector<1024x1xf32> to vector<1024x128xf32>
    %add3A_480 = arith.addf %dot_general3A_477, %add3A_479 : vector<1024x128xf32>
    %mul3A_481 = arith.mulf %convert_element_type3A_475, %add3A_480 : vector<1024x128xf32>
    %add3A_482 = arith.addf %add3A_470, %mul3A_481 : vector<1024x128xf32>
    %eq3A_483 = arith.constant 10 : i32
    %eq3A_484 = vector.broadcast %eq3A_483 : i32 to vector<1024x128xi32>
    %eq3A_485 = arith.cmpi eq, %min3A_3, %eq3A_484 : vector<1024x128xi32>
    %convert_element_type3A_486 = arith.extui %eq3A_485 : vector<1024x128xi1> to vector<1024x128xi32>
    %convert_element_type3A_487 = arith.sitofp %convert_element_type3A_486 : vector<1024x128xi32> to vector<1024x128xf32>
    %dot_general3A_488 = arith.constant dense<0.000000e+00> : vector<1024x128xf32>
    %dot_general3A_489 = tpu.matmul %convert_element_type3A_487, %convert_element_type3A_362, %dot_general3A_488 {dimension_numbers = #tpu.dot_dimension_numbers<[1], [0], [0], [1], [0, 0, 1, 1], [], []>, precision = #tpu.contract_precision<fp32>, transpose_lhs_hint = false} : vector<1024x128xf32>, vector<128x128xf32>, vector<1024x128xf32> -> vector<1024x128xf32>
    %slice3A_490 = vector.extract_strided_slice %add3A {offsets = [0, 10], sizes = [1024, 1], strides = [1, 1]} : vector<1024x32xf32> to vector<1024x1xf32>
    %add3A_491 = vector.broadcast %slice3A_490 : vector<1024x1xf32> to vector<1024x128xf32>
    %add3A_492 = arith.addf %dot_general3A_489, %add3A_491 : vector<1024x128xf32>
    %mul3A_493 = arith.mulf %convert_element_type3A_487, %add3A_492 : vector<1024x128xf32>
    %add3A_494 = arith.addf %add3A_482, %mul3A_493 : vector<1024x128xf32>
    %eq3A_495 = arith.constant 11 : i32
    %eq3A_496 = vector.broadcast %eq3A_495 : i32 to vector<1024x128xi32>
    %eq3A_497 = arith.cmpi eq, %min3A_3, %eq3A_496 : vector<1024x128xi32>
    %convert_element_type3A_498 = arith.extui %eq3A_497 : vector<1024x128xi1> to vector<1024x128xi32>
    %convert_element_type3A_499 = arith.sitofp %convert_element_type3A_498 : vector<1024x128xi32> to vector<1024x128xf32>
    %dot_general3A_500 = arith.constant dense<0.000000e+00> : vector<1024x128xf32>
    %dot_general3A_501 = tpu.matmul %convert_element_type3A_499, %convert_element_type3A_362, %dot_general3A_500 {dimension_numbers = #tpu.dot_dimension_numbers<[1], [0], [0], [1], [0, 0, 1, 1], [], []>, precision = #tpu.contract_precision<fp32>, transpose_lhs_hint = false} : vector<1024x128xf32>, vector<128x128xf32>, vector<1024x128xf32> -> vector<1024x128xf32>
    %slice3A_502 = vector.extract_strided_slice %add3A {offsets = [0, 11], sizes = [1024, 1], strides = [1, 1]} : vector<1024x32xf32> to vector<1024x1xf32>
    %add3A_503 = vector.broadcast %slice3A_502 : vector<1024x1xf32> to vector<1024x128xf32>
    %add3A_504 = arith.addf %dot_general3A_501, %add3A_503 : vector<1024x128xf32>
    %mul3A_505 = arith.mulf %convert_element_type3A_499, %add3A_504 : vector<1024x128xf32>
    %add3A_506 = arith.addf %add3A_494, %mul3A_505 : vector<1024x128xf32>
    %eq3A_507 = arith.constant 12 : i32
    %eq3A_508 = vector.broadcast %eq3A_507 : i32 to vector<1024x128xi32>
    %eq3A_509 = arith.cmpi eq, %min3A_3, %eq3A_508 : vector<1024x128xi32>
    %convert_element_type3A_510 = arith.extui %eq3A_509 : vector<1024x128xi1> to vector<1024x128xi32>
    %convert_element_type3A_511 = arith.sitofp %convert_element_type3A_510 : vector<1024x128xi32> to vector<1024x128xf32>
    %dot_general3A_512 = arith.constant dense<0.000000e+00> : vector<1024x128xf32>
    %dot_general3A_513 = tpu.matmul %convert_element_type3A_511, %convert_element_type3A_362, %dot_general3A_512 {dimension_numbers = #tpu.dot_dimension_numbers<[1], [0], [0], [1], [0, 0, 1, 1], [], []>, precision = #tpu.contract_precision<fp32>, transpose_lhs_hint = false} : vector<1024x128xf32>, vector<128x128xf32>, vector<1024x128xf32> -> vector<1024x128xf32>
    %slice3A_514 = vector.extract_strided_slice %add3A {offsets = [0, 12], sizes = [1024, 1], strides = [1, 1]} : vector<1024x32xf32> to vector<1024x1xf32>
    %add3A_515 = vector.broadcast %slice3A_514 : vector<1024x1xf32> to vector<1024x128xf32>
    %add3A_516 = arith.addf %dot_general3A_513, %add3A_515 : vector<1024x128xf32>
    %mul3A_517 = arith.mulf %convert_element_type3A_511, %add3A_516 : vector<1024x128xf32>
    %add3A_518 = arith.addf %add3A_506, %mul3A_517 : vector<1024x128xf32>
    %eq3A_519 = arith.constant 13 : i32
    %eq3A_520 = vector.broadcast %eq3A_519 : i32 to vector<1024x128xi32>
    %eq3A_521 = arith.cmpi eq, %min3A_3, %eq3A_520 : vector<1024x128xi32>
    %convert_element_type3A_522 = arith.extui %eq3A_521 : vector<1024x128xi1> to vector<1024x128xi32>
    %convert_element_type3A_523 = arith.sitofp %convert_element_type3A_522 : vector<1024x128xi32> to vector<1024x128xf32>
    %dot_general3A_524 = arith.constant dense<0.000000e+00> : vector<1024x128xf32>
    %dot_general3A_525 = tpu.matmul %convert_element_type3A_523, %convert_element_type3A_362, %dot_general3A_524 {dimension_numbers = #tpu.dot_dimension_numbers<[1], [0], [0], [1], [0, 0, 1, 1], [], []>, precision = #tpu.contract_precision<fp32>, transpose_lhs_hint = false} : vector<1024x128xf32>, vector<128x128xf32>, vector<1024x128xf32> -> vector<1024x128xf32>
    %slice3A_526 = vector.extract_strided_slice %add3A {offsets = [0, 13], sizes = [1024, 1], strides = [1, 1]} : vector<1024x32xf32> to vector<1024x1xf32>
    %add3A_527 = vector.broadcast %slice3A_526 : vector<1024x1xf32> to vector<1024x128xf32>
    %add3A_528 = arith.addf %dot_general3A_525, %add3A_527 : vector<1024x128xf32>
    %mul3A_529 = arith.mulf %convert_element_type3A_523, %add3A_528 : vector<1024x128xf32>
    %add3A_530 = arith.addf %add3A_518, %mul3A_529 : vector<1024x128xf32>
    %eq3A_531 = arith.constant 14 : i32
    %eq3A_532 = vector.broadcast %eq3A_531 : i32 to vector<1024x128xi32>
    %eq3A_533 = arith.cmpi eq, %min3A_3, %eq3A_532 : vector<1024x128xi32>
    %convert_element_type3A_534 = arith.extui %eq3A_533 : vector<1024x128xi1> to vector<1024x128xi32>
    %convert_element_type3A_535 = arith.sitofp %convert_element_type3A_534 : vector<1024x128xi32> to vector<1024x128xf32>
    %dot_general3A_536 = arith.constant dense<0.000000e+00> : vector<1024x128xf32>
    %dot_general3A_537 = tpu.matmul %convert_element_type3A_535, %convert_element_type3A_362, %dot_general3A_536 {dimension_numbers = #tpu.dot_dimension_numbers<[1], [0], [0], [1], [0, 0, 1, 1], [], []>, precision = #tpu.contract_precision<fp32>, transpose_lhs_hint = false} : vector<1024x128xf32>, vector<128x128xf32>, vector<1024x128xf32> -> vector<1024x128xf32>
    %slice3A_538 = vector.extract_strided_slice %add3A {offsets = [0, 14], sizes = [1024, 1], strides = [1, 1]} : vector<1024x32xf32> to vector<1024x1xf32>
    %add3A_539 = vector.broadcast %slice3A_538 : vector<1024x1xf32> to vector<1024x128xf32>
    %add3A_540 = arith.addf %dot_general3A_537, %add3A_539 : vector<1024x128xf32>
    %mul3A_541 = arith.mulf %convert_element_type3A_535, %add3A_540 : vector<1024x128xf32>
    %add3A_542 = arith.addf %add3A_530, %mul3A_541 : vector<1024x128xf32>
    %eq3A_543 = arith.constant 15 : i32
    %eq3A_544 = vector.broadcast %eq3A_543 : i32 to vector<1024x128xi32>
    %eq3A_545 = arith.cmpi eq, %min3A_3, %eq3A_544 : vector<1024x128xi32>
    %convert_element_type3A_546 = arith.extui %eq3A_545 : vector<1024x128xi1> to vector<1024x128xi32>
    %convert_element_type3A_547 = arith.sitofp %convert_element_type3A_546 : vector<1024x128xi32> to vector<1024x128xf32>
    %dot_general3A_548 = arith.constant dense<0.000000e+00> : vector<1024x128xf32>
    %dot_general3A_549 = tpu.matmul %convert_element_type3A_547, %convert_element_type3A_362, %dot_general3A_548 {dimension_numbers = #tpu.dot_dimension_numbers<[1], [0], [0], [1], [0, 0, 1, 1], [], []>, precision = #tpu.contract_precision<fp32>, transpose_lhs_hint = false} : vector<1024x128xf32>, vector<128x128xf32>, vector<1024x128xf32> -> vector<1024x128xf32>
    %slice3A_550 = vector.extract_strided_slice %add3A {offsets = [0, 15], sizes = [1024, 1], strides = [1, 1]} : vector<1024x32xf32> to vector<1024x1xf32>
    %add3A_551 = vector.broadcast %slice3A_550 : vector<1024x1xf32> to vector<1024x128xf32>
    %add3A_552 = arith.addf %dot_general3A_549, %add3A_551 : vector<1024x128xf32>
    %mul3A_553 = arith.mulf %convert_element_type3A_547, %add3A_552 : vector<1024x128xf32>
    %add3A_554 = arith.addf %add3A_542, %mul3A_553 : vector<1024x128xf32>
    %eq3A_555 = arith.constant 16 : i32
    %eq3A_556 = vector.broadcast %eq3A_555 : i32 to vector<1024x128xi32>
    %eq3A_557 = arith.cmpi eq, %min3A_3, %eq3A_556 : vector<1024x128xi32>
    %convert_element_type3A_558 = arith.extui %eq3A_557 : vector<1024x128xi1> to vector<1024x128xi32>
    %convert_element_type3A_559 = arith.sitofp %convert_element_type3A_558 : vector<1024x128xi32> to vector<1024x128xf32>
    %dot_general3A_560 = arith.constant dense<0.000000e+00> : vector<1024x128xf32>
    %dot_general3A_561 = tpu.matmul %convert_element_type3A_559, %convert_element_type3A_362, %dot_general3A_560 {dimension_numbers = #tpu.dot_dimension_numbers<[1], [0], [0], [1], [0, 0, 1, 1], [], []>, precision = #tpu.contract_precision<fp32>, transpose_lhs_hint = false} : vector<1024x128xf32>, vector<128x128xf32>, vector<1024x128xf32> -> vector<1024x128xf32>
    %slice3A_562 = vector.extract_strided_slice %add3A {offsets = [0, 16], sizes = [1024, 1], strides = [1, 1]} : vector<1024x32xf32> to vector<1024x1xf32>
    %add3A_563 = vector.broadcast %slice3A_562 : vector<1024x1xf32> to vector<1024x128xf32>
    %add3A_564 = arith.addf %dot_general3A_561, %add3A_563 : vector<1024x128xf32>
    %mul3A_565 = arith.mulf %convert_element_type3A_559, %add3A_564 : vector<1024x128xf32>
    %add3A_566 = arith.addf %add3A_554, %mul3A_565 : vector<1024x128xf32>
    %eq3A_567 = arith.constant 17 : i32
    %eq3A_568 = vector.broadcast %eq3A_567 : i32 to vector<1024x128xi32>
    %eq3A_569 = arith.cmpi eq, %min3A_3, %eq3A_568 : vector<1024x128xi32>
    %convert_element_type3A_570 = arith.extui %eq3A_569 : vector<1024x128xi1> to vector<1024x128xi32>
    %convert_element_type3A_571 = arith.sitofp %convert_element_type3A_570 : vector<1024x128xi32> to vector<1024x128xf32>
    %dot_general3A_572 = arith.constant dense<0.000000e+00> : vector<1024x128xf32>
    %dot_general3A_573 = tpu.matmul %convert_element_type3A_571, %convert_element_type3A_362, %dot_general3A_572 {dimension_numbers = #tpu.dot_dimension_numbers<[1], [0], [0], [1], [0, 0, 1, 1], [], []>, precision = #tpu.contract_precision<fp32>, transpose_lhs_hint = false} : vector<1024x128xf32>, vector<128x128xf32>, vector<1024x128xf32> -> vector<1024x128xf32>
    %slice3A_574 = vector.extract_strided_slice %add3A {offsets = [0, 17], sizes = [1024, 1], strides = [1, 1]} : vector<1024x32xf32> to vector<1024x1xf32>
    %add3A_575 = vector.broadcast %slice3A_574 : vector<1024x1xf32> to vector<1024x128xf32>
    %add3A_576 = arith.addf %dot_general3A_573, %add3A_575 : vector<1024x128xf32>
    %mul3A_577 = arith.mulf %convert_element_type3A_571, %add3A_576 : vector<1024x128xf32>
    %add3A_578 = arith.addf %add3A_566, %mul3A_577 : vector<1024x128xf32>
    %eq3A_579 = arith.constant 18 : i32
    %eq3A_580 = vector.broadcast %eq3A_579 : i32 to vector<1024x128xi32>
    %eq3A_581 = arith.cmpi eq, %min3A_3, %eq3A_580 : vector<1024x128xi32>
    %convert_element_type3A_582 = arith.extui %eq3A_581 : vector<1024x128xi1> to vector<1024x128xi32>
    %convert_element_type3A_583 = arith.sitofp %convert_element_type3A_582 : vector<1024x128xi32> to vector<1024x128xf32>
    %dot_general3A_584 = arith.constant dense<0.000000e+00> : vector<1024x128xf32>
    %dot_general3A_585 = tpu.matmul %convert_element_type3A_583, %convert_element_type3A_362, %dot_general3A_584 {dimension_numbers = #tpu.dot_dimension_numbers<[1], [0], [0], [1], [0, 0, 1, 1], [], []>, precision = #tpu.contract_precision<fp32>, transpose_lhs_hint = false} : vector<1024x128xf32>, vector<128x128xf32>, vector<1024x128xf32> -> vector<1024x128xf32>
    %slice3A_586 = vector.extract_strided_slice %add3A {offsets = [0, 18], sizes = [1024, 1], strides = [1, 1]} : vector<1024x32xf32> to vector<1024x1xf32>
    %add3A_587 = vector.broadcast %slice3A_586 : vector<1024x1xf32> to vector<1024x128xf32>
    %add3A_588 = arith.addf %dot_general3A_585, %add3A_587 : vector<1024x128xf32>
    %mul3A_589 = arith.mulf %convert_element_type3A_583, %add3A_588 : vector<1024x128xf32>
    %add3A_590 = arith.addf %add3A_578, %mul3A_589 : vector<1024x128xf32>
    %eq3A_591 = arith.constant 19 : i32
    %eq3A_592 = vector.broadcast %eq3A_591 : i32 to vector<1024x128xi32>
    %eq3A_593 = arith.cmpi eq, %min3A_3, %eq3A_592 : vector<1024x128xi32>
    %convert_element_type3A_594 = arith.extui %eq3A_593 : vector<1024x128xi1> to vector<1024x128xi32>
    %convert_element_type3A_595 = arith.sitofp %convert_element_type3A_594 : vector<1024x128xi32> to vector<1024x128xf32>
    %dot_general3A_596 = arith.constant dense<0.000000e+00> : vector<1024x128xf32>
    %dot_general3A_597 = tpu.matmul %convert_element_type3A_595, %convert_element_type3A_362, %dot_general3A_596 {dimension_numbers = #tpu.dot_dimension_numbers<[1], [0], [0], [1], [0, 0, 1, 1], [], []>, precision = #tpu.contract_precision<fp32>, transpose_lhs_hint = false} : vector<1024x128xf32>, vector<128x128xf32>, vector<1024x128xf32> -> vector<1024x128xf32>
    %slice3A_598 = vector.extract_strided_slice %add3A {offsets = [0, 19], sizes = [1024, 1], strides = [1, 1]} : vector<1024x32xf32> to vector<1024x1xf32>
    %add3A_599 = vector.broadcast %slice3A_598 : vector<1024x1xf32> to vector<1024x128xf32>
    %add3A_600 = arith.addf %dot_general3A_597, %add3A_599 : vector<1024x128xf32>
    %mul3A_601 = arith.mulf %convert_element_type3A_595, %add3A_600 : vector<1024x128xf32>
    %add3A_602 = arith.addf %add3A_590, %mul3A_601 : vector<1024x128xf32>
    %eq3A_603 = arith.constant 20 : i32
    %eq3A_604 = vector.broadcast %eq3A_603 : i32 to vector<1024x128xi32>
    %eq3A_605 = arith.cmpi eq, %min3A_3, %eq3A_604 : vector<1024x128xi32>
    %convert_element_type3A_606 = arith.extui %eq3A_605 : vector<1024x128xi1> to vector<1024x128xi32>
    %convert_element_type3A_607 = arith.sitofp %convert_element_type3A_606 : vector<1024x128xi32> to vector<1024x128xf32>
    %dot_general3A_608 = arith.constant dense<0.000000e+00> : vector<1024x128xf32>
    %dot_general3A_609 = tpu.matmul %convert_element_type3A_607, %convert_element_type3A_362, %dot_general3A_608 {dimension_numbers = #tpu.dot_dimension_numbers<[1], [0], [0], [1], [0, 0, 1, 1], [], []>, precision = #tpu.contract_precision<fp32>, transpose_lhs_hint = false} : vector<1024x128xf32>, vector<128x128xf32>, vector<1024x128xf32> -> vector<1024x128xf32>
    %slice3A_610 = vector.extract_strided_slice %add3A {offsets = [0, 20], sizes = [1024, 1], strides = [1, 1]} : vector<1024x32xf32> to vector<1024x1xf32>
    %add3A_611 = vector.broadcast %slice3A_610 : vector<1024x1xf32> to vector<1024x128xf32>
    %add3A_612 = arith.addf %dot_general3A_609, %add3A_611 : vector<1024x128xf32>
    %mul3A_613 = arith.mulf %convert_element_type3A_607, %add3A_612 : vector<1024x128xf32>
    %add3A_614 = arith.addf %add3A_602, %mul3A_613 : vector<1024x128xf32>
    %eq3A_615 = arith.constant 21 : i32
    %eq3A_616 = vector.broadcast %eq3A_615 : i32 to vector<1024x128xi32>
    %eq3A_617 = arith.cmpi eq, %min3A_3, %eq3A_616 : vector<1024x128xi32>
    %convert_element_type3A_618 = arith.extui %eq3A_617 : vector<1024x128xi1> to vector<1024x128xi32>
    %convert_element_type3A_619 = arith.sitofp %convert_element_type3A_618 : vector<1024x128xi32> to vector<1024x128xf32>
    %dot_general3A_620 = arith.constant dense<0.000000e+00> : vector<1024x128xf32>
    %dot_general3A_621 = tpu.matmul %convert_element_type3A_619, %convert_element_type3A_362, %dot_general3A_620 {dimension_numbers = #tpu.dot_dimension_numbers<[1], [0], [0], [1], [0, 0, 1, 1], [], []>, precision = #tpu.contract_precision<fp32>, transpose_lhs_hint = false} : vector<1024x128xf32>, vector<128x128xf32>, vector<1024x128xf32> -> vector<1024x128xf32>
    %slice3A_622 = vector.extract_strided_slice %add3A {offsets = [0, 21], sizes = [1024, 1], strides = [1, 1]} : vector<1024x32xf32> to vector<1024x1xf32>
    %add3A_623 = vector.broadcast %slice3A_622 : vector<1024x1xf32> to vector<1024x128xf32>
    %add3A_624 = arith.addf %dot_general3A_621, %add3A_623 : vector<1024x128xf32>
    %mul3A_625 = arith.mulf %convert_element_type3A_619, %add3A_624 : vector<1024x128xf32>
    %add3A_626 = arith.addf %add3A_614, %mul3A_625 : vector<1024x128xf32>
    %eq3A_627 = arith.constant 22 : i32
    %eq3A_628 = vector.broadcast %eq3A_627 : i32 to vector<1024x128xi32>
    %eq3A_629 = arith.cmpi eq, %min3A_3, %eq3A_628 : vector<1024x128xi32>
    %convert_element_type3A_630 = arith.extui %eq3A_629 : vector<1024x128xi1> to vector<1024x128xi32>
    %convert_element_type3A_631 = arith.sitofp %convert_element_type3A_630 : vector<1024x128xi32> to vector<1024x128xf32>
    %dot_general3A_632 = arith.constant dense<0.000000e+00> : vector<1024x128xf32>
    %dot_general3A_633 = tpu.matmul %convert_element_type3A_631, %convert_element_type3A_362, %dot_general3A_632 {dimension_numbers = #tpu.dot_dimension_numbers<[1], [0], [0], [1], [0, 0, 1, 1], [], []>, precision = #tpu.contract_precision<fp32>, transpose_lhs_hint = false} : vector<1024x128xf32>, vector<128x128xf32>, vector<1024x128xf32> -> vector<1024x128xf32>
    %slice3A_634 = vector.extract_strided_slice %add3A {offsets = [0, 22], sizes = [1024, 1], strides = [1, 1]} : vector<1024x32xf32> to vector<1024x1xf32>
    %add3A_635 = vector.broadcast %slice3A_634 : vector<1024x1xf32> to vector<1024x128xf32>
    %add3A_636 = arith.addf %dot_general3A_633, %add3A_635 : vector<1024x128xf32>
    %mul3A_637 = arith.mulf %convert_element_type3A_631, %add3A_636 : vector<1024x128xf32>
    %add3A_638 = arith.addf %add3A_626, %mul3A_637 : vector<1024x128xf32>
    %eq3A_639 = arith.constant 23 : i32
    %eq3A_640 = vector.broadcast %eq3A_639 : i32 to vector<1024x128xi32>
    %eq3A_641 = arith.cmpi eq, %min3A_3, %eq3A_640 : vector<1024x128xi32>
    %convert_element_type3A_642 = arith.extui %eq3A_641 : vector<1024x128xi1> to vector<1024x128xi32>
    %convert_element_type3A_643 = arith.sitofp %convert_element_type3A_642 : vector<1024x128xi32> to vector<1024x128xf32>
    %dot_general3A_644 = arith.constant dense<0.000000e+00> : vector<1024x128xf32>
    %dot_general3A_645 = tpu.matmul %convert_element_type3A_643, %convert_element_type3A_362, %dot_general3A_644 {dimension_numbers = #tpu.dot_dimension_numbers<[1], [0], [0], [1], [0, 0, 1, 1], [], []>, precision = #tpu.contract_precision<fp32>, transpose_lhs_hint = false} : vector<1024x128xf32>, vector<128x128xf32>, vector<1024x128xf32> -> vector<1024x128xf32>
    %slice3A_646 = vector.extract_strided_slice %add3A {offsets = [0, 23], sizes = [1024, 1], strides = [1, 1]} : vector<1024x32xf32> to vector<1024x1xf32>
    %add3A_647 = vector.broadcast %slice3A_646 : vector<1024x1xf32> to vector<1024x128xf32>
    %add3A_648 = arith.addf %dot_general3A_645, %add3A_647 : vector<1024x128xf32>
    %mul3A_649 = arith.mulf %convert_element_type3A_643, %add3A_648 : vector<1024x128xf32>
    %add3A_650 = arith.addf %add3A_638, %mul3A_649 : vector<1024x128xf32>
    %eq3A_651 = arith.constant 24 : i32
    %eq3A_652 = vector.broadcast %eq3A_651 : i32 to vector<1024x128xi32>
    %eq3A_653 = arith.cmpi eq, %min3A_3, %eq3A_652 : vector<1024x128xi32>
    %convert_element_type3A_654 = arith.extui %eq3A_653 : vector<1024x128xi1> to vector<1024x128xi32>
    %convert_element_type3A_655 = arith.sitofp %convert_element_type3A_654 : vector<1024x128xi32> to vector<1024x128xf32>
    %dot_general3A_656 = arith.constant dense<0.000000e+00> : vector<1024x128xf32>
    %dot_general3A_657 = tpu.matmul %convert_element_type3A_655, %convert_element_type3A_362, %dot_general3A_656 {dimension_numbers = #tpu.dot_dimension_numbers<[1], [0], [0], [1], [0, 0, 1, 1], [], []>, precision = #tpu.contract_precision<fp32>, transpose_lhs_hint = false} : vector<1024x128xf32>, vector<128x128xf32>, vector<1024x128xf32> -> vector<1024x128xf32>
    %slice3A_658 = vector.extract_strided_slice %add3A {offsets = [0, 24], sizes = [1024, 1], strides = [1, 1]} : vector<1024x32xf32> to vector<1024x1xf32>
    %add3A_659 = vector.broadcast %slice3A_658 : vector<1024x1xf32> to vector<1024x128xf32>
    %add3A_660 = arith.addf %dot_general3A_657, %add3A_659 : vector<1024x128xf32>
    %mul3A_661 = arith.mulf %convert_element_type3A_655, %add3A_660 : vector<1024x128xf32>
    %add3A_662 = arith.addf %add3A_650, %mul3A_661 : vector<1024x128xf32>
    %eq3A_663 = arith.constant 25 : i32
    %eq3A_664 = vector.broadcast %eq3A_663 : i32 to vector<1024x128xi32>
    %eq3A_665 = arith.cmpi eq, %min3A_3, %eq3A_664 : vector<1024x128xi32>
    %convert_element_type3A_666 = arith.extui %eq3A_665 : vector<1024x128xi1> to vector<1024x128xi32>
    %convert_element_type3A_667 = arith.sitofp %convert_element_type3A_666 : vector<1024x128xi32> to vector<1024x128xf32>
    %dot_general3A_668 = arith.constant dense<0.000000e+00> : vector<1024x128xf32>
    %dot_general3A_669 = tpu.matmul %convert_element_type3A_667, %convert_element_type3A_362, %dot_general3A_668 {dimension_numbers = #tpu.dot_dimension_numbers<[1], [0], [0], [1], [0, 0, 1, 1], [], []>, precision = #tpu.contract_precision<fp32>, transpose_lhs_hint = false} : vector<1024x128xf32>, vector<128x128xf32>, vector<1024x128xf32> -> vector<1024x128xf32>
    %slice3A_670 = vector.extract_strided_slice %add3A {offsets = [0, 25], sizes = [1024, 1], strides = [1, 1]} : vector<1024x32xf32> to vector<1024x1xf32>
    %add3A_671 = vector.broadcast %slice3A_670 : vector<1024x1xf32> to vector<1024x128xf32>
    %add3A_672 = arith.addf %dot_general3A_669, %add3A_671 : vector<1024x128xf32>
    %mul3A_673 = arith.mulf %convert_element_type3A_667, %add3A_672 : vector<1024x128xf32>
    %add3A_674 = arith.addf %add3A_662, %mul3A_673 : vector<1024x128xf32>
    %eq3A_675 = arith.constant 26 : i32
    %eq3A_676 = vector.broadcast %eq3A_675 : i32 to vector<1024x128xi32>
    %eq3A_677 = arith.cmpi eq, %min3A_3, %eq3A_676 : vector<1024x128xi32>
    %convert_element_type3A_678 = arith.extui %eq3A_677 : vector<1024x128xi1> to vector<1024x128xi32>
    %convert_element_type3A_679 = arith.sitofp %convert_element_type3A_678 : vector<1024x128xi32> to vector<1024x128xf32>
    %dot_general3A_680 = arith.constant dense<0.000000e+00> : vector<1024x128xf32>
    %dot_general3A_681 = tpu.matmul %convert_element_type3A_679, %convert_element_type3A_362, %dot_general3A_680 {dimension_numbers = #tpu.dot_dimension_numbers<[1], [0], [0], [1], [0, 0, 1, 1], [], []>, precision = #tpu.contract_precision<fp32>, transpose_lhs_hint = false} : vector<1024x128xf32>, vector<128x128xf32>, vector<1024x128xf32> -> vector<1024x128xf32>
    %slice3A_682 = vector.extract_strided_slice %add3A {offsets = [0, 26], sizes = [1024, 1], strides = [1, 1]} : vector<1024x32xf32> to vector<1024x1xf32>
    %add3A_683 = vector.broadcast %slice3A_682 : vector<1024x1xf32> to vector<1024x128xf32>
    %add3A_684 = arith.addf %dot_general3A_681, %add3A_683 : vector<1024x128xf32>
    %mul3A_685 = arith.mulf %convert_element_type3A_679, %add3A_684 : vector<1024x128xf32>
    %add3A_686 = arith.addf %add3A_674, %mul3A_685 : vector<1024x128xf32>
    %eq3A_687 = arith.constant 27 : i32
    %eq3A_688 = vector.broadcast %eq3A_687 : i32 to vector<1024x128xi32>
    %eq3A_689 = arith.cmpi eq, %min3A_3, %eq3A_688 : vector<1024x128xi32>
    %convert_element_type3A_690 = arith.extui %eq3A_689 : vector<1024x128xi1> to vector<1024x128xi32>
    %convert_element_type3A_691 = arith.sitofp %convert_element_type3A_690 : vector<1024x128xi32> to vector<1024x128xf32>
    %dot_general3A_692 = arith.constant dense<0.000000e+00> : vector<1024x128xf32>
    %dot_general3A_693 = tpu.matmul %convert_element_type3A_691, %convert_element_type3A_362, %dot_general3A_692 {dimension_numbers = #tpu.dot_dimension_numbers<[1], [0], [0], [1], [0, 0, 1, 1], [], []>, precision = #tpu.contract_precision<fp32>, transpose_lhs_hint = false} : vector<1024x128xf32>, vector<128x128xf32>, vector<1024x128xf32> -> vector<1024x128xf32>
    %slice3A_694 = vector.extract_strided_slice %add3A {offsets = [0, 27], sizes = [1024, 1], strides = [1, 1]} : vector<1024x32xf32> to vector<1024x1xf32>
    %add3A_695 = vector.broadcast %slice3A_694 : vector<1024x1xf32> to vector<1024x128xf32>
    %add3A_696 = arith.addf %dot_general3A_693, %add3A_695 : vector<1024x128xf32>
    %mul3A_697 = arith.mulf %convert_element_type3A_691, %add3A_696 : vector<1024x128xf32>
    %add3A_698 = arith.addf %add3A_686, %mul3A_697 : vector<1024x128xf32>
    %eq3A_699 = arith.constant 28 : i32
    %eq3A_700 = vector.broadcast %eq3A_699 : i32 to vector<1024x128xi32>
    %eq3A_701 = arith.cmpi eq, %min3A_3, %eq3A_700 : vector<1024x128xi32>
    %convert_element_type3A_702 = arith.extui %eq3A_701 : vector<1024x128xi1> to vector<1024x128xi32>
    %convert_element_type3A_703 = arith.sitofp %convert_element_type3A_702 : vector<1024x128xi32> to vector<1024x128xf32>
    %dot_general3A_704 = arith.constant dense<0.000000e+00> : vector<1024x128xf32>
    %dot_general3A_705 = tpu.matmul %convert_element_type3A_703, %convert_element_type3A_362, %dot_general3A_704 {dimension_numbers = #tpu.dot_dimension_numbers<[1], [0], [0], [1], [0, 0, 1, 1], [], []>, precision = #tpu.contract_precision<fp32>, transpose_lhs_hint = false} : vector<1024x128xf32>, vector<128x128xf32>, vector<1024x128xf32> -> vector<1024x128xf32>
    %slice3A_706 = vector.extract_strided_slice %add3A {offsets = [0, 28], sizes = [1024, 1], strides = [1, 1]} : vector<1024x32xf32> to vector<1024x1xf32>
    %add3A_707 = vector.broadcast %slice3A_706 : vector<1024x1xf32> to vector<1024x128xf32>
    %add3A_708 = arith.addf %dot_general3A_705, %add3A_707 : vector<1024x128xf32>
    %mul3A_709 = arith.mulf %convert_element_type3A_703, %add3A_708 : vector<1024x128xf32>
    %add3A_710 = arith.addf %add3A_698, %mul3A_709 : vector<1024x128xf32>
    %eq3A_711 = arith.constant 29 : i32
    %eq3A_712 = vector.broadcast %eq3A_711 : i32 to vector<1024x128xi32>
    %eq3A_713 = arith.cmpi eq, %min3A_3, %eq3A_712 : vector<1024x128xi32>
    %convert_element_type3A_714 = arith.extui %eq3A_713 : vector<1024x128xi1> to vector<1024x128xi32>
    %convert_element_type3A_715 = arith.sitofp %convert_element_type3A_714 : vector<1024x128xi32> to vector<1024x128xf32>
    %dot_general3A_716 = arith.constant dense<0.000000e+00> : vector<1024x128xf32>
    %dot_general3A_717 = tpu.matmul %convert_element_type3A_715, %convert_element_type3A_362, %dot_general3A_716 {dimension_numbers = #tpu.dot_dimension_numbers<[1], [0], [0], [1], [0, 0, 1, 1], [], []>, precision = #tpu.contract_precision<fp32>, transpose_lhs_hint = false} : vector<1024x128xf32>, vector<128x128xf32>, vector<1024x128xf32> -> vector<1024x128xf32>
    %slice3A_718 = vector.extract_strided_slice %add3A {offsets = [0, 29], sizes = [1024, 1], strides = [1, 1]} : vector<1024x32xf32> to vector<1024x1xf32>
    %add3A_719 = vector.broadcast %slice3A_718 : vector<1024x1xf32> to vector<1024x128xf32>
    %add3A_720 = arith.addf %dot_general3A_717, %add3A_719 : vector<1024x128xf32>
    %mul3A_721 = arith.mulf %convert_element_type3A_715, %add3A_720 : vector<1024x128xf32>
    %add3A_722 = arith.addf %add3A_710, %mul3A_721 : vector<1024x128xf32>
    %eq3A_723 = arith.constant 30 : i32
    %eq3A_724 = vector.broadcast %eq3A_723 : i32 to vector<1024x128xi32>
    %eq3A_725 = arith.cmpi eq, %min3A_3, %eq3A_724 : vector<1024x128xi32>
    %convert_element_type3A_726 = arith.extui %eq3A_725 : vector<1024x128xi1> to vector<1024x128xi32>
    %convert_element_type3A_727 = arith.sitofp %convert_element_type3A_726 : vector<1024x128xi32> to vector<1024x128xf32>
    %dot_general3A_728 = arith.constant dense<0.000000e+00> : vector<1024x128xf32>
    %dot_general3A_729 = tpu.matmul %convert_element_type3A_727, %convert_element_type3A_362, %dot_general3A_728 {dimension_numbers = #tpu.dot_dimension_numbers<[1], [0], [0], [1], [0, 0, 1, 1], [], []>, precision = #tpu.contract_precision<fp32>, transpose_lhs_hint = false} : vector<1024x128xf32>, vector<128x128xf32>, vector<1024x128xf32> -> vector<1024x128xf32>
    %slice3A_730 = vector.extract_strided_slice %add3A {offsets = [0, 30], sizes = [1024, 1], strides = [1, 1]} : vector<1024x32xf32> to vector<1024x1xf32>
    %add3A_731 = vector.broadcast %slice3A_730 : vector<1024x1xf32> to vector<1024x128xf32>
    %add3A_732 = arith.addf %dot_general3A_729, %add3A_731 : vector<1024x128xf32>
    %mul3A_733 = arith.mulf %convert_element_type3A_727, %add3A_732 : vector<1024x128xf32>
    %add3A_734 = arith.addf %add3A_722, %mul3A_733 : vector<1024x128xf32>
    %eq3A_735 = arith.constant 31 : i32
    %eq3A_736 = vector.broadcast %eq3A_735 : i32 to vector<1024x128xi32>
    %eq3A_737 = arith.cmpi eq, %min3A_3, %eq3A_736 : vector<1024x128xi32>
    %convert_element_type3A_738 = arith.extui %eq3A_737 : vector<1024x128xi1> to vector<1024x128xi32>
    %convert_element_type3A_739 = arith.sitofp %convert_element_type3A_738 : vector<1024x128xi32> to vector<1024x128xf32>
    %dot_general3A_740 = arith.constant dense<0.000000e+00> : vector<1024x128xf32>
    %dot_general3A_741 = tpu.matmul %convert_element_type3A_739, %convert_element_type3A_362, %dot_general3A_740 {dimension_numbers = #tpu.dot_dimension_numbers<[1], [0], [0], [1], [0, 0, 1, 1], [], []>, precision = #tpu.contract_precision<fp32>, transpose_lhs_hint = false} : vector<1024x128xf32>, vector<128x128xf32>, vector<1024x128xf32> -> vector<1024x128xf32>
    %slice3A_742 = vector.extract_strided_slice %add3A {offsets = [0, 31], sizes = [1024, 1], strides = [1, 1]} : vector<1024x32xf32> to vector<1024x1xf32>
    %add3A_743 = vector.broadcast %slice3A_742 : vector<1024x1xf32> to vector<1024x128xf32>
    %add3A_744 = arith.addf %dot_general3A_741, %add3A_743 : vector<1024x128xf32>
    %mul3A_745 = arith.mulf %convert_element_type3A_739, %add3A_744 : vector<1024x128xf32>
    %add3A_746 = arith.addf %add3A_734, %mul3A_745 : vector<1024x128xf32>
    %min3A_747 = arith.constant 4.096000e+04 : f32
    %min3A_748 = vector.broadcast %min3A_747 : f32 to vector<1024x128xf32>
    %min3A_749 = arith.minimumf %add3A_746, %min3A_748 : vector<1024x128xf32>
    %convert_element_type3A_750 = arith.fptosi %min3A_749 : vector<1024x128xf32> to vector<1024x128xi32>
    %swap3A = arith.constant 0 : index
    %swap3A_751 = arith.constant 0 : index
    %swap3A_752 = vector.load %arg3[%swap3A, %swap3A_751] : memref<1024x128xi32, #tpu.memory_space<vmem>>, vector<1024x128xi32>
    tpu.vector_store %arg3[%swap3A, %swap3A_751], %convert_element_type3A_750 {strides = array<i32>} : memref<1024x128xi32, #tpu.memory_space<vmem>>, vector<1024x128xi32>,
    return
  }
  func.func @transform_0(%arg0: i32) -> (i32, i32) {
    %c0_i32 = arith.constant 0 : i32
    %c0_i32_0 = arith.constant 0 : i32
    return %arg0, %c0_i32 : i32, i32
  }
  func.func @transform_1(%arg0: i32) -> (i32, i32) {
    %c0_i32 = arith.constant 0 : i32
    %c0_i32_0 = arith.constant 0 : i32
    return %arg0, %c0_i32 : i32, i32
  }
  func.func @transform_2(%arg0: i32) -> (i32, i32) {
    %c0_i32 = arith.constant 0 : i32
    %c0_i32_0 = arith.constant 0 : i32
    return %arg0, %c0_i32 : i32, i32
  }
}

module attributes {stable_mosaic.version = 14 : i64} {
  func.func @_k7_body(%arg0: memref<8x40960xf32, #tpu.memory_space<vmem>>, %arg1: memref<8x40960xf32, #tpu.memory_space<vmem>>, %arg2: memref<16x40960xf32, #tpu.memory_space<vmem>>) attributes {dimension_semantics = [], scalar_prefetch = 0 : i64, scratch_operands = 0 : i64, tpu.core_type = #tpu.core_type<tc>} {
    %get3A = arith.constant 0 : index
    %get3A_0 = arith.constant 0 : index
    %get3A_1 = vector.load %arg0[%get3A, %get3A_0] : memref<8x40960xf32, #tpu.memory_space<vmem>>, vector<8x40960xf32>
    %get3A_2 = arith.constant 0 : index
    %get3A_3 = arith.constant 0 : index
    %get3A_4 = vector.load %arg1[%get3A_2, %get3A_3] : memref<8x40960xf32, #tpu.memory_space<vmem>>, vector<8x40960xf32>
    %add3A = arith.addf %get3A_1, %get3A_4 : vector<8x40960xf32>
    %slice3A = vector.extract_strided_slice %add3A {offsets = [5, 0], sizes = [1, 40960], strides = [1, 1]} : vector<8x40960xf32> to vector<1x40960xf32>
    %max3A = arith.constant 1.000000e+00 : f32
    %max3A_5 = vector.broadcast %max3A : f32 to vector<1x40960xf32>
    %max3A_6 = arith.maximumf %slice3A, %max3A_5 : vector<1x40960xf32>
    %slice3A_7 = vector.extract_strided_slice %add3A {offsets = [0, 0], sizes = [5, 40960], strides = [1, 1]} : vector<8x40960xf32> to vector<5x40960xf32>
    %div3A = vector.broadcast %max3A_6 : vector<1x40960xf32> to vector<5x40960xf32>
    %div3A_8 = arith.divf %slice3A_7, %div3A : vector<5x40960xf32>
    %gt3A = arith.constant 0.000000e+00 : f32
    %gt3A_9 = vector.broadcast %gt3A : f32 to vector<1x40960xf32>
    %gt3A_10 = arith.cmpf ogt, %slice3A, %gt3A_9 : vector<1x40960xf32>
    %convert_element_type3A = arith.extui %gt3A_10 : vector<1x40960xi1> to vector<1x40960xi32>
    %convert_element_type3A_11 = arith.sitofp %convert_element_type3A : vector<1x40960xi32> to vector<1x40960xf32>
    %mul3A = vector.broadcast %convert_element_type3A_11 : vector<1x40960xf32> to vector<5x40960xf32>
    %mul3A_12 = arith.mulf %div3A_8, %mul3A : vector<5x40960xf32>
    %slice3A_13 = vector.extract_strided_slice %add3A {offsets = [6, 0], sizes = [1, 40960], strides = [1, 1]} : vector<8x40960xf32> to vector<1x40960xf32>
    %div3A_14 = arith.divf %slice3A_13, %max3A_6 : vector<1x40960xf32>
    %convert_element_type3A_15 = arith.fptosi %div3A_14 : vector<1x40960xf32> to vector<1x40960xi32>
    %mul3A_16 = arith.constant 2048 : i32
    %mul3A_17 = vector.broadcast %mul3A_16 : i32 to vector<1x40960xi32>
    %mul3A_18 = arith.muli %convert_element_type3A_15, %mul3A_17 : vector<1x40960xi32>
    %slice3A_19 = vector.extract_strided_slice %add3A {offsets = [7, 0], sizes = [1, 40960], strides = [1, 1]} : vector<8x40960xf32> to vector<1x40960xf32>
    %div3A_20 = arith.divf %slice3A_19, %max3A_6 : vector<1x40960xf32>
    %convert_element_type3A_21 = arith.fptosi %div3A_20 : vector<1x40960xf32> to vector<1x40960xi32>
    %add3A_22 = arith.addi %mul3A_18, %convert_element_type3A_21 : vector<1x40960xi32>
    %jit3A = arith.constant 262144 : i32
    %div3A_23 = vector.broadcast %jit3A : i32 to vector<1x40960xi32>
    %div3A_24 = arith.divsi %add3A_22, %div3A_23 : vector<1x40960xi32>
    %sign3A = arith.constant 0 : i32
    %sign3A_25 = vector.broadcast %sign3A : i32 to vector<1x40960xi32>
    %sign3A_26 = arith.cmpi sgt, %add3A_22, %sign3A_25 : vector<1x40960xi32>
    %sign3A_27 = arith.extui %sign3A_26 : vector<1x40960xi1> to vector<1x40960xi32>
    %sign3A_28 = arith.constant 0 : i32
    %sign3A_29 = vector.broadcast %sign3A_28 : i32 to vector<1x40960xi32>
    %sign3A_30 = arith.cmpi slt, %add3A_22, %sign3A_29 : vector<1x40960xi32>
    %sign3A_31 = arith.extui %sign3A_30 : vector<1x40960xi1> to vector<1x40960xi32>
    %sign3A_32 = arith.subi %sign3A_27, %sign3A_31 : vector<1x40960xi32>
    %sign3A_33 = arith.constant 0 : i32
    %sign3A_34 = arith.cmpi sgt, %jit3A, %sign3A_33 : i32
    %sign3A_35 = arith.extui %sign3A_34 : i1 to i32
    %sign3A_36 = arith.constant 0 : i32
    %sign3A_37 = arith.cmpi slt, %jit3A, %sign3A_36 : i32
    %sign3A_38 = arith.extui %sign3A_37 : i1 to i32
    %sign3A_39 = arith.subi %sign3A_35, %sign3A_38 : i32
    %ne3A = vector.broadcast %sign3A_39 : i32 to vector<1x40960xi32>
    %ne3A_40 = arith.cmpi ne, %sign3A_32, %ne3A : vector<1x40960xi32>
    %rem3A = vector.broadcast %jit3A : i32 to vector<1x40960xi32>
    %rem3A_41 = arith.remsi %add3A_22, %rem3A : vector<1x40960xi32>
    %ne3A_42 = arith.constant 0 : i32
    %ne3A_43 = vector.broadcast %ne3A_42 : i32 to vector<1x40960xi32>
    %ne3A_44 = arith.cmpi ne, %rem3A_41, %ne3A_43 : vector<1x40960xi32>
    %and3A = arith.andi %ne3A_40, %ne3A_44 : vector<1x40960xi1>
    %sub3A = arith.constant 1 : i32
    %sub3A_45 = vector.broadcast %sub3A : i32 to vector<1x40960xi32>
    %sub3A_46 = arith.subi %div3A_24, %sub3A_45 : vector<1x40960xi32>
    %select_n3A = arith.select %and3A, %sub3A_46, %div3A_24 : vector<1x40960xi1>, vector<1x40960xi32>
    %mul3A_47 = arith.constant 262144 : i32
    %mul3A_48 = vector.broadcast %mul3A_47 : i32 to vector<1x40960xi32>
    %mul3A_49 = arith.muli %select_n3A, %mul3A_48 : vector<1x40960xi32>
    %sub3A_50 = arith.subi %add3A_22, %mul3A_49 : vector<1x40960xi32>
    %jit3A_51 = arith.constant 512 : i32
    %div3A_52 = vector.broadcast %jit3A_51 : i32 to vector<1x40960xi32>
    %div3A_53 = arith.divsi %sub3A_50, %div3A_52 : vector<1x40960xi32>
    %sign3A_54 = arith.constant 0 : i32
    %sign3A_55 = vector.broadcast %sign3A_54 : i32 to vector<1x40960xi32>
    %sign3A_56 = arith.cmpi sgt, %sub3A_50, %sign3A_55 : vector<1x40960xi32>
    %sign3A_57 = arith.extui %sign3A_56 : vector<1x40960xi1> to vector<1x40960xi32>
    %sign3A_58 = arith.constant 0 : i32
    %sign3A_59 = vector.broadcast %sign3A_58 : i32 to vector<1x40960xi32>
    %sign3A_60 = arith.cmpi slt, %sub3A_50, %sign3A_59 : vector<1x40960xi32>
    %sign3A_61 = arith.extui %sign3A_60 : vector<1x40960xi1> to vector<1x40960xi32>
    %sign3A_62 = arith.subi %sign3A_57, %sign3A_61 : vector<1x40960xi32>
    %sign3A_63 = arith.constant 0 : i32
    %sign3A_64 = arith.cmpi sgt, %jit3A_51, %sign3A_63 : i32
    %sign3A_65 = arith.extui %sign3A_64 : i1 to i32
    %sign3A_66 = arith.constant 0 : i32
    %sign3A_67 = arith.cmpi slt, %jit3A_51, %sign3A_66 : i32
    %sign3A_68 = arith.extui %sign3A_67 : i1 to i32
    %sign3A_69 = arith.subi %sign3A_65, %sign3A_68 : i32
    %ne3A_70 = vector.broadcast %sign3A_69 : i32 to vector<1x40960xi32>
    %ne3A_71 = arith.cmpi ne, %sign3A_62, %ne3A_70 : vector<1x40960xi32>
    %rem3A_72 = vector.broadcast %jit3A_51 : i32 to vector<1x40960xi32>
    %rem3A_73 = arith.remsi %sub3A_50, %rem3A_72 : vector<1x40960xi32>
    %ne3A_74 = arith.constant 0 : i32
    %ne3A_75 = vector.broadcast %ne3A_74 : i32 to vector<1x40960xi32>
    %ne3A_76 = arith.cmpi ne, %rem3A_73, %ne3A_75 : vector<1x40960xi32>
    %and3A_77 = arith.andi %ne3A_71, %ne3A_76 : vector<1x40960xi1>
    %sub3A_78 = arith.constant 1 : i32
    %sub3A_79 = vector.broadcast %sub3A_78 : i32 to vector<1x40960xi32>
    %sub3A_80 = arith.subi %div3A_53, %sub3A_79 : vector<1x40960xi32>
    %select_n3A_81 = arith.select %and3A_77, %sub3A_80, %div3A_53 : vector<1x40960xi1>, vector<1x40960xi32>
    %mul3A_82 = arith.constant 512 : i32
    %mul3A_83 = vector.broadcast %mul3A_82 : i32 to vector<1x40960xi32>
    %mul3A_84 = arith.muli %select_n3A_81, %mul3A_83 : vector<1x40960xi32>
    %sub3A_85 = arith.subi %sub3A_50, %mul3A_84 : vector<1x40960xi32>
    %concatenate3A = tpu.concatenate %select_n3A, %select_n3A_81, %sub3A_85 in 0 : vector<1x40960xi32>, vector<1x40960xi32>, vector<1x40960xi32> -> vector<3x40960xi32>
    %convert_element_type3A_86 = arith.sitofp %concatenate3A : vector<3x40960xi32> to vector<3x40960xf32>
    %broadcast_in_dim3A = arith.constant 0.000000e+00 : f32
    %broadcast_in_dim3A_87 = vector.broadcast %broadcast_in_dim3A : f32 to vector<7x40960xf32>
    %concatenate3A_88 = tpu.concatenate %mul3A_12, %slice3A, %convert_element_type3A_86, %broadcast_in_dim3A_87 in 0 : vector<5x40960xf32>, vector<1x40960xf32>, vector<3x40960xf32>, vector<7x40960xf32> -> vector<16x40960xf32>
    %swap3A = arith.constant 0 : index
    %swap3A_89 = arith.constant 0 : index
    %swap3A_90 = vector.load %arg2[%swap3A, %swap3A_89] : memref<16x40960xf32, #tpu.memory_space<vmem>>, vector<16x40960xf32>
    tpu.vector_store %arg2[%swap3A, %swap3A_89], %concatenate3A_88 {strides = array<i32>} : memref<16x40960xf32, #tpu.memory_space<vmem>>, vector<16x40960xf32>,
    return
  }
}

</mosaic_0001>

<sc_bundles>
// kernel: kernel.12.cloned.1.call-start
scs
__scs_entry_jumppad:
0x0: {  	(pc) =	sbr.rel $0x88, $3  }
0x1: {  	(tag) =	ssettag $0x0;
	lr =	simm.s32 $0x1  }
0x2: {  	[smem:$0x3FA0] =	sst lr;
	_ =	strace $0xD0000000  }
0x3: {  	_ = 	snop  }
0x4: {  	_ = 	snop  }
0x5: {  	_ = 	snop  }
0x6: {  	_ = 	snop  }
0x7: {  	_ = 	snop  }
__scs_overlays_trampoline_lowered:
0x8: {  	[smem:$0x3FAF] =	sst s0  }
0x9: {  	[smem:$0x3FB0] =	sst s1  }
0xa: {  	[smem:$0x3FB1] =	sst s2  }
0xb: {  	[smem:$0x3FB2] =	sst s3  }
0xc: {  	[smem:$0x3FB3] =	sst s4  }
0xd: {  	[smem:$0x3FB4] =	sst s5  }
0xe: {  	[smem:$0x3FB5] =	sst s6  }
0xf: {  	[smem:$0x3FB6] =	sst s7  }
0x10: {  	[smem:$0x3FB7] =	sst s8  }
0x11: {  	[smem:$0x3FB8] =	sst s9;
	s0 =	simm.s32 @!p0 $0x0  }
0x12: {  	s1 =	sld [smem:$0x3F9E];
	s0 =	simm.s32 @p0 $0x1  }
0x13: {  	[smem:$0x3FB9] =	sst s0;
	s0 =	simm.s32 @!p1 $0x0  }
0x14: {  	s2 =	sld [smem:$0x3F9D];
	s0 =	simm.s32 @p1 $0x1  }
0x15: {  	[smem:$0x3FBA] =	sst s0;
	s0 =	simm.s32 @!p2 $0x0  }
0x16: {  	s3 =	sld [smem:$0x3FDB];
	s0 =	simm.s32 @p2 $0x1  }
0x17: {  	s4 =	simm.s32 $0x1BF5;
	[smem:$0x3FBC] =	sst s0  }
0x18: {  	s0 =	sld [smem:$0x3F9F];
	_ =	swait.ge [sflag:s4], $0x0  }
0x19: {  	s7 =	sld [smem:$0x3FA0]  }
0x1a: {  	s8 =	sadd.s32 $0xFFFFE003, lr  }
0x1b: {  	s9 =	sadd.s32 $0xFFFFFEF7, lr;
	s5 =	simm.s32 $0xFFFFFFFF;
	p2 =	slt.u32 s8, $0xFFFFF086  }
0x1c: {  	p1 =	slt.u32 s9, $0xF7A;
	s5 =	simm.s32 @!p2 $0x0  }
0x1d: {  	s5 =	simm.s32 @p1 $0x1;
	p0 =	seq.s32 s7, s2  }
0x1e: {  	s7 =	smul.u32 @!p0 $0xF7A, s2;
	p2 =	seq.s32 @!p0 s5, $0x0  }
0x1f: {  	s9 =	smul.u32 $0xF7A, s1;
	s8 =	simm.s32 @!p0 $0x1BF5;
	p2 =	por !p2, p0  }
0x20: {  	[sflag:s8] =	ssyncset.s32 @!p0 $0xFFFFF086;
	s6 =	sadd.s32 @!p0 s3, s7;
	s7 =	simm.s32 @!p0 $0x108  }
0x21: {  	s3 =	sadd.s32 s3, s9;
	s6 =	sadd.s32 @!p0 $0x88, s6;
	s7 =	simm.s32 @p2 $0x1082  }
0x22: {  	[simem:s7], [sflag:s8] =	dma.local @!p0 [hbm:s6], $0xF7A  }
0x23: {  	s9 =	sor.u32 $0xD0000000, s2;
	s6 =	simm.s32 $0x108;
	_ =	swait.ge @!p0 [sflag:s8], $0x0  }
0x24: {  	s3 =	sadd.s32 $0x88, s3;
	s6 =	simm.s32 @!p1 $0x1082;
	[sflag:s4] =	ssyncset.s32 $0xFFFFF086  }
0x25: {  	[simem:s6], [sflag:s4] =	dma.local [hbm:s3], $0xF7A  }
0x26: {  	[smem:$0x3FA0] =	sst s1;
	(tag) =	ssettag s2;
	_ =	strace s9  }
0x27: {  	s1 =	sld [smem:$0x3FB0]  }
0x28: {  	s2 =	sld [smem:$0x3FB1]  }
0x29: {  	s4 =	sld [smem:$0x3FB3]  }
0x2a: {  	p0 =	seq.s32 s5, $0x0;
	s5 =	sld [smem:$0x3FB4]  }
0x2b: {  	s6 =	sld [smem:$0x3FB5]  }
0x2c: {  	s7 =	sld [smem:$0x3FB6]  }
0x2d: {  	s3 =	simm.s32 $0x108;
	s8 =	sld [smem:$0x3FB7]  }
0x2e: {  	s3 =	simm.s32 @!p0 $0x1082;
	s9 =	sld [smem:$0x3FB8]  }
0x2f: {  	lr =	sadd.s32 s0, s3;
	s0 =	sld [smem:$0x3FAF]  }
0x30: {  	s3 =	sld [smem:$0x3FB2]  }
0x31: {  	[smem:$0x3FBB] =	sst s10  }
0x32: {  	s10 =	sld [smem:$0x3FB9];
	_ =	sdelay $0x3  }
0x33: {  	p0 =	seq.s32 s10, $0x1;
	s10 =	sld [smem:$0x3FBB];
	_ =	sdelay $0x3  }
0x34: {  	[smem:$0x3FBB] =	sst s10  }
0x35: {  	s10 =	sld [smem:$0x3FBA];
	_ =	sdelay $0x3  }
0x36: {  	p1 =	seq.s32 s10, $0x1;
	s10 =	sld [smem:$0x3FBB];
	_ =	sdelay $0x3  }
0x37: {  	[smem:$0x3FBB] =	sst s10  }
0x38: {  	s10 =	sld [smem:$0x3FBC]  }
0x39: {  	_ = 	snop;
	(pc) =	sbr.ind lr, $3  }
0x3a: {  	_ = 	snop  }
0x3b: {  	_ = 	snop  }
0x3c: {  	p2 =	seq.s32 s10, $0x1;
	s10 =	sld [smem:$0x3FBB]  }
0x3d: {  	_ =	shalt  }
0x3e: {  	_ =	shalt  }
0x3f: {  	_ =	shalt  }
0x40: {  	_ =	shalt  }
0x41: {  	_ =	shalt  }
0x42: {  	_ =	shalt  }
0x43: {  	_ =	shalt  }
0x44: {  	_ =	shalt  }
0x45: {  	_ =	shalt  }
0x46: {  	_ =	shalt  }
0x47: {  	_ =	shalt  }
0x48: {  	_ =	shalt  }
0x49: {  	_ =	shalt  }
0x4a: {  	_ =	shalt  }
0x4b: {  	_ =	shalt  }
0x4c: {  	_ =	shalt  }
0x4d: {  	_ =	shalt  }
0x4e: {  	_ =	shalt  }
0x4f: {  	_ =	shalt  }
0x50: {  	_ =	shalt  }
0x51: {  	_ =	shalt  }
0x52: {  	_ =	shalt  }
0x53: {  	_ =	shalt  }
0x54: {  	_ =	shalt  }
0x55: {  	_ =	shalt  }
0x56: {  	_ =	shalt  }
0x57: {  	_ =	shalt  }
0x58: {  	_ =	shalt  }
0x59: {  	_ =	shalt  }
0x5a: {  	_ =	shalt  }
0x5b: {  	_ =	shalt  }
0x5c: {  	_ =	shalt  }
0x5d: {  	_ =	shalt  }
0x5e: {  	_ =	shalt  }
0x5f: {  	_ =	shalt  }
0x60: {  	_ =	shalt  }
0x61: {  	_ =	shalt  }
0x62: {  	_ =	shalt  }
0x63: {  	_ =	shalt  }
0x64: {  	_ =	shalt  }
0x65: {  	_ =	shalt  }
0x66: {  	_ =	shalt  }
0x67: {  	_ =	shalt  }
0x68: {  	_ =	shalt  }
0x69: {  	_ =	shalt  }
0x6a: {  	_ =	shalt  }
0x6b: {  	_ =	shalt  }
0x6c: {  	_ =	shalt  }
0x6d: {  	_ =	shalt  }
0x6e: {  	_ =	shalt  }
0x6f: {  	_ =	shalt  }
0x70: {  	_ =	shalt  }
0x71: {  	_ =	shalt  }
0x72: {  	_ =	shalt  }
0x73: {  	_ =	shalt  }
0x74: {  	_ =	shalt  }
0x75: {  	_ =	shalt  }
0x76: {  	_ =	shalt  }
0x77: {  	_ =	shalt  }
0x78: {  	_ =	shalt  }
0x79: {  	_ =	shalt  }
0x7a: {  	_ =	shalt  }
0x7b: {  	_ =	shalt  }
0x7c: {  	_ =	shalt  }
0x7d: {  	_ =	shalt  }
0x7e: {  	_ =	shalt  }
0x7f: {  	_ =	shalt  }
0x80: {  	_ =	shalt  }
0x81: {  	_ =	shalt  }
0x82: {  	_ =	shalt  }
0x83: {  	_ =	shalt  }
0x84: {  	_ =	shalt  }
0x85: {  	_ =	shalt  }
0x86: {  	_ =	shalt  }
0x87: {  	_ =	shalt  }
.Lfunc_end0:
.L_simem_size_0:
called_computation.1_lowered:
.L_overlay_start_0:
0x88: {  	s2 =	sld [smem:$0x3FD9]  }
0x89: {  	s3 =	sld [smem:$0x3FFE];
	_ =	sdelay $0x1  }
0x8a: {  	s1 =	srdreg.scid  }
0x8b: {  	s0 =	sand.u32 $0x1, s1  }
0x8c: {  	s14 =	sshll.u32 s0, $0xA;
	s2 =	sadd.s32 s3, s2  }
0x8d: {  	s2 =	sadd.s32 s2, s14  }
0x8e: {  	[smem:$0x3FC7] =	sst s2  }
0x8f: {  	_ = 	snop  }
0x90: {  	s2 =	sld [smem:$0x3FD0];
	_ =	sdelay $0x2  }
0x91: {  	s15 =	simm.s32 $0xA;
	s4 =	simm.s32 $0x10  }
0x92: {  	[smem:s4], [sflag:s15] =	dma.local [hbm:s2], $0x1  }
0x93: {  	_ =	swait.eq [sflag:s15], $0x1  }
0x94: {  	[sflag:s15] =	ssyncset.done $0x0  }
0x95: {  	s16 =	sld [smem:$0x10];
	[sflag:s15] =	ssyncadd.s32 $0xFFFFFFFF  }
0x96: {  	s17 =	sld [smem:$0x12];
	(tm) =	ssettm $0x1  }
0x97: {  	s18 =	sld [smem:$0x3FFB];
	_ =	sdelay $0x3  }
0x98: {  	_ =	strace s18  }
0x99: {  	s4 =	sld [smem:$0x3FFC];
	_ =	sdelay $0x3  }
0x9a: {  	_ =	strace s4  }
0x9b: {  	s4 =	sld [smem:$0x3FFD];
	_ =	sdelay $0x3  }
0x9c: {  	_ =	strace s4  }
0x9d: {  	_ =	strace $0x8FFFFFFF  }
0x9e: {  	s19 =	sld [smem:$0x3FDB];
	_ =	sdelay $0x1  }
0x9f: {  	s5 =	simm.s32 $_scs_section_size  }
0xa0: {  	s6 =	simm.s32 $_size__tile_overlayer_lowered;
	s7 =	simm.s32 $_tile_overlayer_lowered  }
0xa1: {  	s22 =	simm.s32 $0x1BFF;
	s21 =	sshll.u32 s7, $0x1;
	s4 =	sadd.s32 s5, s19  }
0xa2: {  	s8 =	simm.s32 $0x0;
	s20 =	sshll.u32 s6, $0x1;
	s6 =	sadd.s32 s21, s4  }
0xa3: {  	[timem:s8], [sflag:s22] =	dma.local [hbm:s6], s20  }
0xa4: {  	_ =	swait.ge [sflag:s22], s20  }
0xa5: {  	s5 =	ssub.s32 $0x0, s20;
	[sflag:s22] =	ssyncset.done $0x0  }
0xa6: {  	[sflag:s22] =	ssyncadd.s32 s5;
	_ =	sdelay $0x1  }
0xa7: {  	s23 =	simm.s32 $0x1B8B  }
0xa8: {  	_ =	swait.ge [sflag:s23], $0x1  }
0xa9: {  	[sflag:s23] =	ssyncset.done $0x0  }
0xaa: {  	s25 =	simm.s32 $0x1B8E;
	s24 =	sld [smem:$0x3FFE];
	[sflag:s23] =	ssyncadd.s32 $0xFFFFFFFF  }
0xab: {  	s26 =	simm.s32 $execute0_lowered;
	[smem:$0x3FD2] =	sst s25  }
0xac: {  	s6 =	sshll.u32 s26, $0x1;
	_ =	strace $0x80000049;
	[dreg:$0x1] =	wrdreg $0xFFFFFFFF  }
0xad: {  	s28 =	simm.s32 $_size_execute0_lowered;
	s4 =	sadd.s32 s4, s6;
	[dreg:$0x0] =	wrdreg $0x0  }
0xae: {  	s6 =	sshll.u32 s28, $0x1;
	[dreg:$0x2] =	wrdreg s4  }
0xaf: {  	[dreg:$0x3] =	wrdreg s6  }
0xb0: {  	[dreg:$0x4] =	wrdreg $0xC0  }
0xb1: {  	_ =	task [dreg:s8], $0x5FFFF  }
0xb2: {  	[dreg:$0x1] =	wrdreg $0xFFFFFFFF  }
0xb3: {  	[dreg:$0x0] =	wrdreg $0x60  }
0xb4: {  	[dreg:$0x2] =	wrdreg s24  }
0xb5: {  	[dreg:$0x3] =	wrdreg s16  }
0xb6: {  	[dreg:$0x4] =	wrdreg s17  }
0xb7: {  	[dreg:$0x5] =	wrdreg $0x16E400  }
0xb8: {  	[dreg:$0x6] =	wrdreg $0x9  }
0xb9: {  	_ =	task.clear_ibuf [dreg:s8], $0x7FFFF;
	_ =	strace $0x90000049  }
0xba: {  	s29 =	simm.s32 $0x9;
	_ =	strace $0x8000004B  }
0xbb: {  	_ =	swait.ge [sflag:s29], $0x1  }
0xbc: {  	[sflag:s29] =	ssyncadd.s32 $0xFFFFFFFF  }
0xbd: {  	_ =	strace $0x9000004B  }
0xbe: {  	_ =	sfence  }
0xbf: {  	s30 =	sld [smem:$0x0];
	_ =	sdelay $0x2  }
0xc0: {  	s31 =	sshll.u32 s1, $0xD;
	s1 =	sshrl.u32 s1, $0x2  }
0xc1: {  	s3 =	sand.u32 $0x4000, s31;
	s1 =	sadd.s32 s1, s30  }
0xc2: {  	s0 =	sor.u32 s3, s0;
	s1 =	sshll.u32 s1, $0x11  }
0xc3: {  	s0 =	sor.u32 s1, s0  }
0xc4: {  	s0 =	sadd.s32 $0x8F2B, s0  }
0xc5: {  	[sflag:s0] =	ssyncadd.remote.s32 $0x1  }
0xc6: {  	_ =	sfence.sel $0xFFFF  }
0xc7: {  	[dreg:$0x0] =	wrdreg $0xFFFFFFFF;
	(pc) =	sbr.abs _section_cstart, $3  }
0xc8: {  	[dreg:$0x1] =	wrdreg $0xFFFFFFFF  }
0xc9: {  	_ =	task.clear_ibuf [dreg:s8], $0x2FFFF;
	_ =	strace $0x9FFFFFFF  }
0xca: {  	(tm) =	ssettm $0x7FFFFFFF  }
0xcb: {  	_ =	shalt  }
tec
execute0_lowered:
.L_overlay_start_1:
0x0: {  	(tag) =	ssettag $0x1  }
0x1: {  	s2 =	rddreg [dreg:$0x0]  }
0x2: {  	s3 =	rddreg [dreg:$0x1]  }
0x3: {  	s17 =	rddreg [dreg:$0x2]  }
0x4: {  	s9 =	rddreg [dreg:$0x3];
	s4 =	srdreg.scid  }
0x5: {  	s0 =	stileid.u32;
	s15 =	simm.s32 $0x0;
	s30 =	simm.s32 $0x49400  }
0x6: {  	p0 =	por $0x0, $0x0;
	s29 =	simm.s32 $0xB720;
	s28 =	simm.s32 $0xDBC0  }
0x7: {  	s4 =	sand.u32 $0x1, s4;
	[smem:$0x7FF] =	sst s15;
	s10 =	sadd.s32 $0x9A800, s2  }
0x8: {  	s11 =	sadd.s32 $0x1E180, s9;
	_ =	strace $0x8000004A;
	[dreg:$0x5] =	wrdreg s10  }
0x9: {  	s5 =	sshll.u32 s0, $0x1;
	s13 =	sadd.s32 $0x28200, s9;
	[dreg:$0xa] =	wrdreg s11  }
0xa: {  	s6 =	smul.u32 $0xA08, s0;
	s14 =	sadd.s32 $0x32280, s9;
	[dreg:$0xb] =	wrdreg s13  }
0xb: {  	s12 =	sshll.u32 s0, $0x6;
	s21 =	sadd.s32 $0x3C300, s9;
	[dreg:$0xc] =	wrdreg s14  }
0xc: {  	s22 =	sadd.s32 $0x46380, s9;
	s5 =	sor.u32 s4, s5;
	[dreg:$0xd] =	wrdreg s21  }
0xd: {  	s7 =	smul.u32 $0x50400, s4;
	s1 =	ssub.s32 $0x2, s4;
	[dreg:$0xe] =	wrdreg s22  }
0xe: {  	s5 =	smul.u32 $0x494, s5;
	s4 =	sshrl.u32 s1, $0x1;
	s19 =	sadd.s32 s6, s9  }
0xf: {  	s7 =	sadd.s32 s6, s7;
	s16 =	sadd.s32 $0xA080, s19;
	s11 =	sadd.s32 $0x14100, s19  }
0x10: {  	s18 =	sadd.s32 $0x28200, s19;
	s20 =	sadd.s32 $0x32280, s19;
	s21 =	sadd.s32 $0x3C300, s19  }
0x11: {  	s22 =	sadd.s32 $0x46380, s19;
	s8 =	sadd.s32 s5, s2;
	s7 =	sshrl.u32 s7, $0x3  }
0x12: {  	s26 =	sadd.s32 s3, s5;
	s3 =	ssub.s32 s1, s4;
	s16 =	sshrl.u32 s16, $0x3  }
0x13: {  	s14 =	sshrl.u32 s11, $0x3;
	s11 =	sshrl.u32 s20, $0x3;
	s20 =	simm.s32 $0x24A0  }
0x14: {  	s10 =	sadd.s32 s7, s2;
	[dreg:$0x6] =	wrdreg s26;
	s5 =	sadd.s32 $0x51400, s8  }
0x15: {  	s7 =	sadd.s32 $0xA080, s9;
	s8 =	sadd.s32 $0x14100, s9;
	[dreg:$0x7] =	wrdreg s5  }
0x16: {  	s2 =	sor.u32 $0x1C02, s12;
	s12 =	sadd.s32 $0x1E180, s19;
	[dreg:$0x8] =	wrdreg s7  }
0x17: {  	s19 =	sshrl.u32 s19, $0x3;
	[dreg:$0x9] =	wrdreg s8;
	s23 =	sadd.s32 $0x1400, s10  }
0x18: {  	s24 =	sadd.s32 $0x2810, s10;
	s25 =	sadd.s32 $0x3C20, s10;
	s26 =	sadd.s32 $0x5030, s10  }
0x19: {  	s7 =	sadd.s32 $0x6440, s10;
	s6 =	sadd.s32 $0x7850, s10;
	s5 =	sadd.s32 $0x8C60, s10  }
0x1a: {  	s4 =	sadd.s32 $0xA070, s10;
	[dreg:$0xf] =	wrdreg s23;
	s23 =	smax.u32 s3, $0x1  }
0x1b: {  	s13 =	sshrl.u32 s12, $0x3;
	s12 =	sshrl.u32 s18, $0x3;
	p1 =	sne.s32 s23, $0x1  }
.Ltmp0:
0x1c: {  	s10 =	sshrl.u32 s21, $0x3;
	[dreg:$0x10] =	wrdreg s24;
	(pc) =	sbr.rel @!p1 .LBB2_3-.Ltmp0, $4  }
0x1d: {  	s8 =	sshrl.u32 s22, $0x3;
	s18 =	simm.s32 $0x1;
	[dreg:$0x11] =	wrdreg s25  }
0x1e: {  	s21 =	simm.s32 $0x9280;
	s22 =	simm.s32 $0x12500;
	[dreg:$0x12] =	wrdreg s26  }
0x1f: {  	s3 =	simm.s32 $0x2;
	s26 =	simm.s32 $0x4940;
	s24 =	simm.s32 $0x6DE0  }
0x20: {  	s25 =	simm.s32 $0x10060;
	s31 =	sadd.s32 $0xFFFFFFFF, s23;
	s23 =	simm.s32 $0x149A0  }
0x21: {  	[spmem:s19], [sflag:s2] =	dma.local [hbm:s17], $0x141  }
0x22: {  	_ =	swait.ge [sflag:s3], $0x141  }
0x23: {  	[sflag:s3] =	ssyncset.done $0x0  }
0x24: {  	[sflag:s3] =	ssyncadd.s32 $0xFFFFFEBF  }
0x25: {  	[spmem:s16], [sflag:s2] =	dma.local [hbm:s17], $0x141  }
0x26: {  	_ =	swait.ge [sflag:s3], $0x141  }
0x27: {  	[sflag:s3] =	ssyncset.done $0x0  }
0x28: {  	[sflag:s3] =	ssyncadd.s32 $0xFFFFFEBF  }
0x29: {  	[spmem:s14], [sflag:s2] =	dma.local [hbm:s17], $0x141  }
0x2a: {  	_ =	swait.ge [sflag:s3], $0x141  }
0x2b: {  	[sflag:s3] =	ssyncset.done $0x0  }
0x2c: {  	[sflag:s3] =	ssyncadd.s32 $0xFFFFFEBF  }
0x2d: {  	[spmem:s13], [sflag:s2] =	dma.local [hbm:s17], $0x141  }
0x2e: {  	_ =	swait.ge [sflag:s3], $0x141  }
0x2f: {  	[sflag:s3] =	ssyncset.done $0x0  }
0x30: {  	[sflag:s3] =	ssyncadd.s32 $0xFFFFFEBF  }
0x31: {  	[spmem:s12], [sflag:s2] =	dma.local [hbm:s17], $0x141  }
0x32: {  	_ =	swait.ge [sflag:s3], $0x141  }
0x33: {  	[sflag:s3] =	ssyncset.done $0x0  }
0x34: {  	[sflag:s3] =	ssyncadd.s32 $0xFFFFFEBF  }
0x35: {  	[spmem:s11], [sflag:s2] =	dma.local [hbm:s17], $0x141  }
0x36: {  	_ =	swait.ge [sflag:s3], $0x141  }
0x37: {  	[sflag:s3] =	ssyncset.done $0x0  }
0x38: {  	[sflag:s3] =	ssyncadd.s32 $0xFFFFFEBF  }
0x39: {  	[spmem:s10], [sflag:s2] =	dma.local [hbm:s17], $0x141  }
0x3a: {  	_ =	swait.ge [sflag:s3], $0x141  }
0x3b: {  	[sflag:s3] =	ssyncset.done $0x0  }
0x3c: {  	[sflag:s3] =	ssyncadd.s32 $0xFFFFFEBF  }
0x3d: {  	[spmem:s8], [sflag:s2] =	dma.local [hbm:s17], $0x141  }
0x3e: {  	_ =	swait.ge [sflag:s3], $0x141  }
0x3f: {  	[sflag:s3] =	ssyncset.done $0x0  }
0x40: {  	s0 =	rddreg [dreg:$0x6];
	[sflag:s3] =	ssyncadd.s32 $0xFFFFFEBF  }
0x41: {  	[tilespmem:s15], [sflag:$0x2] =	stream.linear.gather [hbm4b:s0+s15], $0x24A0, $0x38;
	[tilespmem:$0x1BE80] =	vst v63  }
0x42: {  	_ =	swait.ge [sflag:s3], $0x24A0  }
0x43: {  	[sflag:s3] =	ssyncset.done $0x0  }
0x44: {  	s1 =	rddreg [dreg:$0x5];
	[sflag:s3] =	ssyncadd.s32 $0xFFFFDB60  }
0x45: {  	[tilespmem:s20], [sflag:$0x1] =	stream.indirect.gather [hbm4b:s1+s20], $0x1, s15, s20, $0xb8;
	[tilespmem:$0x1BE80] =	vst v63  }
0x46: {  	_ =	swait.ge [sflag:s18], $0x24A0  }
0x47: {  	[sflag:s18] =	ssyncset.done $0x0  }
0x48: {  	[sflag:s18] =	ssyncadd.s32 $0xFFFFDB60  }
0x49: {  	[bflag:$0x0] =	sbarrier.arrive $0xFFFF  }
0x4a: {  	s1 =	rddreg [dreg:$0x7]  }
0x4b: {  	[tilespmem:s26], [sflag:$0x2] =	stream.strided.gather [hbm4b:s1+s20], $0x12500, s30, s20, $0x38;
	[tilespmem:$0x1BE80] =	vst v63  }
0x4c: {  	_ =	swait.ge [sflag:s3], $0x12500  }
0x4d: {  	[sflag:s3] =	ssyncset.done $0x0  }
0x4e: {  	[sflag:s3] =	ssyncadd.s32 $0xFFFEDB00  }
0x4f: {  	[spmem:s9] =	stream.indirect.scatter.add.f32 [tilespmem:s26], [sflag:$0x1], $0x1, s20, s20, $0xb8;
	[tilespmem:$0x1BE80] =	vst v63  }
0x50: {  	s0 =	rddreg [dreg:$0x8]  }
0x51: {  	[spmem:s0] =	stream.indirect.scatter.add.f32 [tilespmem:s24], [sflag:$0x1], $0x1, s20, s20, $0xb8;
	[tilespmem:$0x1BE80] =	vst v63  }
0x52: {  	s1 =	rddreg [dreg:$0x9]  }
0x53: {  	[spmem:s1] =	stream.indirect.scatter.add.f32 [tilespmem:s21], [sflag:$0x1], $0x1, s20, s20, $0xb8;
	[tilespmem:$0x1BE80] =	vst v63  }
0x54: {  	s0 =	rddreg [dreg:$0xa]  }
0x55: {  	[spmem:s0] =	stream.indirect.scatter.add.f32 [tilespmem:s29], [sflag:$0x1], $0x1, s20, s20, $0xb8;
	[tilespmem:$0x1BE80] =	vst v63  }
0x56: {  	s1 =	rddreg [dreg:$0xb]  }
0x57: {  	[spmem:s1] =	stream.indirect.scatter.add.f32 [tilespmem:s28], [sflag:$0x1], $0x1, s20, s20, $0xb8;
	[tilespmem:$0x1BE80] =	vst v63  }
0x58: {  	s0 =	rddreg [dreg:$0xc]  }
0x59: {  	[spmem:s0] =	stream.indirect.scatter.add.f32 [tilespmem:s25], [sflag:$0x1], $0x1, s20, s20, $0xb8;
	[tilespmem:$0x1BE80] =	vst v63  }
0x5a: {  	s1 =	rddreg [dreg:$0xd]  }
0x5b: {  	[spmem:s1] =	stream.indirect.scatter.add.f32 [tilespmem:s22], [sflag:$0x1], $0x1, s20, s20, $0xb8;
	[tilespmem:$0x1BE80] =	vst v63  }
0x5c: {  	s0 =	rddreg [dreg:$0xe]  }
0x5d: {  	[spmem:s0] =	stream.indirect.scatter.add.f32 [tilespmem:s23], [sflag:$0x1], $0x1, s20, s20, $0xb8;
	[tilespmem:$0x1BE80] =	vst v63  }
0x5e: {  	_ =	swait.ge [sflag:s18], $0x24A0  }
0x5f: {  	[sflag:s18] =	ssyncset.done $0x0  }
0x60: {  	[sflag:s18] =	ssyncadd.s32 $0xFFFFDB60  }
0x61: {  	_ =	swait.ge [sflag:s18], $0x24A0  }
0x62: {  	[sflag:s18] =	ssyncset.done $0x0  }
0x63: {  	[sflag:s18] =	ssyncadd.s32 $0xFFFFDB60  }
0x64: {  	_ =	swait.ge [sflag:s18], $0x24A0  }
0x65: {  	[sflag:s18] =	ssyncset.done $0x0  }
0x66: {  	[sflag:s18] =	ssyncadd.s32 $0xFFFFDB60  }
0x67: {  	_ =	swait.ge [sflag:s18], $0x24A0  }
0x68: {  	[sflag:s18] =	ssyncset.done $0x0  }
0x69: {  	[sflag:s18] =	ssyncadd.s32 $0xFFFFDB60  }
0x6a: {  	_ =	swait.ge [sflag:s18], $0x24A0  }
0x6b: {  	[sflag:s18] =	ssyncset.done $0x0  }
0x6c: {  	[sflag:s18] =	ssyncadd.s32 $0xFFFFDB60  }
0x6d: {  	_ =	swait.ge [sflag:s18], $0x24A0  }
0x6e: {  	[sflag:s18] =	ssyncset.done $0x0  }
0x6f: {  	[sflag:s18] =	ssyncadd.s32 $0xFFFFDB60  }
0x70: {  	_ =	swait.ge [sflag:s18], $0x24A0  }
0x71: {  	[sflag:s18] =	ssyncset.done $0x0  }
0x72: {  	[sflag:s18] =	ssyncadd.s32 $0xFFFFDB60  }
0x73: {  	_ =	swait.ge [sflag:s18], $0x24A0  }
0x74: {  	[sflag:s18] =	ssyncset.done $0x0  }
0x75: {  	[sflag:s18] =	ssyncadd.s32 $0xFFFFDB60  }
0x76: {  	[bflag:$0x0] =	sbarrier.arrive $0xFFFF  }
0x77: {  	s1 =	rddreg [dreg:$0xf]  }
0x78: {  	[hbm:s1], [sflag:s2] =	dma.local [spmem:s19], $0x141  }
0x79: {  	_ =	swait.ge [sflag:s3], $0x141  }
0x7a: {  	[sflag:s3] =	ssyncset.done $0x0  }
0x7b: {  	s1 =	rddreg [dreg:$0x10];
	[sflag:s3] =	ssyncadd.s32 $0xFFFFFEBF  }
0x7c: {  	[hbm:s1], [sflag:s2] =	dma.local [spmem:s16], $0x141  }
0x7d: {  	_ =	swait.ge [sflag:s3], $0x141  }
0x7e: {  	[sflag:s3] =	ssyncset.done $0x0  }
0x7f: {  	s1 =	rddreg [dreg:$0x11];
	[sflag:s3] =	ssyncadd.s32 $0xFFFFFEBF  }
0x80: {  	[hbm:s1], [sflag:s2] =	dma.local [spmem:s14], $0x141  }
0x81: {  	_ =	swait.ge [sflag:s3], $0x141  }
0x82: {  	[sflag:s3] =	ssyncset.done $0x0  }
0x83: {  	s1 =	rddreg [dreg:$0x12];
	[sflag:s3] =	ssyncadd.s32 $0xFFFFFEBF  }
0x84: {  	[hbm:s1], [sflag:s2] =	dma.local [spmem:s13], $0x141  }
0x85: {  	_ =	swait.ge [sflag:s3], $0x141  }
0x86: {  	[sflag:s3] =	ssyncset.done $0x0  }
0x87: {  	[sflag:s3] =	ssyncadd.s32 $0xFFFFFEBF  }
0x88: {  	[hbm:s7], [sflag:s2] =	dma.local [spmem:s12], $0x141  }
0x89: {  	_ =	swait.ge [sflag:s3], $0x141  }
0x8a: {  	[sflag:s3] =	ssyncset.done $0x0  }
0x8b: {  	[sflag:s3] =	ssyncadd.s32 $0xFFFFFEBF  }
0x8c: {  	[hbm:s6], [sflag:s2] =	dma.local [spmem:s11], $0x141  }
0x8d: {  	_ =	swait.ge [sflag:s3], $0x141  }
0x8e: {  	[sflag:s3] =	ssyncset.done $0x0  }
0x8f: {  	[sflag:s3] =	ssyncadd.s32 $0xFFFFFEBF  }
0x90: {  	[hbm:s5], [sflag:s2] =	dma.local [spmem:s10], $0x141  }
0x91: {  	p1 =	sne.s32 s31, $0x1;
	_ =	swait.ge [sflag:s3], $0x141  }
.Ltmp1:
0x92: {  	[sflag:s3] =	ssyncset.done $0x0;
	(pc) =	sbr.rel @!p1 .LBB2_3-.Ltmp1, $4  }
0x93: {  	[sflag:s3] =	ssyncadd.s32 $0xFFFFFEBF  }
0x94: {  	[hbm:s4], [sflag:s2] =	dma.local [spmem:s8], $0x141  }
0x95: {  	_ =	swait.ge [sflag:s3], $0x141  }
0x96: {  	s31 =	sadd.s32 $0xFFFFFFFF, s31;
	p0 =	por $0x1, $0x1;
	[sflag:s3] =	ssyncset.done $0x0  }
.LBB2_2:
0x97: {  	[sflag:s3] =	ssyncadd.s32 $0xFFFFFEBF  }
0x98: {  	[spmem:s19], [sflag:s2] =	dma.local [hbm:s17], $0x141  }
0x99: {  	_ =	swait.ge [sflag:s3], $0x141  }
0x9a: {  	[sflag:s3] =	ssyncset.done $0x0  }
0x9b: {  	[sflag:s3] =	ssyncadd.s32 $0xFFFFFEBF  }
0x9c: {  	[spmem:s16], [sflag:s2] =	dma.local [hbm:s17], $0x141  }
0x9d: {  	_ =	swait.ge [sflag:s3], $0x141  }
0x9e: {  	[sflag:s3] =	ssyncset.done $0x0  }
0x9f: {  	[sflag:s3] =	ssyncadd.s32 $0xFFFFFEBF  }
0xa0: {  	[spmem:s14], [sflag:s2] =	dma.local [hbm:s17], $0x141  }
0xa1: {  	_ =	swait.ge [sflag:s3], $0x141  }
0xa2: {  	[sflag:s3] =	ssyncset.done $0x0  }
0xa3: {  	[sflag:s3] =	ssyncadd.s32 $0xFFFFFEBF  }
0xa4: {  	[spmem:s13], [sflag:s2] =	dma.local [hbm:s17], $0x141  }
0xa5: {  	_ =	swait.ge [sflag:s3], $0x141  }
0xa6: {  	[sflag:s3] =	ssyncset.done $0x0  }
0xa7: {  	[sflag:s3] =	ssyncadd.s32 $0xFFFFFEBF  }
0xa8: {  	[spmem:s12], [sflag:s2] =	dma.local [hbm:s17], $0x141  }
0xa9: {  	_ =	swait.ge [sflag:s3], $0x141  }
0xaa: {  	[sflag:s3] =	ssyncset.done $0x0  }
0xab: {  	[sflag:s3] =	ssyncadd.s32 $0xFFFFFEBF  }
0xac: {  	[spmem:s11], [sflag:s2] =	dma.local [hbm:s17], $0x141  }
0xad: {  	_ =	swait.ge [sflag:s3], $0x141  }
0xae: {  	[sflag:s3] =	ssyncset.done $0x0  }
0xaf: {  	[sflag:s3] =	ssyncadd.s32 $0xFFFFFEBF  }
0xb0: {  	[spmem:s10], [sflag:s2] =	dma.local [hbm:s17], $0x141  }
0xb1: {  	_ =	swait.ge [sflag:s3], $0x141  }
0xb2: {  	[sflag:s3] =	ssyncset.done $0x0  }
0xb3: {  	[sflag:s3] =	ssyncadd.s32 $0xFFFFFEBF  }
0xb4: {  	[spmem:s8], [sflag:s2] =	dma.local [hbm:s17], $0x141  }
0xb5: {  	_ =	swait.ge [sflag:s3], $0x141  }
0xb6: {  	[sflag:s3] =	ssyncset.done $0x0  }
0xb7: {  	s0 =	rddreg [dreg:$0x6];
	[sflag:s3] =	ssyncadd.s32 $0xFFFFFEBF  }
0xb8: {  	[tilespmem:s15], [sflag:$0x2] =	stream.linear.gather [hbm4b:s0+s15], $0x24A0, $0x38;
	[tilespmem:$0x1BE80] =	vst v63  }
0xb9: {  	_ =	swait.ge [sflag:s3], $0x24A0  }
0xba: {  	[sflag:s3] =	ssyncset.done $0x0  }
0xbb: {  	s1 =	rddreg [dreg:$0x5];
	[sflag:s3] =	ssyncadd.s32 $0xFFFFDB60  }
0xbc: {  	[tilespmem:s20], [sflag:$0x1] =	stream.indirect.gather [hbm4b:s1+s20], $0x1, s15, s20, $0xb8;
	[tilespmem:$0x1BE80] =	vst v63  }
0xbd: {  	_ =	swait.ge [sflag:s18], $0x24A0  }
0xbe: {  	[sflag:s18] =	ssyncset.done $0x0  }
0xbf: {  	[sflag:s18] =	ssyncadd.s32 $0xFFFFDB60  }
0xc0: {  	[bflag:$0x0] =	sbarrier.arrive $0xFFFF  }
0xc1: {  	s1 =	rddreg [dreg:$0x7]  }
0xc2: {  	[tilespmem:s26], [sflag:$0x2] =	stream.strided.gather [hbm4b:s1+s20], $0x12500, s30, s20, $0x38;
	[tilespmem:$0x1BE80] =	vst v63  }
0xc3: {  	_ =	swait.ge [sflag:s3], $0x12500  }
0xc4: {  	[sflag:s3] =	ssyncset.done $0x0  }
0xc5: {  	[sflag:s3] =	ssyncadd.s32 $0xFFFEDB00  }
0xc6: {  	[spmem:s9] =	stream.indirect.scatter.add.f32 [tilespmem:s26], [sflag:$0x1], $0x1, s20, s20, $0xb8;
	[tilespmem:$0x1BE80] =	vst v63  }
0xc7: {  	s0 =	rddreg [dreg:$0x8]  }
0xc8: {  	[spmem:s0] =	stream.indirect.scatter.add.f32 [tilespmem:s24], [sflag:$0x1], $0x1, s20, s20, $0xb8;
	[tilespmem:$0x1BE80] =	vst v63  }
0xc9: {  	s1 =	rddreg [dreg:$0x9]  }
0xca: {  	[spmem:s1] =	stream.indirect.scatter.add.f32 [tilespmem:s21], [sflag:$0x1], $0x1, s20, s20, $0xb8;
	[tilespmem:$0x1BE80] =	vst v63  }
0xcb: {  	s0 =	rddreg [dreg:$0xa]  }
0xcc: {  	[spmem:s0] =	stream.indirect.scatter.add.f32 [tilespmem:s29], [sflag:$0x1], $0x1, s20, s20, $0xb8;
	[tilespmem:$0x1BE80] =	vst v63  }
0xcd: {  	s1 =	rddreg [dreg:$0xb]  }
0xce: {  	[spmem:s1] =	stream.indirect.scatter.add.f32 [tilespmem:s28], [sflag:$0x1], $0x1, s20, s20, $0xb8;
	[tilespmem:$0x1BE80] =	vst v63  }
0xcf: {  	s0 =	rddreg [dreg:$0xc]  }
0xd0: {  	[spmem:s0] =	stream.indirect.scatter.add.f32 [tilespmem:s25], [sflag:$0x1], $0x1, s20, s20, $0xb8;
	[tilespmem:$0x1BE80] =	vst v63  }
0xd1: {  	s1 =	rddreg [dreg:$0xd]  }
0xd2: {  	[spmem:s1] =	stream.indirect.scatter.add.f32 [tilespmem:s22], [sflag:$0x1], $0x1, s20, s20, $0xb8;
	[tilespmem:$0x1BE80] =	vst v63  }
0xd3: {  	s0 =	rddreg [dreg:$0xe]  }
0xd4: {  	[spmem:s0] =	stream.indirect.scatter.add.f32 [tilespmem:s23], [sflag:$0x1], $0x1, s20, s20, $0xb8;
	[tilespmem:$0x1BE80] =	vst v63  }
0xd5: {  	_ =	swait.ge [sflag:s18], $0x24A0  }
0xd6: {  	[sflag:s18] =	ssyncset.done $0x0  }
0xd7: {  	[sflag:s18] =	ssyncadd.s32 $0xFFFFDB60  }
0xd8: {  	_ =	swait.ge [sflag:s18], $0x24A0  }
0xd9: {  	[sflag:s18] =	ssyncset.done $0x0  }
0xda: {  	[sflag:s18] =	ssyncadd.s32 $0xFFFFDB60  }
0xdb: {  	_ =	swait.ge [sflag:s18], $0x24A0  }
0xdc: {  	[sflag:s18] =	ssyncset.done $0x0  }
0xdd: {  	[sflag:s18] =	ssyncadd.s32 $0xFFFFDB60  }
0xde: {  	_ =	swait.ge [sflag:s18], $0x24A0  }
0xdf: {  	[sflag:s18] =	ssyncset.done $0x0  }
0xe0: {  	[sflag:s18] =	ssyncadd.s32 $0xFFFFDB60  }
0xe1: {  	_ =	swait.ge [sflag:s18], $0x24A0  }
0xe2: {  	[sflag:s18] =	ssyncset.done $0x0  }
0xe3: {  	[sflag:s18] =	ssyncadd.s32 $0xFFFFDB60  }
0xe4: {  	_ =	swait.ge [sflag:s18], $0x24A0  }
0xe5: {  	[sflag:s18] =	ssyncset.done $0x0  }
0xe6: {  	[sflag:s18] =	ssyncadd.s32 $0xFFFFDB60  }
0xe7: {  	_ =	swait.ge [sflag:s18], $0x24A0  }
0xe8: {  	[sflag:s18] =	ssyncset.done $0x0  }
0xe9: {  	[sflag:s18] =	ssyncadd.s32 $0xFFFFDB60  }
0xea: {  	_ =	swait.ge [sflag:s18], $0x24A0  }
0xeb: {  	[sflag:s18] =	ssyncset.done $0x0  }
0xec: {  	[sflag:s18] =	ssyncadd.s32 $0xFFFFDB60  }
0xed: {  	[bflag:$0x0] =	sbarrier.arrive $0xFFFF  }
0xee: {  	s1 =	rddreg [dreg:$0xf]  }
0xef: {  	[hbm:s1], [sflag:s2] =	dma.local [spmem:s19], $0x141  }
0xf0: {  	_ =	swait.ge [sflag:s3], $0x141  }
0xf1: {  	[sflag:s3] =	ssyncset.done $0x0  }
0xf2: {  	s1 =	rddreg [dreg:$0x10];
	[sflag:s3] =	ssyncadd.s32 $0xFFFFFEBF  }
0xf3: {  	[hbm:s1], [sflag:s2] =	dma.local [spmem:s16], $0x141  }
0xf4: {  	_ =	swait.ge [sflag:s3], $0x141  }
0xf5: {  	[sflag:s3] =	ssyncset.done $0x0  }
0xf6: {  	s1 =	rddreg [dreg:$0x11];
	[sflag:s3] =	ssyncadd.s32 $0xFFFFFEBF  }
0xf7: {  	[hbm:s1], [sflag:s2] =	dma.local [spmem:s14], $0x141  }
0xf8: {  	_ =	swait.ge [sflag:s3], $0x141  }
0xf9: {  	[sflag:s3] =	ssyncset.done $0x0  }
0xfa: {  	s1 =	rddreg [dreg:$0x12];
	[sflag:s3] =	ssyncadd.s32 $0xFFFFFEBF  }
0xfb: {  	[hbm:s1], [sflag:s2] =	dma.local [spmem:s13], $0x141  }
0xfc: {  	_ =	swait.ge [sflag:s3], $0x141  }
0xfd: {  	[sflag:s3] =	ssyncset.done $0x0  }
0xfe: {  	[sflag:s3] =	ssyncadd.s32 $0xFFFFFEBF  }
0xff: {  	[hbm:s7], [sflag:s2] =	dma.local [spmem:s12], $0x141  }
0x100: {  	_ =	swait.ge [sflag:s3], $0x141  }
0x101: {  	[sflag:s3] =	ssyncset.done $0x0  }
0x102: {  	[sflag:s3] =	ssyncadd.s32 $0xFFFFFEBF  }
0x103: {  	[hbm:s6], [sflag:s2] =	dma.local [spmem:s11], $0x141  }
0x104: {  	_ =	swait.ge [sflag:s3], $0x141  }
0x105: {  	[sflag:s3] =	ssyncset.done $0x0  }
0x106: {  	[sflag:s3] =	ssyncadd.s32 $0xFFFFFEBF  }
0x107: {  	[hbm:s5], [sflag:s2] =	dma.local [spmem:s10], $0x141  }
0x108: {  	p1 =	sne.s32 s31, $0x1;
	_ =	swait.ge [sflag:s3], $0x141  }
.Ltmp2:
0x109: {  	[sflag:s3] =	ssyncset.done $0x0;
	(pc) =	sbr.rel @p1 .LBB2_2-.Ltmp2, $4  }
0x10a: {  	[sflag:s3] =	ssyncadd.s32 $0xFFFFFEBF  }
0x10b: {  	[hbm:s4], [sflag:s2] =	dma.local [spmem:s8], $0x141  }
0x10c: {  	_ =	swait.ge [sflag:s3], $0x141  }
0x10d: {  	s31 =	sadd.s32 $0xFFFFFFFF, s31;
	[sflag:s3] =	ssyncset.done $0x0  }
.LBB2_3:
0x10e: {  	[sflag:s3] =	ssyncadd.s32 @p0 $0xFFFFFEBF  }
0x10f: {  	[spmem:s19], [sflag:s2] =	dma.local [hbm:s17], $0x141  }
0x110: {  	_ =	swait.ge [sflag:s3], $0x141  }
0x111: {  	[sflag:s3] =	ssyncset.done $0x0  }
0x112: {  	[sflag:s3] =	ssyncadd.s32 $0xFFFFFEBF  }
0x113: {  	[spmem:s16], [sflag:s2] =	dma.local [hbm:s17], $0x141  }
0x114: {  	_ =	swait.ge [sflag:s3], $0x141  }
0x115: {  	[sflag:s3] =	ssyncset.done $0x0  }
0x116: {  	[sflag:s3] =	ssyncadd.s32 $0xFFFFFEBF  }
0x117: {  	[spmem:s14], [sflag:s2] =	dma.local [hbm:s17], $0x141  }
0x118: {  	_ =	swait.ge [sflag:s3], $0x141  }
0x119: {  	[sflag:s3] =	ssyncset.done $0x0  }
0x11a: {  	[sflag:s3] =	ssyncadd.s32 $0xFFFFFEBF  }
0x11b: {  	[spmem:s13], [sflag:s2] =	dma.local [hbm:s17], $0x141  }
0x11c: {  	_ =	swait.ge [sflag:s3], $0x141  }
0x11d: {  	[sflag:s3] =	ssyncset.done $0x0  }
0x11e: {  	[sflag:s3] =	ssyncadd.s32 $0xFFFFFEBF  }
0x11f: {  	[spmem:s12], [sflag:s2] =	dma.local [hbm:s17], $0x141  }
0x120: {  	_ =	swait.ge [sflag:s3], $0x141  }
0x121: {  	[sflag:s3] =	ssyncset.done $0x0  }
0x122: {  	[sflag:s3] =	ssyncadd.s32 $0xFFFFFEBF  }
0x123: {  	[spmem:s11], [sflag:s2] =	dma.local [hbm:s17], $0x141  }
0x124: {  	_ =	swait.ge [sflag:s3], $0x141  }
0x125: {  	[sflag:s3] =	ssyncset.done $0x0  }
0x126: {  	[sflag:s3] =	ssyncadd.s32 $0xFFFFFEBF  }
0x127: {  	[spmem:s10], [sflag:s2] =	dma.local [hbm:s17], $0x141  }
0x128: {  	_ =	swait.ge [sflag:s3], $0x141  }
0x129: {  	[sflag:s3] =	ssyncset.done $0x0  }
0x12a: {  	[sflag:s3] =	ssyncadd.s32 $0xFFFFFEBF  }
0x12b: {  	[spmem:s8], [sflag:s2] =	dma.local [hbm:s17], $0x141  }
0x12c: {  	_ =	swait.ge [sflag:s3], $0x141  }
0x12d: {  	[sflag:s3] =	ssyncset.done $0x0  }
0x12e: {  	s0 =	rddreg [dreg:$0x6];
	[sflag:s3] =	ssyncadd.s32 $0xFFFFFEBF  }
0x12f: {  	[tilespmem:s15], [sflag:$0x2] =	stream.linear.gather [hbm4b:s0+s15], $0x24A0, $0x38;
	[tilespmem:$0x1BE80] =	vst v63  }
0x130: {  	_ =	swait.ge [sflag:s3], $0x24A0  }
0x131: {  	[sflag:s3] =	ssyncset.done $0x0  }
0x132: {  	s1 =	rddreg [dreg:$0x5];
	[sflag:s3] =	ssyncadd.s32 $0xFFFFDB60  }
0x133: {  	[tilespmem:s20], [sflag:$0x1] =	stream.indirect.gather [hbm4b:s1+s20], $0x1, s15, s20, $0xb8;
	[tilespmem:$0x1BE80] =	vst v63  }
0x134: {  	_ =	swait.ge [sflag:s18], $0x24A0  }
0x135: {  	[sflag:s18] =	ssyncset.done $0x0  }
0x136: {  	[sflag:s18] =	ssyncadd.s32 $0xFFFFDB60  }
0x137: {  	[bflag:$0x0] =	sbarrier.arrive $0xFFFF  }
0x138: {  	s17 =	rddreg [dreg:$0x7]  }
0x139: {  	[tilespmem:s26], [sflag:$0x2] =	stream.strided.gather [hbm4b:s17+s20], $0x12500, s30, s20, $0x38;
	[tilespmem:$0x1BE80] =	vst v63  }
0x13a: {  	_ =	swait.ge [sflag:s3], $0x12500  }
0x13b: {  	[sflag:s3] =	ssyncset.done $0x0  }
0x13c: {  	[sflag:s3] =	ssyncadd.s32 $0xFFFEDB00  }
0x13d: {  	[spmem:s9] =	stream.indirect.scatter.add.f32 [tilespmem:s26], [sflag:$0x1], $0x1, s20, s20, $0xb8;
	[tilespmem:$0x1BE80] =	vst v63  }
0x13e: {  	s31 =	rddreg [dreg:$0x8]  }
0x13f: {  	[spmem:s31] =	stream.indirect.scatter.add.f32 [tilespmem:s24], [sflag:$0x1], $0x1, s20, s20, $0xb8;
	[tilespmem:$0x1BE80] =	vst v63  }
0x140: {  	s1 =	rddreg [dreg:$0x9]  }
0x141: {  	[spmem:s1] =	stream.indirect.scatter.add.f32 [tilespmem:s21], [sflag:$0x1], $0x1, s20, s20, $0xb8;
	[tilespmem:$0x1BE80] =	vst v63  }
0x142: {  	s15 =	rddreg [dreg:$0xa]  }
0x143: {  	[spmem:s15] =	stream.indirect.scatter.add.f32 [tilespmem:s29], [sflag:$0x1], $0x1, s20, s20, $0xb8;
	[tilespmem:$0x1BE80] =	vst v63  }
0x144: {  	s17 =	rddreg [dreg:$0xb]  }
0x145: {  	[spmem:s17] =	stream.indirect.scatter.add.f32 [tilespmem:s28], [sflag:$0x1], $0x1, s20, s20, $0xb8;
	[tilespmem:$0x1BE80] =	vst v63  }
0x146: {  	s21 =	rddreg [dreg:$0xc]  }
0x147: {  	[spmem:s21] =	stream.indirect.scatter.add.f32 [tilespmem:s25], [sflag:$0x1], $0x1, s20, s20, $0xb8;
	[tilespmem:$0x1BE80] =	vst v63  }
0x148: {  	s24 =	rddreg [dreg:$0xd]  }
0x149: {  	[spmem:s24] =	stream.indirect.scatter.add.f32 [tilespmem:s22], [sflag:$0x1], $0x1, s20, s20, $0xb8;
	[tilespmem:$0x1BE80] =	vst v63  }
0x14a: {  	s25 =	rddreg [dreg:$0xe]  }
0x14b: {  	[spmem:s25] =	stream.indirect.scatter.add.f32 [tilespmem:s23], [sflag:$0x1], $0x1, s20, s20, $0xb8;
	[tilespmem:$0x1BE80] =	vst v63  }
0x14c: {  	_ =	swait.ge [sflag:s18], $0x24A0  }
0x14d: {  	[sflag:s18] =	ssyncset.done $0x0  }
0x14e: {  	[sflag:s18] =	ssyncadd.s32 $0xFFFFDB60  }
0x14f: {  	_ =	swait.ge [sflag:s18], $0x24A0  }
0x150: {  	[sflag:s18] =	ssyncset.done $0x0  }
0x151: {  	[sflag:s18] =	ssyncadd.s32 $0xFFFFDB60  }
0x152: {  	_ =	swait.ge [sflag:s18], $0x24A0  }
0x153: {  	[sflag:s18] =	ssyncset.done $0x0  }
0x154: {  	[sflag:s18] =	ssyncadd.s32 $0xFFFFDB60  }
0x155: {  	_ =	swait.ge [sflag:s18], $0x24A0  }
0x156: {  	[sflag:s18] =	ssyncset.done $0x0  }
0x157: {  	[sflag:s18] =	ssyncadd.s32 $0xFFFFDB60  }
0x158: {  	_ =	swait.ge [sflag:s18], $0x24A0  }
0x159: {  	[sflag:s18] =	ssyncset.done $0x0  }
0x15a: {  	[sflag:s18] =	ssyncadd.s32 $0xFFFFDB60  }
0x15b: {  	_ =	swait.ge [sflag:s18], $0x24A0  }
0x15c: {  	[sflag:s18] =	ssyncset.done $0x0  }
0x15d: {  	[sflag:s18] =	ssyncadd.s32 $0xFFFFDB60  }
0x15e: {  	_ =	swait.ge [sflag:s18], $0x24A0  }
0x15f: {  	[sflag:s18] =	ssyncset.done $0x0  }
0x160: {  	[sflag:s18] =	ssyncadd.s32 $0xFFFFDB60  }
0x161: {  	_ =	swait.ge [sflag:s18], $0x24A0  }
0x162: {  	[sflag:s18] =	ssyncset.done $0x0  }
0x163: {  	[sflag:s18] =	ssyncadd.s32 $0xFFFFDB60  }
0x164: {  	[bflag:$0x0] =	sbarrier.arrive $0xFFFF  }
0x165: {  	s26 =	rddreg [dreg:$0xf]  }
0x166: {  	[hbm:s26], [sflag:s2] =	dma.local [spmem:s19], $0x141  }
0x167: {  	_ =	swait.ge [sflag:s3], $0x141  }
0x168: {  	[sflag:s3] =	ssyncset.done $0x0  }
0x169: {  	s28 =	rddreg [dreg:$0x10];
	[sflag:s3] =	ssyncadd.s32 $0xFFFFFEBF  }
0x16a: {  	[hbm:s28], [sflag:s2] =	dma.local [spmem:s16], $0x141  }
0x16b: {  	_ =	swait.ge [sflag:s3], $0x141  }
0x16c: {  	[sflag:s3] =	ssyncset.done $0x0  }
0x16d: {  	s29 =	rddreg [dreg:$0x11];
	[sflag:s3] =	ssyncadd.s32 $0xFFFFFEBF  }
0x16e: {  	[hbm:s29], [sflag:s2] =	dma.local [spmem:s14], $0x141  }
0x16f: {  	_ =	swait.ge [sflag:s3], $0x141  }
0x170: {  	[sflag:s3] =	ssyncset.done $0x0  }
0x171: {  	s30 =	rddreg [dreg:$0x12];
	[sflag:s3] =	ssyncadd.s32 $0xFFFFFEBF  }
0x172: {  	[hbm:s30], [sflag:s2] =	dma.local [spmem:s13], $0x141  }
0x173: {  	_ =	swait.ge [sflag:s3], $0x141  }
0x174: {  	[sflag:s3] =	ssyncset.done $0x0  }
0x175: {  	[sflag:s3] =	ssyncadd.s32 $0xFFFFFEBF  }
0x176: {  	[hbm:s7], [sflag:s2] =	dma.local [spmem:s12], $0x141  }
0x177: {  	_ =	swait.ge [sflag:s3], $0x141  }
0x178: {  	[sflag:s3] =	ssyncset.done $0x0  }
0x179: {  	[sflag:s3] =	ssyncadd.s32 $0xFFFFFEBF  }
0x17a: {  	[hbm:s6], [sflag:s2] =	dma.local [spmem:s11], $0x141  }
0x17b: {  	_ =	swait.ge [sflag:s3], $0x141  }
0x17c: {  	[sflag:s3] =	ssyncset.done $0x0  }
0x17d: {  	[sflag:s3] =	ssyncadd.s32 $0xFFFFFEBF  }
0x17e: {  	[hbm:s5], [sflag:s2] =	dma.local [spmem:s10], $0x141  }
0x17f: {  	_ =	swait.ge [sflag:s3], $0x141  }
0x180: {  	[sflag:s3] =	ssyncset.done $0x0  }
0x181: {  	[sflag:s3] =	ssyncadd.s32 $0xFFFFFEBF  }
0x182: {  	[hbm:s4], [sflag:s2] =	dma.local [spmem:s8], $0x141  }
0x183: {  	_ =	swait.ge [sflag:s3], $0x141  }
0x184: {  	[sflag:s3] =	ssyncset.done $0x0  }
0x185: {  	[sflag:s3] =	ssyncadd.s32 $0xFFFFFEBF  }
0x186: {  	_ =	sfence.sel $0x180000  }
0x187: {  	[bflag:$0x0] =	sbarrier.arrive $0xFFFF  }
0x188: {  	_ =	strace $0x9000004A  }
0x189: {  	s31 =	stileid.u32;
	[bflag:$0x2] =	sbarrier.arrive $0xFFFF  }
0x18a: {  	p0 =	sne.s32 s31, $0x0;
	s0 =	rddreg [dreg:$0x4]  }
0x18b: {  	s0 =	sadd.s32 @!p0 $0x100000, s0  }
0x18c: {  	[sflag:s0] =	ssyncadd.tile.s32 @!p0 $0x1;
	_ =	shalt  }
.Lfunc_end2:
_tile_overlayer_lowered:
.L_overlay_start_2:
0x18d: {  	(tag) =	ssettag $0x2  }
0x18e: {  	s0 =	rddreg [dreg:$0x0];
	s2 =	stileid.u32  }
0x18f: {  	s1 =	rddreg [dreg:$0x1];
	p0 =	sne.s32 s2, $0x0  }
0x190: {  	s3 =	rddreg [dreg:$0x2];
	[bflag:$0x3] =	sbarrier.arrive $0xFFFF;
	s2 =	simm.s32 @!p0 $0x1C02  }
0x191: {  	[timem:s3], [sflag:s2] =	dma.local @!p0 [hbm:s0], s1  }
0x192: {  	s0 =	simm.s32 @!p0 $0x2  }
0x193: {  	_ =	swait.ge @!p0 [sflag:s0], s1  }
0x194: {  	s1 =	ssub.s32 @!p0 $0x0, s1;
	[sflag:s0] =	ssyncset.done @!p0 $0x0  }
0x195: {  	[sflag:s0] =	ssyncadd.s32 @!p0 s1  }
0x196: {  	[bflag:$0x3] =	sbarrier.arrive $0xFFFF  }
0x197: {  	_ =	shalt  }

// kernel: kernel.9.cloned.1.call-start
scs
__scs_entry_jumppad:
0x0: {  	(pc) =	sbr.rel $0x88, $3  }
0x1: {  	(tag) =	ssettag $0x0;
	lr =	simm.s32 $0x1  }
0x2: {  	[smem:$0x3FA0] =	sst lr;
	_ =	strace $0xD0000000  }
0x3: {  	_ = 	snop  }
0x4: {  	_ = 	snop  }
0x5: {  	_ = 	snop  }
0x6: {  	_ = 	snop  }
0x7: {  	_ = 	snop  }
__scs_overlays_trampoline_lowered:
0x8: {  	[smem:$0x3FAF] =	sst s0  }
0x9: {  	[smem:$0x3FB0] =	sst s1  }
0xa: {  	[smem:$0x3FB1] =	sst s2  }
0xb: {  	[smem:$0x3FB2] =	sst s3  }
0xc: {  	[smem:$0x3FB3] =	sst s4  }
0xd: {  	[smem:$0x3FB4] =	sst s5  }
0xe: {  	[smem:$0x3FB5] =	sst s6  }
0xf: {  	[smem:$0x3FB6] =	sst s7  }
0x10: {  	[smem:$0x3FB7] =	sst s8  }
0x11: {  	[smem:$0x3FB8] =	sst s9;
	s0 =	simm.s32 @!p0 $0x0  }
0x12: {  	s1 =	sld [smem:$0x3F9E];
	s0 =	simm.s32 @p0 $0x1  }
0x13: {  	[smem:$0x3FB9] =	sst s0;
	s0 =	simm.s32 @!p1 $0x0  }
0x14: {  	s2 =	sld [smem:$0x3F9D];
	s0 =	simm.s32 @p1 $0x1  }
0x15: {  	[smem:$0x3FBA] =	sst s0;
	s0 =	simm.s32 @!p2 $0x0  }
0x16: {  	s3 =	sld [smem:$0x3FDB];
	s0 =	simm.s32 @p2 $0x1  }
0x17: {  	s4 =	simm.s32 $0x1BF5;
	[smem:$0x3FBC] =	sst s0  }
0x18: {  	s0 =	sld [smem:$0x3F9F];
	_ =	swait.ge [sflag:s4], $0x0  }
0x19: {  	s7 =	sld [smem:$0x3FA0]  }
0x1a: {  	s8 =	sadd.s32 $0xFFFFE003, lr  }
0x1b: {  	s9 =	sadd.s32 $0xFFFFFEF7, lr;
	s5 =	simm.s32 $0xFFFFFFFF;
	p2 =	slt.u32 s8, $0xFFFFF086  }
0x1c: {  	p1 =	slt.u32 s9, $0xF7A;
	s5 =	simm.s32 @!p2 $0x0  }
0x1d: {  	s5 =	simm.s32 @p1 $0x1;
	p0 =	seq.s32 s7, s2  }
0x1e: {  	s7 =	smul.u32 @!p0 $0xF7A, s2;
	p2 =	seq.s32 @!p0 s5, $0x0  }
0x1f: {  	s9 =	smul.u32 $0xF7A, s1;
	s8 =	simm.s32 @!p0 $0x1BF5;
	p2 =	por !p2, p0  }
0x20: {  	[sflag:s8] =	ssyncset.s32 @!p0 $0xFFFFF086;
	s6 =	sadd.s32 @!p0 s3, s7;
	s7 =	simm.s32 @!p0 $0x108  }
0x21: {  	s3 =	sadd.s32 s3, s9;
	s6 =	sadd.s32 @!p0 $0x88, s6;
	s7 =	simm.s32 @p2 $0x1082  }
0x22: {  	[simem:s7], [sflag:s8] =	dma.local @!p0 [hbm:s6], $0xF7A  }
0x23: {  	s9 =	sor.u32 $0xD0000000, s2;
	s6 =	simm.s32 $0x108;
	_ =	swait.ge @!p0 [sflag:s8], $0x0  }
0x24: {  	s3 =	sadd.s32 $0x88, s3;
	s6 =	simm.s32 @!p1 $0x1082;
	[sflag:s4] =	ssyncset.s32 $0xFFFFF086  }
0x25: {  	[simem:s6], [sflag:s4] =	dma.local [hbm:s3], $0xF7A  }
0x26: {  	[smem:$0x3FA0] =	sst s1;
	(tag) =	ssettag s2;
	_ =	strace s9  }
0x27: {  	s1 =	sld [smem:$0x3FB0]  }
0x28: {  	s2 =	sld [smem:$0x3FB1]  }
0x29: {  	s4 =	sld [smem:$0x3FB3]  }
0x2a: {  	p0 =	seq.s32 s5, $0x0;
	s5 =	sld [smem:$0x3FB4]  }
0x2b: {  	s6 =	sld [smem:$0x3FB5]  }
0x2c: {  	s7 =	sld [smem:$0x3FB6]  }
0x2d: {  	s3 =	simm.s32 $0x108;
	s8 =	sld [smem:$0x3FB7]  }
0x2e: {  	s3 =	simm.s32 @!p0 $0x1082;
	s9 =	sld [smem:$0x3FB8]  }
0x2f: {  	lr =	sadd.s32 s0, s3;
	s0 =	sld [smem:$0x3FAF]  }
0x30: {  	s3 =	sld [smem:$0x3FB2]  }
0x31: {  	[smem:$0x3FBB] =	sst s10  }
0x32: {  	s10 =	sld [smem:$0x3FB9];
	_ =	sdelay $0x3  }
0x33: {  	p0 =	seq.s32 s10, $0x1;
	s10 =	sld [smem:$0x3FBB];
	_ =	sdelay $0x3  }
0x34: {  	[smem:$0x3FBB] =	sst s10  }
0x35: {  	s10 =	sld [smem:$0x3FBA];
	_ =	sdelay $0x3  }
0x36: {  	p1 =	seq.s32 s10, $0x1;
	s10 =	sld [smem:$0x3FBB];
	_ =	sdelay $0x3  }
0x37: {  	[smem:$0x3FBB] =	sst s10  }
0x38: {  	s10 =	sld [smem:$0x3FBC]  }
0x39: {  	_ = 	snop;
	(pc) =	sbr.ind lr, $3  }
0x3a: {  	_ = 	snop  }
0x3b: {  	_ = 	snop  }
0x3c: {  	p2 =	seq.s32 s10, $0x1;
	s10 =	sld [smem:$0x3FBB]  }
0x3d: {  	_ =	shalt  }
0x3e: {  	_ =	shalt  }
0x3f: {  	_ =	shalt  }
0x40: {  	_ =	shalt  }
0x41: {  	_ =	shalt  }
0x42: {  	_ =	shalt  }
0x43: {  	_ =	shalt  }
0x44: {  	_ =	shalt  }
0x45: {  	_ =	shalt  }
0x46: {  	_ =	shalt  }
0x47: {  	_ =	shalt  }
0x48: {  	_ =	shalt  }
0x49: {  	_ =	shalt  }
0x4a: {  	_ =	shalt  }
0x4b: {  	_ =	shalt  }
0x4c: {  	_ =	shalt  }
0x4d: {  	_ =	shalt  }
0x4e: {  	_ =	shalt  }
0x4f: {  	_ =	shalt  }
0x50: {  	_ =	shalt  }
0x51: {  	_ =	shalt  }
0x52: {  	_ =	shalt  }
0x53: {  	_ =	shalt  }
0x54: {  	_ =	shalt  }
0x55: {  	_ =	shalt  }
0x56: {  	_ =	shalt  }
0x57: {  	_ =	shalt  }
0x58: {  	_ =	shalt  }
0x59: {  	_ =	shalt  }
0x5a: {  	_ =	shalt  }
0x5b: {  	_ =	shalt  }
0x5c: {  	_ =	shalt  }
0x5d: {  	_ =	shalt  }
0x5e: {  	_ =	shalt  }
0x5f: {  	_ =	shalt  }
0x60: {  	_ =	shalt  }
0x61: {  	_ =	shalt  }
0x62: {  	_ =	shalt  }
0x63: {  	_ =	shalt  }
0x64: {  	_ =	shalt  }
0x65: {  	_ =	shalt  }
0x66: {  	_ =	shalt  }
0x67: {  	_ =	shalt  }
0x68: {  	_ =	shalt  }
0x69: {  	_ =	shalt  }
0x6a: {  	_ =	shalt  }
0x6b: {  	_ =	shalt  }
0x6c: {  	_ =	shalt  }
0x6d: {  	_ =	shalt  }
0x6e: {  	_ =	shalt  }
0x6f: {  	_ =	shalt  }
0x70: {  	_ =	shalt  }
0x71: {  	_ =	shalt  }
0x72: {  	_ =	shalt  }
0x73: {  	_ =	shalt  }
0x74: {  	_ =	shalt  }
0x75: {  	_ =	shalt  }
0x76: {  	_ =	shalt  }
0x77: {  	_ =	shalt  }
0x78: {  	_ =	shalt  }
0x79: {  	_ =	shalt  }
0x7a: {  	_ =	shalt  }
0x7b: {  	_ =	shalt  }
0x7c: {  	_ =	shalt  }
0x7d: {  	_ =	shalt  }
0x7e: {  	_ =	shalt  }
0x7f: {  	_ =	shalt  }
0x80: {  	_ =	shalt  }
0x81: {  	_ =	shalt  }
0x82: {  	_ =	shalt  }
0x83: {  	_ =	shalt  }
0x84: {  	_ =	shalt  }
0x85: {  	_ =	shalt  }
0x86: {  	_ =	shalt  }
0x87: {  	_ =	shalt  }
.Lfunc_end0:
.L_simem_size_0:
called_computation_lowered:
.L_overlay_start_0:
0x88: {  	s2 =	sld [smem:$0x3FD9]  }
0x89: {  	s3 =	sld [smem:$0x3FFE];
	_ =	sdelay $0x1  }
0x8a: {  	s1 =	srdreg.scid  }
0x8b: {  	s0 =	sand.u32 $0x1, s1  }
0x8c: {  	s14 =	sshll.u32 s0, $0xA;
	s2 =	sadd.s32 s3, s2  }
0x8d: {  	s2 =	sadd.s32 s2, s14  }
0x8e: {  	[smem:$0x3FC7] =	sst s2  }
0x8f: {  	_ = 	snop  }
0x90: {  	s2 =	sld [smem:$0x3FD0];
	_ =	sdelay $0x2  }
0x91: {  	s15 =	simm.s32 $0xA;
	s4 =	simm.s32 $0x10  }
0x92: {  	[smem:s4], [sflag:s15] =	dma.local [hbm:s2], $0x1  }
0x93: {  	_ =	swait.eq [sflag:s15], $0x1  }
0x94: {  	s16 =	sld [smem:$0x10];
	[sflag:s15] =	ssyncset.done $0x0  }
0x95: {  	s17 =	sld [smem:$0x11];
	[sflag:s15] =	ssyncadd.s32 $0xFFFFFFFF  }
0x96: {  	s18 =	sld [smem:$0x12];
	(tm) =	ssettm $0x1  }
0x97: {  	s5 =	sld [smem:$0x3FFB];
	_ =	sdelay $0x3  }
0x98: {  	_ =	strace s5  }
0x99: {  	s5 =	sld [smem:$0x3FFC];
	_ =	sdelay $0x3  }
0x9a: {  	_ =	strace s5  }
0x9b: {  	s5 =	sld [smem:$0x3FFD];
	_ =	sdelay $0x3  }
0x9c: {  	_ =	strace s5  }
0x9d: {  	_ =	strace $0x8FFFFFFF  }
0x9e: {  	s19 =	sld [smem:$0x3FDB];
	_ =	sdelay $0x1  }
0x9f: {  	s6 =	simm.s32 $_scs_section_size  }
0xa0: {  	s7 =	simm.s32 $_size__tile_overlayer_lowered;
	s8 =	simm.s32 $_tile_overlayer_lowered  }
0xa1: {  	s22 =	simm.s32 $0x1BFF;
	s21 =	sshll.u32 s8, $0x1;
	s5 =	sadd.s32 s6, s19  }
0xa2: {  	s9 =	simm.s32 $0x0;
	s20 =	sshll.u32 s7, $0x1;
	s7 =	sadd.s32 s21, s5  }
0xa3: {  	[timem:s9], [sflag:s22] =	dma.local [hbm:s7], s20  }
0xa4: {  	_ =	swait.ge [sflag:s22], s20  }
0xa5: {  	s6 =	ssub.s32 $0x0, s20;
	[sflag:s22] =	ssyncset.done $0x0  }
0xa6: {  	[sflag:s22] =	ssyncadd.s32 s6;
	_ =	sdelay $0x1  }
0xa7: {  	s23 =	simm.s32 $0x1B8B  }
0xa8: {  	_ =	swait.ge [sflag:s23], $0x1  }
0xa9: {  	[sflag:s23] =	ssyncset.done $0x0  }
0xaa: {  	s25 =	simm.s32 $0x1B8E;
	s24 =	sld [smem:$0x3FFE];
	[sflag:s23] =	ssyncadd.s32 $0xFFFFFFFF  }
0xab: {  	s26 =	simm.s32 $execute0_lowered;
	[smem:$0x3FD2] =	sst s25  }
0xac: {  	s7 =	sshll.u32 s26, $0x1;
	_ =	strace $0x80000046;
	[dreg:$0x1] =	wrdreg $0xFFFFFFFF  }
0xad: {  	s28 =	simm.s32 $_size_execute0_lowered;
	s5 =	sadd.s32 s5, s7;
	[dreg:$0x0] =	wrdreg $0x0  }
0xae: {  	s7 =	sshll.u32 s28, $0x1;
	[dreg:$0x2] =	wrdreg s5  }
0xaf: {  	[dreg:$0x3] =	wrdreg s7  }
0xb0: {  	[dreg:$0x4] =	wrdreg $0xC0  }
0xb1: {  	_ =	task [dreg:s9], $0x5FFFF  }
0xb2: {  	[dreg:$0x1] =	wrdreg $0xFFFFFFFF  }
0xb3: {  	[dreg:$0x0] =	wrdreg $0x60  }
0xb4: {  	[dreg:$0x2] =	wrdreg s16  }
0xb5: {  	[dreg:$0x3] =	wrdreg s18  }
0xb6: {  	[dreg:$0x4] =	wrdreg s17  }
0xb7: {  	[dreg:$0x5] =	wrdreg s24  }
0xb8: {  	[dreg:$0x6] =	wrdreg $0x37800  }
0xb9: {  	[dreg:$0x7] =	wrdreg $0x9  }
0xba: {  	_ =	task.clear_ibuf [dreg:s9], $0x8FFFF;
	_ =	strace $0x90000046  }
0xbb: {  	s29 =	simm.s32 $0x9;
	_ =	strace $0x80000048  }
0xbc: {  	_ =	swait.ge [sflag:s29], $0x1  }
0xbd: {  	[sflag:s29] =	ssyncadd.s32 $0xFFFFFFFF  }
0xbe: {  	_ =	strace $0x90000048  }
0xbf: {  	_ =	sfence  }
0xc0: {  	s30 =	sld [smem:$0x0];
	_ =	sdelay $0x2  }
0xc1: {  	s31 =	sshll.u32 s1, $0xD;
	s1 =	sshrl.u32 s1, $0x2  }
0xc2: {  	s3 =	sand.u32 $0x4000, s31;
	s1 =	sadd.s32 s1, s30  }
0xc3: {  	s0 =	sor.u32 s3, s0;
	s1 =	sshll.u32 s1, $0x11  }
0xc4: {  	s0 =	sor.u32 s1, s0  }
0xc5: {  	s0 =	sadd.s32 $0x8F2B, s0  }
0xc6: {  	[sflag:s0] =	ssyncadd.remote.s32 $0x1  }
0xc7: {  	_ =	sfence.sel $0xFFFF  }
0xc8: {  	[dreg:$0x0] =	wrdreg $0xFFFFFFFF;
	(pc) =	sbr.abs _section_cstart, $3  }
0xc9: {  	[dreg:$0x1] =	wrdreg $0xFFFFFFFF  }
0xca: {  	_ =	task.clear_ibuf [dreg:s9], $0x2FFFF;
	_ =	strace $0x9FFFFFFF  }
0xcb: {  	(tm) =	ssettm $0x7FFFFFFF  }
tec
execute0_lowered:
.L_overlay_start_1:
0x0: {  	(tag) =	ssettag $0x1  }
0x1: {  	s7 =	rddreg [dreg:$0x0]  }
0x2: {  	s1 =	rddreg [dreg:$0x1]  }
0x3: {  	s2 =	rddreg [dreg:$0x2]  }
0x4: {  	s3 =	srdreg.scid;
	s6 =	rddreg [dreg:$0x3]  }
0x5: {  	s0 =	stileid.u32;
	s4 =	rddreg [dreg:$0x4];
	s5 =	simm.s32 $0x0  }
0x6: {  	s15 =	simm.s32 $0x2500;
	s18 =	simm.s32 $0x0;
	s9 =	smul.u32 $0x14000, s0  }
0x7: {  	s8 =	sand.u32 $0x1, s3;
	s3 =	rddreg [dreg:$0x5];
	s11 =	smul.u32 $0x4940, s0  }
0x8: {  	[smem:$0x7FF] =	sst s5;
	s16 =	smul.u32 $0x140000, s8;
	s8 =	ssub.s32 $0x2, s8  }
0x9: {  	s30 =	sshll.u32 s0, $0x6;
	_ =	strace $0x80000047;
	s29 =	sshrl.u32 s8, $0x1  }
0xa: {  	s31 =	sshrl.u32 s11, $0x3;
	s14 =	sadd.s32 s9, s4;
	s10 =	sadd.s32 s9, s16  }
0xb: {  	s13 =	ssub.s32 s8, s29;
	s7 =	sadd.s32 s7, s31;
	s17 =	sadd.s32 $0x140000, s16  }
0xc: {  	v0 =	vmov s16;
	s16 =	simm.s32 $0x1250;
	s10 =	sshrl.u32 s10, $0x3;
	s8 =	sadd.s32 $0x24A, s7  }
0xd: {  	s9 =	sadd.s32 $0x494, s7;
	v1 =	vmov s17;
	s17 =	simm.s32 $0x1280;
	s12 =	sadd.s32 s10, s6  }
0xe: {  	s6 =	sor.u32 $0x1C01, s30;
	s10 =	sadd.s32 $0x6DE, s7;
	s11 =	sadd.s32 $0x1400, s12  }
0xf: {  	s12 =	smax.u32 s13, $0x1;
	s13 =	sshrl.u32 s14, $0x3;
	s14 =	simm.s32 $0x1  }
.LBB2_1:
0x10: {  	[spmem:s13], [sflag:s6] =	dma.local [hbm:s2], $0x2800  }
0x11: {  	_ =	swait.ge [sflag:s14], $0x2800  }
0x12: {  	[sflag:s14] =	ssyncset.done $0x0  }
0x13: {  	[sflag:s14] =	ssyncadd.s32 $0xFFFFD800  }
0x14: {  	[tilespmem:s15], [sflag:$0x1] =	stream.linear.gather [hbm4b:s1+s5], $0x1280, $0x38;
	[tilespmem:$0x17788] =	vst v63  }
0x15: {  	_ =	swait.ge [sflag:s14], $0x1280  }
0x16: {  	[sflag:s14] =	ssyncset.done $0x0  }
0x17: {  	[sflag:s14] =	ssyncadd.s32 $0xFFFFED80  }
0x18: {  	[bflag:$0x0] =	sbarrier.arrive $0xFFFF  }
0x19: {  	[tilespmem:s5], [sflag:$0x1] =	stream.linear.gather [hbm4b:s7+s5], $0x1250, $0x38;
	[tilespmem:$0x17788] =	vst v63  }
0x1a: {  	_ =	swait.ge [sflag:s14], $0x1250  }
0x1b: {  	[sflag:s14] =	ssyncset.done $0x0  }
0x1c: {  	s19 =	simm.s32 $0x0;
	[sflag:s14] =	ssyncadd.s32 $0xFFFFEDB0  }
0x1d: {  	s20 =	simm.s32 $0x40;
	v2 =	vld [tilespmem:s19+$0x0]  }
.LBB2_2:
0x1e: {  	_ =	sdelay $0x1  }
0x1f: {  	p0 =	sne.s32 s20, $0x4900  }
.Ltmp0:
0x20: {  	_ = 	snop;
	(pc) =	sbr.rel @p0 .LBB2_2-.Ltmp0, $4  }
0x21: {  	vm0 =	vge.s32 v2, v0;
	vm1 =	vlt.s32 v2, v1  }
0x22: {  	v3 =	vsub.s32 v2, v0;
	vm0 =	vmand vm0, vm1  }
0x23: {  	s21 =	sshra.s32 s20, $0x2;
	v3 =	vnsel vm0, $0x140000, v3  }
0x24: {  	s20 =	sadd.s32 $0x40, s20;
	v2 =	vld [tilespmem:s21+$0x0];
	[tilespmem:s19+$0x1280] =	vst v3;
	s19 =	smov.u32 s21  }
0x25: {  	_ =	sdelay $0x3  }
0x26: {  	vm0 =	vge.s32 v2, v0;
	vm1 =	vlt.s32 v2, v1  }
0x27: {  	v2 =	vsub.s32 v2, v0;
	vm0 =	vmand vm0, vm1  }
0x28: {  	v2 =	vnsel vm0, $0x140000, v2  }
0x29: {  	[tilespmem:s19+$0x1280] =	vst v2  }
0x2a: {  	[spmem:s4] =	stream.indirect.scatter.add.f32 [tilespmem:s15], [sflag:$0x1], $0x1, s17, s16, $0xb8;
	[tilespmem:$0x17788] =	vst v63  }
0x2b: {  	_ =	swait.ge [sflag:s14], $0x1250  }
0x2c: {  	[sflag:s14] =	ssyncset.done $0x0  }
0x2d: {  	s31 =	simm.s32 $0x0;
	[sflag:s14] =	ssyncadd.s32 $0xFFFFEDB0  }
0x2e: {  	[tilespmem:s31], [sflag:$0x1] =	stream.linear.gather [hbm4b:s8+s31], $0x1250, $0x38;
	[tilespmem:$0x17788] =	vst v63  }
0x2f: {  	_ =	swait.ge [sflag:s14], $0x1250  }
0x30: {  	[sflag:s14] =	ssyncset.done $0x0  }
0x31: {  	s19 =	simm.s32 $0x0;
	[sflag:s14] =	ssyncadd.s32 $0xFFFFEDB0  }
0x32: {  	s20 =	simm.s32 $0x40;
	v2 =	vld [tilespmem:s19+$0x0]  }
.LBB2_4:
0x33: {  	_ =	sdelay $0x1  }
0x34: {  	p0 =	sne.s32 s20, $0x4900  }
.Ltmp1:
0x35: {  	_ = 	snop;
	(pc) =	sbr.rel @p0 .LBB2_4-.Ltmp1, $4  }
0x36: {  	vm0 =	vge.s32 v2, v0;
	vm1 =	vlt.s32 v2, v1  }
0x37: {  	v3 =	vsub.s32 v2, v0;
	vm0 =	vmand vm0, vm1  }
0x38: {  	s21 =	sshra.s32 s20, $0x2;
	v3 =	vnsel vm0, $0x140000, v3  }
0x39: {  	s20 =	sadd.s32 $0x40, s20;
	v2 =	vld [tilespmem:s21+$0x0];
	[tilespmem:s19+$0x1280] =	vst v3;
	s19 =	smov.u32 s21  }
0x3a: {  	_ =	sdelay $0x3  }
0x3b: {  	vm0 =	vge.s32 v2, v0;
	vm1 =	vlt.s32 v2, v1  }
0x3c: {  	v2 =	vsub.s32 v2, v0;
	vm0 =	vmand vm0, vm1  }
0x3d: {  	v2 =	vnsel vm0, $0x140000, v2  }
0x3e: {  	[tilespmem:s19+$0x1280] =	vst v2  }
0x3f: {  	[spmem:s4] =	stream.indirect.scatter.add.f32 [tilespmem:s15], [sflag:$0x1], $0x1, s17, s16, $0xb8;
	[tilespmem:$0x17788] =	vst v63  }
0x40: {  	_ =	swait.ge [sflag:s14], $0x1250  }
0x41: {  	[sflag:s14] =	ssyncset.done $0x0  }
0x42: {  	s31 =	simm.s32 $0x0;
	[sflag:s14] =	ssyncadd.s32 $0xFFFFEDB0  }
0x43: {  	[tilespmem:s31], [sflag:$0x1] =	stream.linear.gather [hbm4b:s9+s31], $0x1250, $0x38;
	[tilespmem:$0x17788] =	vst v63  }
0x44: {  	_ =	swait.ge [sflag:s14], $0x1250  }
0x45: {  	[sflag:s14] =	ssyncset.done $0x0  }
0x46: {  	s19 =	simm.s32 $0x0;
	[sflag:s14] =	ssyncadd.s32 $0xFFFFEDB0  }
0x47: {  	s20 =	simm.s32 $0x40;
	v2 =	vld [tilespmem:s19+$0x0]  }
.LBB2_6:
0x48: {  	_ =	sdelay $0x1  }
0x49: {  	p0 =	sne.s32 s20, $0x4900  }
.Ltmp2:
0x4a: {  	_ = 	snop;
	(pc) =	sbr.rel @p0 .LBB2_6-.Ltmp2, $4  }
0x4b: {  	vm0 =	vge.s32 v2, v0;
	vm1 =	vlt.s32 v2, v1  }
0x4c: {  	v3 =	vsub.s32 v2, v0;
	vm0 =	vmand vm0, vm1  }
0x4d: {  	s21 =	sshra.s32 s20, $0x2;
	v3 =	vnsel vm0, $0x140000, v3  }
0x4e: {  	s20 =	sadd.s32 $0x40, s20;
	v2 =	vld [tilespmem:s21+$0x0];
	[tilespmem:s19+$0x1280] =	vst v3;
	s19 =	smov.u32 s21  }
0x4f: {  	_ =	sdelay $0x3  }
0x50: {  	vm0 =	vge.s32 v2, v0;
	vm1 =	vlt.s32 v2, v1  }
0x51: {  	v2 =	vsub.s32 v2, v0;
	vm0 =	vmand vm0, vm1  }
0x52: {  	v2 =	vnsel vm0, $0x140000, v2  }
0x53: {  	[tilespmem:s19+$0x1280] =	vst v2  }
0x54: {  	[spmem:s4] =	stream.indirect.scatter.add.f32 [tilespmem:s15], [sflag:$0x1], $0x1, s17, s16, $0xb8;
	[tilespmem:$0x17788] =	vst v63  }
0x55: {  	_ =	swait.ge [sflag:s14], $0x1250  }
0x56: {  	[sflag:s14] =	ssyncset.done $0x0  }
0x57: {  	s31 =	simm.s32 $0x0;
	[sflag:s14] =	ssyncadd.s32 $0xFFFFEDB0  }
0x58: {  	[tilespmem:s31], [sflag:$0x1] =	stream.linear.gather [hbm4b:s10+s31], $0x1250, $0x38;
	[tilespmem:$0x17788] =	vst v63  }
0x59: {  	_ =	swait.ge [sflag:s14], $0x1250  }
0x5a: {  	[sflag:s14] =	ssyncset.done $0x0  }
0x5b: {  	s19 =	simm.s32 $0x0;
	[sflag:s14] =	ssyncadd.s32 $0xFFFFEDB0  }
0x5c: {  	s20 =	simm.s32 $0x40;
	v2 =	vld [tilespmem:s19+$0x0]  }
.LBB2_8:
0x5d: {  	_ =	sdelay $0x1  }
0x5e: {  	p0 =	sne.s32 s20, $0x4900  }
.Ltmp3:
0x5f: {  	_ = 	snop;
	(pc) =	sbr.rel @p0 .LBB2_8-.Ltmp3, $4  }
0x60: {  	vm0 =	vge.s32 v2, v0;
	vm1 =	vlt.s32 v2, v1  }
0x61: {  	v3 =	vsub.s32 v2, v0;
	vm0 =	vmand vm0, vm1  }
0x62: {  	s21 =	sshra.s32 s20, $0x2;
	v3 =	vnsel vm0, $0x140000, v3  }
0x63: {  	s20 =	sadd.s32 $0x40, s20;
	v2 =	vld [tilespmem:s21+$0x0];
	[tilespmem:s19+$0x1280] =	vst v3;
	s19 =	smov.u32 s21  }
0x64: {  	_ =	sdelay $0x3  }
0x65: {  	vm0 =	vge.s32 v2, v0;
	vm1 =	vlt.s32 v2, v1  }
0x66: {  	v2 =	vsub.s32 v2, v0;
	vm0 =	vmand vm0, vm1  }
0x67: {  	v2 =	vnsel vm0, $0x140000, v2  }
0x68: {  	[tilespmem:s19+$0x1280] =	vst v2  }
0x69: {  	[spmem:s4] =	stream.indirect.scatter.add.f32 [tilespmem:s15], [sflag:$0x1], $0x1, s17, s16, $0xb8;
	[tilespmem:$0x17788] =	vst v63  }
0x6a: {  	_ =	swait.ge [sflag:s14], $0x1250  }
0x6b: {  	s18 =	sadd.s32 $0x1, s18;
	[sflag:s14] =	ssyncset.done $0x0  }
0x6c: {  	p0 =	sne.s32 s18, s12;
	[sflag:s14] =	ssyncadd.s32 $0xFFFFEDB0  }
.Ltmp4:
0x6d: {  	[bflag:$0x0] =	sbarrier.arrive $0xFFFF;
	(pc) =	sbr.rel @p0 .LBB2_1-.Ltmp4, $4  }
0x6e: {  	[hbm:s11], [sflag:s6] =	dma.local [spmem:s13], $0x2800  }
0x6f: {  	_ =	swait.ge [sflag:s14], $0x2800  }
0x70: {  	[sflag:s14] =	ssyncset.done $0x0  }
0x71: {  	[sflag:s14] =	ssyncadd.s32 $0xFFFFD800  }
0x72: {  	_ =	sfence.sel $0x180000  }
0x73: {  	[bflag:$0x0] =	sbarrier.arrive $0xFFFF  }
0x74: {  	p0 =	sne.s32 s0, $0x0;
	_ =	strace $0x90000047  }
0x75: {  	s0 =	sadd.s32 @!p0 $0x100000, s3;
	[bflag:$0x2] =	sbarrier.arrive $0xFFFF  }
0x76: {  	[sflag:s0] =	ssyncadd.tile.s32 @!p0 $0x1;
	_ =	shalt  }
.Lfunc_end2:
_tile_overlayer_lowered:
.L_overlay_start_2:
0x77: {  	(tag) =	ssettag $0x2  }
0x78: {  	s0 =	rddreg [dreg:$0x0];
	s2 =	stileid.u32  }
0x79: {  	s1 =	rddreg [dreg:$0x1];
	p0 =	sne.s32 s2, $0x0  }
0x7a: {  	s3 =	rddreg [dreg:$0x2];
	[bflag:$0x3] =	sbarrier.arrive $0xFFFF;
	s2 =	simm.s32 @!p0 $0x1C01  }
0x7b: {  	[timem:s3], [sflag:s2] =	dma.local @!p0 [hbm:s0], s1  }
0x7c: {  	s0 =	simm.s32 @!p0 $0x1  }
0x7d: {  	_ =	swait.ge @!p0 [sflag:s0], s1  }
0x7e: {  	s1 =	ssub.s32 @!p0 $0x0, s1;
	[sflag:s0] =	ssyncset.done @!p0 $0x0  }
0x7f: {  	[sflag:s0] =	ssyncadd.s32 @!p0 s1  }
0x80: {  	[bflag:$0x3] =	sbarrier.arrive $0xFFFF  }
0x81: {  	_ =	shalt  }

</sc_bundles>
